<compile_context>
chip_gen: v7x
topology: tpu7x:2x2x1
jax: 0.10.2.dev20260603
libtpu: 0.0.44.dev20260713+nightly
codegen_flags: <defaults>
</compile_context>

<pallas_src>
import functools

import jax
import jax.numpy as jnp
from jax import lax
from jax.experimental import pallas as pl
from jax.experimental.pallas import tpu as pltpu
from jax.experimental.pallas import tpu_sc as plsc

N = 10000
NP = 10240
E = 320000
NC = 2
NS = 16
NW = NC * NS
EW = E // NW
K = 80
ROWS_PER_TILE = NP // NS


def _make_scatter(W):
  mesh = plsc.VectorSubcoreMesh(core_axis_name="c", subcore_axis_name="s")

  @functools.partial(
      pl.kernel,
      out_type=jax.ShapeDtypeStruct((NC, NP, W), jnp.float32),
      mesh=mesh,
      scratch_types=(
          [pltpu.VMEM((K,), jnp.int32)] * 4
          + [pltpu.VMEM((K,), jnp.int32)] * 4
          + [pltpu.VMEM((K, W), jnp.float32)] * 4
          + [pltpu.VMEM_SHARED((NP, W), jnp.float32)]
          + [pltpu.SemaphoreType.DMA] * 12
      ),
  )
  def scatter_kernel(u_hbm, src_hbm, dst_hbm, zeros_hbm, out_hbm, *scr):
    sidx = scr[0:4]
    didx = scr[4:8]
    rows = scr[8:12]
    acc = scr[12]
    sem_g = scr[13:17]
    sem_s = scr[17:21]
    sem_i = scr[21:25]
    c = lax.axis_index("c")
    s = lax.axis_index("s")
    stripe = pl.ds(s * ROWS_PER_TILE, ROWS_PER_TILE)
    base0 = (c * NS + s) * EW

    def issue_idx(i, q):
      pltpu.async_copy(src_hbm.at[pl.ds(base0 + i * K, K)], sidx[q], sem_i[q])
      pltpu.async_copy(dst_hbm.at[pl.ds(base0 + i * K, K)], didx[q], sem_i[q])

    def wait_idx(q):
      pltpu.make_async_copy(src_hbm.at[pl.ds(base0, K)], sidx[q],
                            sem_i[q]).wait()
      pltpu.make_async_copy(dst_hbm.at[pl.ds(base0, K)], didx[q],
                            sem_i[q]).wait()

    def issue_gather(q):
      pltpu.async_copy(u_hbm.at[sidx[q]], rows[q], sem_g[q])

    def wait_gather(q):
      pltpu.make_async_copy(u_hbm.at[sidx[q]], rows[q], sem_g[q]).wait()

    def issue_scatter(q):
      pltpu.async_copy(rows[q], acc.at[didx[q]], sem_s[q], add=True)

    def wait_scatter(q):
      pltpu.make_async_copy(rows[q], acc.at[didx[q]], sem_s[q]).wait()

    issue_idx(0, 0)
    issue_idx(1, 1)
    pltpu.sync_copy(zeros_hbm, acc.at[stripe])
    wait_idx(0)
    issue_gather(0)
    plsc.subcore_barrier()

    def body(j, carry):
      for k in range(4):
        q = k
        q2 = (k + 2) % 4
        q3 = (k + 1) % 4
        wait_gather(q)
        issue_scatter(q)
        if k < 2:
          @pl.when(j > 0)
          def _(q2=q2):
            wait_scatter(q2)
          issue_idx(4 * j + k + 2, q2)
        elif k == 2:
          wait_scatter(q2)
          issue_idx(4 * j + k + 2, q2)
        else:
          wait_scatter(q2)
          @pl.when(j < 30)
          def _(q2=q2):
            issue_idx(4 * j + k + 2, q2)
        wait_idx(q3)
        issue_gather(q3)
      return carry

    lax.fori_loop(0, 31, body, 0)
    wait_gather(0)
    issue_scatter(0)
    wait_scatter(0)
    wait_scatter(2)
    wait_scatter(3)

    plsc.subcore_barrier()
    pltpu.sync_copy(acc.at[stripe], out_hbm.at[c, stripe])

  return scatter_kernel


def _make_degree():
  mesh = plsc.VectorSubcoreMesh(core_axis_name="c", subcore_axis_name="s")

  @functools.partial(
      pl.kernel,
      out_type=jax.ShapeDtypeStruct((NC, NP, 128), jnp.float32),
      mesh=mesh,
      scratch_types=[
          pltpu.VMEM((K,), jnp.int32),
          pltpu.VMEM((K,), jnp.int32),
          pltpu.VMEM((K, 128), jnp.float32),
          pltpu.VMEM_SHARED((NP, 128), jnp.float32),
          pltpu.SemaphoreType.DMA,
          pltpu.SemaphoreType.DMA,
      ],
  )
  def degree_kernel(dst_hbm, zeros_hbm, ones_hbm, out_hbm,
                    didx_a, didx_b, ones_v, acc, sem_sa, sem_sb):
    c = lax.axis_index("c")
    s = lax.axis_index("s")
    stripe = pl.ds(s * ROWS_PER_TILE, ROWS_PER_TILE)
    base0 = (c * NS + s) * EW
    n_iters = EW // K
    pltpu.sync_copy(dst_hbm.at[pl.ds(base0, K)], didx_a)
    pltpu.sync_copy(dst_hbm.at[pl.ds(base0 + K, K)], didx_b)
    pltpu.sync_copy(ones_hbm, ones_v)
    pltpu.sync_copy(zeros_hbm, acc.at[stripe])
    plsc.subcore_barrier()

    pltpu.async_copy(ones_v, acc.at[didx_a], sem_sa, add=True)
    pltpu.async_copy(ones_v, acc.at[didx_b], sem_sb, add=True)

    def body(j, carry):
      pltpu.make_async_copy(ones_v, acc.at[didx_a], sem_sa).wait()
      pltpu.sync_copy(dst_hbm.at[pl.ds(base0 + (2 * j + 2) * K, K)], didx_a)
      pltpu.async_copy(ones_v, acc.at[didx_a], sem_sa, add=True)
      pltpu.make_async_copy(ones_v, acc.at[didx_b], sem_sb).wait()
      pltpu.sync_copy(dst_hbm.at[pl.ds(base0 + (2 * j + 3) * K, K)], didx_b)
      pltpu.async_copy(ones_v, acc.at[didx_b], sem_sb, add=True)
      return carry

    lax.fori_loop(0, 61, body, 0)
    pltpu.make_async_copy(ones_v, acc.at[didx_a], sem_sa).wait()
    pltpu.sync_copy(dst_hbm.at[pl.ds(base0 + (n_iters - 1) * K, K)], didx_a)
    pltpu.async_copy(ones_v, acc.at[didx_a], sem_sa, add=True)
    pltpu.make_async_copy(ones_v, acc.at[didx_a], sem_sa).wait()
    pltpu.make_async_copy(ones_v, acc.at[didx_b], sem_sb).wait()
    plsc.subcore_barrier()
    pltpu.sync_copy(acc.at[stripe], out_hbm.at[c, stripe])

  return degree_kernel


_scatter128 = _make_scatter(128)
_degree = _make_degree()


def _tc_a0(x, w_in, R=1000):
  def body(x_ref, w_ref, h_ref):
    h_ref[...] = jnp.dot(x_ref[...], w_ref[...],
                         preferred_element_type=jnp.float32)

  return pl.pallas_call(
      body,
      grid=(N // R,),
      in_specs=[
          pl.BlockSpec((R, 128), lambda i: (i, 0)),
          pl.BlockSpec((128, 128), lambda i: (0, 0)),
      ],
      out_specs=pl.BlockSpec((R, 128), lambda i: (i, 0)),
      out_shape=jax.ShapeDtypeStruct((N, 128), jnp.float32),
  )(x, w_in)


def _tc_a1(h_in, deg, R=1000):
  def body(h_ref, dg_ref, u1_ref, dis_ref):
    deg = dg_ref[0][:, 0:1] + dg_ref[1][:, 0:1] + 1.0
    dis = lax.rsqrt(deg)
    u1_ref[...] = h_ref[...] * dis
    dis_ref[...] = jnp.broadcast_to(dis, (R, 8))

  return pl.pallas_call(
      body,
      grid=(N // R,),
      in_specs=[
          pl.BlockSpec((R, 128), lambda i: (i, 0)),
          pl.BlockSpec((2, R, 128), lambda i: (0, i, 0)),
      ],
      out_specs=[
          pl.BlockSpec((R, 128), lambda i: (i, 0)),
          pl.BlockSpec((R, 8), lambda i: (i, 0)),
      ],
      out_shape=[
          jax.ShapeDtypeStruct((N, 128), jnp.float32),
          jax.ShapeDtypeStruct((N, 8), jnp.float32),
      ],
  )(h_in, deg)


def _tc_b(agg1, u1, dis8, b_in, w1, R=1000):
  def body(ag_ref, u1_ref, dis_ref, bin_ref, w1_ref, h1_ref, u2_ref):
    dis = dis_ref[:, 0:1]
    h1 = dis * (ag_ref[0] + ag_ref[1] + u1_ref[...]) + bin_ref[...]
    h1 = jnp.maximum(h1, 0.0)
    h1_ref[...] = h1
    u2_ref[...] = jnp.dot(h1, w1_ref[...],
                          preferred_element_type=jnp.float32) * dis

  return pl.pallas_call(
      body,
      grid=(N // R,),
      in_specs=[
          pl.BlockSpec((2, R, 128), lambda i: (0, i, 0)),
          pl.BlockSpec((R, 128), lambda i: (i, 0)),
          pl.BlockSpec((R, 8), lambda i: (i, 0)),
          pl.BlockSpec((1, 128), lambda i: (0, 0)),
          pl.BlockSpec((128, 128), lambda i: (0, 0)),
      ],
      out_specs=[
          pl.BlockSpec((R, 128), lambda i: (i, 0)),
          pl.BlockSpec((R, 128), lambda i: (i, 0)),
      ],
      out_shape=[
          jax.ShapeDtypeStruct((N, 128), jnp.float32),
          jax.ShapeDtypeStruct((N, 128), jnp.float32),
      ],
  )(agg1, u1, dis8, b_in, w1)


def _lstm_cell(g, c_prev):
  i = jax.nn.sigmoid(g[:, 0:128])
  f = jax.nn.sigmoid(g[:, 128:256])
  gg = jnp.tanh(g[:, 256:384])
  o = jax.nn.sigmoid(g[:, 384:512])
  c = f * c_prev + i * gg
  return o * jnp.tanh(c), c


def _tc_c(agg2, u2, h1, dis8, b1,
          wihf, whhf, bf, wihb, whhb, bb, wf, wb, w_out, R=1000):
  def body(ag_ref, u2_ref, h1_ref, dis_ref, b1_ref,
           wihf_ref, whhf_ref, bf_ref, wihb_ref, whhb_ref, bb_ref,
           wf_ref, wb_ref, wo_ref, u3_ref):
    dis = dis_ref[:, 0:1]
    h2 = dis * (ag_ref[0] + ag_ref[1] + u2_ref[...]) + b1_ref[...]
    h2 = jnp.maximum(h2, 0.0)
    h1 = h1_ref[...]

    def mm(a, b):
      return jnp.dot(a, b, preferred_element_type=jnp.float32)

    def mmb(a, b_ref):
      return jnp.dot(a.astype(jnp.bfloat16),
                     b_ref[...].astype(jnp.bfloat16),
                     preferred_element_type=jnp.float32)

    hf0, cf0 = _lstm_cell(mmb(h1, wihf_ref) + bf_ref[...], 0.0)
    hf1, _ = _lstm_cell(mmb(h2, wihf_ref) + mmb(hf0, whhf_ref)
                        + bf_ref[...], cf0)
    hb0, cb0 = _lstm_cell(mmb(h2, wihb_ref) + bb_ref[...], 0.0)
    hb1, _ = _lstm_cell(mmb(h1, wihb_ref) + mmb(hb0, whhb_ref)
                        + bb_ref[...], cb0)
    a0 = mm(hf0, wf_ref[...]) + mm(hb1, wb_ref[...])
    a1 = mm(hf1, wf_ref[...]) + mm(hb0, wb_ref[...])
    alpha = jax.nn.sigmoid(a0[:, 0:1] - a1[:, 0:1])
    h3 = alpha * h1 + (1.0 - alpha) * h2
    u3_ref[...] = mm(h3, wo_ref[...]) * dis

  return pl.pallas_call(
      body,
      grid=(N // R,),
      in_specs=[
          pl.BlockSpec((2, R, 128), lambda i: (0, i, 0)),
          pl.BlockSpec((R, 128), lambda i: (i, 0)),
          pl.BlockSpec((R, 128), lambda i: (i, 0)),
          pl.BlockSpec((R, 8), lambda i: (i, 0)),
          pl.BlockSpec((1, 128), lambda i: (0, 0)),
          pl.BlockSpec((128, 512), lambda i: (0, 0)),
          pl.BlockSpec((128, 512), lambda i: (0, 0)),
          pl.BlockSpec((1, 512), lambda i: (0, 0)),
          pl.BlockSpec((128, 512), lambda i: (0, 0)),
          pl.BlockSpec((128, 512), lambda i: (0, 0)),
          pl.BlockSpec((1, 512), lambda i: (0, 0)),
          pl.BlockSpec((128, 8), lambda i: (0, 0)),
          pl.BlockSpec((128, 8), lambda i: (0, 0)),
          pl.BlockSpec((128, 128), lambda i: (0, 0)),
      ],
      out_specs=pl.BlockSpec((R, 128), lambda i: (i, 0)),
      out_shape=jax.ShapeDtypeStruct((N, 128), jnp.float32),
  )(agg2, u2, h1, dis8, b1,
    wihf, whhf, bf, wihb, whhb, bb, wf, wb, w_out)


def _tc_d(agg3, u3, dis8, b_out, R=1000):
  def body(ag_ref, u3_ref, dis_ref, bo_ref, out_ref):
    dis = dis_ref[:, 0:1]
    full = dis * (ag_ref[0] + ag_ref[1] + u3_ref[...])
    out_ref[...] = full[:, 0:40] + bo_ref[...]

  return pl.pallas_call(
      body,
      grid=(N // R,),
      in_specs=[
          pl.BlockSpec((2, R, 128), lambda i: (0, i, 0)),
          pl.BlockSpec((R, 128), lambda i: (i, 0)),
          pl.BlockSpec((R, 8), lambda i: (i, 0)),
          pl.BlockSpec((1, 40), lambda i: (0, 0)),
      ],
      out_specs=pl.BlockSpec((R, 40), lambda i: (i, 0)),
      out_shape=jax.ShapeDtypeStruct((N, 40), jnp.float32),
  )(agg3, u3, dis8, b_out)


@jax.jit
def kernel(x, edge_index, params):
  src = edge_index[0]
  dst = edge_index[1]

  w_in = params["in_gc"]["W"]
  b_in = params["in_gc"]["b"][None, :]
  w1 = params["gc1"]["W"]
  b1 = params["gc1"]["b"][None, :]
  w_out = jnp.pad(params["out_gc"]["W"], ((0, 0), (0, 88)))
  b_out = params["out_gc"]["b"][None, :]
  lp = params["out_jk"]["lstm"]
  wihf = lp["Wih_f"].T
  whhf = lp["Whh_f"].T
  bf = (lp["bih_f"] + lp["bhh_f"])[None, :]
  wihb = lp["Wih_b"].T
  whhb = lp["Whh_b"].T
  bb = (lp["bih_b"] + lp["bhh_b"])[None, :]
  att = params["out_jk"]["att_W"]
  wf = jnp.pad(att[:, :128].T, ((0, 0), (0, 7)))
  wb = jnp.pad(att[:, 128:].T, ((0, 0), (0, 7)))

  ones128 = jnp.ones((K, 128), jnp.float32)
  zeros128 = jnp.zeros((ROWS_PER_TILE, 128), jnp.float32)

  h_in = _tc_a0(x, w_in)
  deg = _degree(dst, zeros128, ones128)
  u1, dis8 = _tc_a1(h_in, deg)
  agg1 = _scatter128(u1, src, dst, zeros128)
  h1, u2 = _tc_b(agg1, u1, dis8, b_in, w1)
  agg2 = _scatter128(u2, src, dst, zeros128)
  u3 = _tc_c(agg2, u2, h1, dis8, b1,
             wihf, whhf, bf, wihb, whhb, bb, wf, wb, w_out)
  agg3 = _scatter128(u3, src, dst, zeros128)
  return _tc_d(agg3, u3, dis8, b_out)

# --- scband reference (transcript-rebuilt; emitter-appended) ---
"""Pipeline reference for scband-uniq-gcn-9723805958219 (READ-ONLY COPY).

The authoritative reference and input builder live on the scoring server;
editing this copy changes nothing except your own understanding.
"""

import jax, jax.numpy as jnp
import numpy as np

N_NODES = 10000
N_EDGES = 320000
N_FEAT = 128
N_HID = 128
N_CLASS = 40


def _uni(key, shape, s):
    return jax.random.uniform(key, shape, jnp.float32, -s, s)


def _lstm_params(key, C, H):
    ks = jax.random.split(key, 8)
    s = 1.0 / np.sqrt(H)
    return {
        "Wih_f": _uni(ks[0], (4 * H, C), s), "Whh_f": _uni(ks[1], (4 * H, H), s),
        "bih_f": _uni(ks[2], (4 * H,), s), "bhh_f": _uni(ks[3], (4 * H,), s),
        "Wih_b": _uni(ks[4], (4 * H, C), s), "Whh_b": _uni(ks[5], (4 * H, H), s),
        "bih_b": _uni(ks[6], (4 * H,), s), "bhh_b": _uni(ks[7], (4 * H,), s),
    }


def _jk_params(key, C, num_layers):
    H = (num_layers * C) // 2
    k1, k2 = jax.random.split(key)
    s = np.sqrt(6.0 / (2 * H + 1))
    return {"lstm": _lstm_params(k1, C, H),
            "att_W": _uni(k2, (1, 2 * H), s),
            "att_b": jnp.zeros((1,), jnp.float32)}


def _gcn_params(key, cin, cout):
    s = np.sqrt(6.0 / (cin + cout))
    return {"W": _uni(key, (cin, cout), s), "b": jnp.zeros((cout,), jnp.float32)}


def setup_inputs(seed: int = 0):
    key = jax.random.key(seed)
    ks = jax.random.split(key, 8)
    x = jax.random.normal(ks[0], (N_NODES, N_FEAT), jnp.float32)
    edge_index = jax.random.randint(ks[1], (2, N_EDGES), 0, N_NODES, dtype=jnp.int32)
    params = {
        "in_gc": _gcn_params(ks[2], N_FEAT, N_HID),
        "jk1": _jk_params(ks[3], N_HID, 1),
        "gc1": _gcn_params(ks[4], N_HID, N_HID),
        "out_jk": _jk_params(ks[5], N_HID, 2),
        "out_gc": _gcn_params(ks[6], N_HID, N_CLASS),
    }
    return {"x": x, "edge_index": edge_index, "params": params}


def _gcn_conv(x, src, dst, p, n_nodes):
    # GCNConv: symmetric-normalized adjacency with added self-loops
    h = x @ p["W"]
    loop = jnp.arange(n_nodes, dtype=src.dtype)
    s = jnp.concatenate([src, loop])
    d = jnp.concatenate([dst, loop])
    deg = jax.ops.segment_sum(jnp.ones(s.shape[0], h.dtype), d, num_segments=n_nodes)
    dis = jnp.where(deg > 0, jax.lax.rsqrt(jnp.maximum(deg, 1e-12)), 0.0)
    norm = dis[s] * dis[d]
    msg = h[s] * norm[:, None]
    out = jax.ops.segment_sum(msg, d, num_segments=n_nodes)
    return out + p["b"]


def _lstm_dir(xseq, Wih, Whh, bih, bhh):
    # xseq: [L, N, C]; PyTorch gate order i, f, g, o
    H = Whh.shape[1]
    n = xseq.shape[1]

    def step(carry, xt):
        h, c = carry
        g = xt @ Wih.T + h @ Whh.T + bih + bhh
        i, f, gg, o = jnp.split(g, 4, axis=-1)
        i = jax.nn.sigmoid(i)
        f = jax.nn.sigmoid(f)
        gg = jnp.tanh(gg)
        o = jax.nn.sigmoid(o)
        c = f * c + i * gg
        h = o * jnp.tanh(c)
        return (h, c), h

    h0 = jnp.zeros((n, H), xseq.dtype)
    _, hs = jax.lax.scan(step, (h0, h0), xseq)
    return hs


def _jk_lstm(xs_list, p):
    # PyG JumpingKnowledge('lstm'): biLSTM attention over layer outputs
    x = jnp.stack(xs_list, axis=1)  # [N, L, C]
    xseq = jnp.transpose(x, (1, 0, 2))  # [L, N, C]
    lp = p["lstm"]
    hf = _lstm_dir(xseq, lp["Wih_f"], lp["Whh_f"], lp["bih_f"], lp["bhh_f"])
    hb = _lstm_dir(xseq[::-1], lp["Wih_b"], lp["Whh_b"], lp["bih_b"], lp["bhh_b"])[::-1]
    a = jnp.concatenate([hf, hb], axis=-1)  # [L, N, 2H]
    a = jnp.transpose(a, (1, 0, 2))  # [N, L, 2H]
    a = (a @ p["att_W"].T + p["att_b"])[..., 0]  # [N, L]
    a = jax.nn.softmax(a, axis=-1)
    return (x * a[..., None]).sum(axis=1)


def reference(x, edge_index, params):
    # dropout is identity at inference
    src, dst = edge_index[0], edge_index[1]
    n = x.shape[0]
    h = jax.nn.relu(_gcn_conv(x, src, dst, params["in_gc"], n))
    xs = [h]
    h = _jk_lstm(xs, params["jk1"])
    h = jax.nn.relu(_gcn_conv(h, src, dst, params["gc1"], n))
    xs.append(h)
    h = _jk_lstm(xs, params["out_jk"])
    return _gcn_conv(h, src, dst, params["out_gc"], n)

if __name__ == "__main__":
    import jax
    _d = setup_inputs()
    print(jax.jit(kernel)(*tuple(_d.values())))

</pallas_src>

<mosaic_0001>
#map = affine_map<(d0, d1) -> (0)>
#map1 = affine_map<(d0, d1) -> (0, 0)>
#map2 = affine_map<(d0, d1) -> (0, 0, 0)>
module attributes {stable_mosaic.version = 14 : i64} {
  func.func @degree_kernel(%arg0: i32, %arg1: i32, %arg2: memref<320000xi32, #tpu.memory_space<hbm>>, %arg3: memref<640x128xf32, #tpu.memory_space<hbm>>, %arg4: memref<80x128xf32, #tpu.memory_space<hbm>>, %arg5: memref<2x10240x128xf32, #tpu.memory_space<hbm>>, %arg6: memref<80xi32, #tpu.memory_space<vmem>>, %arg7: memref<80xi32, #tpu.memory_space<vmem>>, %arg8: memref<80x128xf32, #tpu.memory_space<vmem>>, %arg9: memref<10240x128xf32, #tpu.memory_space<vmem_shared>>, %arg10: memref<!tpu.dma_semaphore, #tpu.memory_space<semaphore_mem>>, %arg11: memref<!tpu.dma_semaphore, #tpu.memory_space<semaphore_mem>>) attributes {dimension_semantics = [#tpu.dimension_semantics<core_parallel>, #tpu.dimension_semantics<subcore_parallel>], iteration_bounds = array<i64: 2, 16>, scalar_prefetch = 0 : i64, scratch_operands = 6 : i64, tpu.core_type = #tpu.core_type<sc_vector_subcore>, window_params = [{transform_indices = #map}, {transform_indices = #map1}, {transform_indices = #map1}, {transform_indices = #map2}]} {
    %mul3A = arith.constant 640 : i32
    %mul3A_0 = arith.muli %arg1, %mul3A : i32
    %mul3A_1 = arith.constant 16 : i32
    %mul3A_2 = arith.muli %arg0, %mul3A_1 : i32
    %add3A = arith.addi %mul3A_2, %arg1 : i32
    %mul3A_3 = arith.constant 10000 : i32
    %mul3A_4 = arith.muli %add3A, %mul3A_3 : i32
    "tpu.region"() ({
      %run_scoped3A = tpu.sem_alloc : memref<!tpu.dma_semaphore, #tpu.memory_space<semaphore_mem>>
      %dma_start3A_31 = tpu.memref_slice %arg2[%mul3A_4] : memref<320000xi32, #tpu.memory_space<hbm>> -> memref<80xi32, #tpu.memory_space<hbm>>
      %dma_start3A_32 = tpu.memref_slice %arg2[%mul3A_4] : memref<320000xi32, #tpu.memory_space<hbm>> -> memref<80xi32, #tpu.memory_space<hbm>>
      tpu.enqueue_dma source(%dma_start3A_32 : memref<80xi32, #tpu.memory_space<hbm>>) target(%arg6 : memref<80xi32, #tpu.memory_space<vmem>>) target_semaphore(%run_scoped3A : memref<!tpu.dma_semaphore, #tpu.memory_space<semaphore_mem>>)
      %dma_wait3A_33 = tpu.memref_slice %arg2[%mul3A_4] : memref<320000xi32, #tpu.memory_space<hbm>> -> memref<80xi32, #tpu.memory_space<hbm>>
      %dma_wait3A_34 = tpu.memref_slice %arg2[%mul3A_4] : memref<320000xi32, #tpu.memory_space<hbm>> -> memref<80xi32, #tpu.memory_space<hbm>>
      tpu.wait_dma2 semaphore(%run_scoped3A : memref<!tpu.dma_semaphore, #tpu.memory_space<semaphore_mem>>) src(%dma_wait3A_34 : memref<80xi32, #tpu.memory_space<hbm>>) dst(%arg6 : memref<80xi32, #tpu.memory_space<vmem>>)
      tpu.yield
    }) : () -> ()
    %add3A_5 = arith.constant 80 : i32
    %add3A_6 = arith.addi %mul3A_4, %add3A_5 : i32
    "tpu.region"() ({
      %run_scoped3A = tpu.sem_alloc : memref<!tpu.dma_semaphore, #tpu.memory_space<semaphore_mem>>
      %dma_start3A_31 = tpu.memref_slice %arg2[%add3A_6] : memref<320000xi32, #tpu.memory_space<hbm>> -> memref<80xi32, #tpu.memory_space<hbm>>
      %dma_start3A_32 = tpu.memref_slice %arg2[%add3A_6] : memref<320000xi32, #tpu.memory_space<hbm>> -> memref<80xi32, #tpu.memory_space<hbm>>
      tpu.enqueue_dma source(%dma_start3A_32 : memref<80xi32, #tpu.memory_space<hbm>>) target(%arg7 : memref<80xi32, #tpu.memory_space<vmem>>) target_semaphore(%run_scoped3A : memref<!tpu.dma_semaphore, #tpu.memory_space<semaphore_mem>>)
      %dma_wait3A_33 = tpu.memref_slice %arg2[%add3A_6] : memref<320000xi32, #tpu.memory_space<hbm>> -> memref<80xi32, #tpu.memory_space<hbm>>
      %dma_wait3A_34 = tpu.memref_slice %arg2[%add3A_6] : memref<320000xi32, #tpu.memory_space<hbm>> -> memref<80xi32, #tpu.memory_space<hbm>>
      tpu.wait_dma2 semaphore(%run_scoped3A : memref<!tpu.dma_semaphore, #tpu.memory_space<semaphore_mem>>) src(%dma_wait3A_34 : memref<80xi32, #tpu.memory_space<hbm>>) dst(%arg7 : memref<80xi32, #tpu.memory_space<vmem>>)
      tpu.yield
    }) : () -> ()
    "tpu.region"() ({
      %run_scoped3A = tpu.sem_alloc : memref<!tpu.dma_semaphore, #tpu.memory_space<semaphore_mem>>
      tpu.enqueue_dma source(%arg4 : memref<80x128xf32, #tpu.memory_space<hbm>>) target(%arg8 : memref<80x128xf32, #tpu.memory_space<vmem>>) target_semaphore(%run_scoped3A : memref<!tpu.dma_semaphore, #tpu.memory_space<semaphore_mem>>)
      tpu.wait_dma2 semaphore(%run_scoped3A : memref<!tpu.dma_semaphore, #tpu.memory_space<semaphore_mem>>) src(%arg4 : memref<80x128xf32, #tpu.memory_space<hbm>>) dst(%arg8 : memref<80x128xf32, #tpu.memory_space<vmem>>)
      tpu.yield
    }) : () -> ()
    "tpu.region"() ({
      %run_scoped3A = tpu.sem_alloc : memref<!tpu.dma_semaphore, #tpu.memory_space<semaphore_mem>>
      %dma_start3A_31 = arith.constant 0 : i32
      %dma_start3A_32 = tpu.memref_slice %arg9[%mul3A_0, %dma_start3A_31] : memref<10240x128xf32, #tpu.memory_space<vmem_shared>> -> memref<640x128xf32, #tpu.memory_space<vmem_shared>>
      tpu.enqueue_dma source(%arg3 : memref<640x128xf32, #tpu.memory_space<hbm>>) target(%dma_start3A_32 : memref<640x128xf32, #tpu.memory_space<vmem_shared>>) target_semaphore(%run_scoped3A : memref<!tpu.dma_semaphore, #tpu.memory_space<semaphore_mem>>)
      %dma_wait3A_33 = arith.constant 0 : i32
      %dma_wait3A_34 = tpu.memref_slice %arg9[%mul3A_0, %dma_wait3A_33] : memref<10240x128xf32, #tpu.memory_space<vmem_shared>> -> memref<640x128xf32, #tpu.memory_space<vmem_shared>>
      tpu.wait_dma2 semaphore(%run_scoped3A : memref<!tpu.dma_semaphore, #tpu.memory_space<semaphore_mem>>) src(%arg3 : memref<640x128xf32, #tpu.memory_space<hbm>>) dst(%dma_wait3A_34 : memref<640x128xf32, #tpu.memory_space<vmem_shared>>)
      tpu.yield
    }) : () -> ()
    %barrier3A = arith.constant 0 : index
    tpu.barrier barrier_id(%barrier3A)
    %dma_start3A = arith.constant 0 : i32
    %dma_start3A_7 = arith.constant 0 : i32
    %dma_start3A_8 = tpu.memref_slice %arg9[%dma_start3A, %dma_start3A_7] : memref<10240x128xf32, #tpu.memory_space<vmem_shared>> -> memref<10240x128xf32, #tpu.memory_space<vmem_shared>>
    tpu.enqueue_indirect_dma source(%arg8 : memref<80x128xf32, #tpu.memory_space<vmem>>) target(%dma_start3A_8 : memref<10240x128xf32, #tpu.memory_space<vmem_shared>>) offsets(%arg6 : memref<80xi32, #tpu.memory_space<vmem>>) semaphore(%arg10 : memref<!tpu.dma_semaphore, #tpu.memory_space<semaphore_mem>>) {add = true}
    %dma_start3A_9 = arith.constant 0 : i32
    %dma_start3A_10 = arith.constant 0 : i32
    %dma_start3A_11 = tpu.memref_slice %arg9[%dma_start3A_9, %dma_start3A_10] : memref<10240x128xf32, #tpu.memory_space<vmem_shared>> -> memref<10240x128xf32, #tpu.memory_space<vmem_shared>>
    tpu.enqueue_indirect_dma source(%arg8 : memref<80x128xf32, #tpu.memory_space<vmem>>) target(%dma_start3A_11 : memref<10240x128xf32, #tpu.memory_space<vmem_shared>>) offsets(%arg7 : memref<80xi32, #tpu.memory_space<vmem>>) semaphore(%arg11 : memref<!tpu.dma_semaphore, #tpu.memory_space<semaphore_mem>>) {add = true}
    %scan3A = arith.constant 0 : i32
    %scan3A_12 = arith.constant 0 : i32
    %scan3A_13 = arith.constant 61 : i32
    %scan3A_14 = arith.addi %scan3A_12, %scan3A_13 : i32
    %scan3A_15 = arith.constant 1 : i32
    scf.for %scan3A_31 = %scan3A_12 to %scan3A_14 step %scan3A_15  : i32 {
      %dma_wait3A_32 = arith.constant 0 : i32
      %dma_wait3A_33 = arith.constant 0 : i32
      %dma_wait3A_34 = tpu.memref_slice %arg9[%dma_wait3A_32, %dma_wait3A_33] : memref<10240x128xf32, #tpu.memory_space<vmem_shared>> -> memref<10240x128xf32, #tpu.memory_space<vmem_shared>>
      tpu.wait_indirect_dma semaphore(%arg10 : memref<!tpu.dma_semaphore, #tpu.memory_space<semaphore_mem>>) src(%arg8 : memref<80x128xf32, #tpu.memory_space<vmem>>) dst(%dma_wait3A_34 : memref<10240x128xf32, #tpu.memory_space<vmem_shared>>)
      %mul3A_35 = arith.constant 2 : i32
      %mul3A_36 = arith.muli %mul3A_35, %scan3A_31 : i32
      %add3A_37 = arith.constant 2 : i32
      %add3A_38 = arith.addi %mul3A_36, %add3A_37 : i32
      %mul3A_39 = arith.constant 80 : i32
      %mul3A_40 = arith.muli %add3A_38, %mul3A_39 : i32
      %add3A_41 = arith.addi %mul3A_4, %mul3A_40 : i32
      "tpu.region"() ({
        %run_scoped3A = tpu.sem_alloc : memref<!tpu.dma_semaphore, #tpu.memory_space<semaphore_mem>>
        %dma_start3A_58 = tpu.memref_slice %arg2[%add3A_41] : memref<320000xi32, #tpu.memory_space<hbm>> -> memref<80xi32, #tpu.memory_space<hbm>>
        %dma_start3A_59 = tpu.memref_slice %arg2[%add3A_41] : memref<320000xi32, #tpu.memory_space<hbm>> -> memref<80xi32, #tpu.memory_space<hbm>>
        tpu.enqueue_dma source(%dma_start3A_59 : memref<80xi32, #tpu.memory_space<hbm>>) target(%arg6 : memref<80xi32, #tpu.memory_space<vmem>>) target_semaphore(%run_scoped3A : memref<!tpu.dma_semaphore, #tpu.memory_space<semaphore_mem>>)
        %dma_wait3A_60 = tpu.memref_slice %arg2[%add3A_41] : memref<320000xi32, #tpu.memory_space<hbm>> -> memref<80xi32, #tpu.memory_space<hbm>>
        %dma_wait3A_61 = tpu.memref_slice %arg2[%add3A_41] : memref<320000xi32, #tpu.memory_space<hbm>> -> memref<80xi32, #tpu.memory_space<hbm>>
        tpu.wait_dma2 semaphore(%run_scoped3A : memref<!tpu.dma_semaphore, #tpu.memory_space<semaphore_mem>>) src(%dma_wait3A_61 : memref<80xi32, #tpu.memory_space<hbm>>) dst(%arg6 : memref<80xi32, #tpu.memory_space<vmem>>)
        tpu.yield
      }) : () -> ()
      %dma_start3A_42 = arith.constant 0 : i32
      %dma_start3A_43 = arith.constant 0 : i32
      %dma_start3A_44 = tpu.memref_slice %arg9[%dma_start3A_42, %dma_start3A_43] : memref<10240x128xf32, #tpu.memory_space<vmem_shared>> -> memref<10240x128xf32, #tpu.memory_space<vmem_shared>>
      tpu.enqueue_indirect_dma source(%arg8 : memref<80x128xf32, #tpu.memory_space<vmem>>) target(%dma_start3A_44 : memref<10240x128xf32, #tpu.memory_space<vmem_shared>>) offsets(%arg6 : memref<80xi32, #tpu.memory_space<vmem>>) semaphore(%arg10 : memref<!tpu.dma_semaphore, #tpu.memory_space<semaphore_mem>>) {add = true}
      %dma_wait3A_45 = arith.constant 0 : i32
      %dma_wait3A_46 = arith.constant 0 : i32
      %dma_wait3A_47 = tpu.memref_slice %arg9[%dma_wait3A_45, %dma_wait3A_46] : memref<10240x128xf32, #tpu.memory_space<vmem_shared>> -> memref<10240x128xf32, #tpu.memory_space<vmem_shared>>
      tpu.wait_indirect_dma semaphore(%arg11 : memref<!tpu.dma_semaphore, #tpu.memory_space<semaphore_mem>>) src(%arg8 : memref<80x128xf32, #tpu.memory_space<vmem>>) dst(%dma_wait3A_47 : memref<10240x128xf32, #tpu.memory_space<vmem_shared>>)
      %mul3A_48 = arith.constant 2 : i32
      %mul3A_49 = arith.muli %mul3A_48, %scan3A_31 : i32
      %add3A_50 = arith.constant 3 : i32
      %add3A_51 = arith.addi %mul3A_49, %add3A_50 : i32
      %mul3A_52 = arith.constant 80 : i32
      %mul3A_53 = arith.muli %add3A_51, %mul3A_52 : i32
      %add3A_54 = arith.addi %mul3A_4, %mul3A_53 : i32
      "tpu.region"() ({
        %run_scoped3A = tpu.sem_alloc : memref<!tpu.dma_semaphore, #tpu.memory_space<semaphore_mem>>
        %dma_start3A_58 = tpu.memref_slice %arg2[%add3A_54] : memref<320000xi32, #tpu.memory_space<hbm>> -> memref<80xi32, #tpu.memory_space<hbm>>
        %dma_start3A_59 = tpu.memref_slice %arg2[%add3A_54] : memref<320000xi32, #tpu.memory_space<hbm>> -> memref<80xi32, #tpu.memory_space<hbm>>
        tpu.enqueue_dma source(%dma_start3A_59 : memref<80xi32, #tpu.memory_space<hbm>>) target(%arg7 : memref<80xi32, #tpu.memory_space<vmem>>) target_semaphore(%run_scoped3A : memref<!tpu.dma_semaphore, #tpu.memory_space<semaphore_mem>>)
        %dma_wait3A_60 = tpu.memref_slice %arg2[%add3A_54] : memref<320000xi32, #tpu.memory_space<hbm>> -> memref<80xi32, #tpu.memory_space<hbm>>
        %dma_wait3A_61 = tpu.memref_slice %arg2[%add3A_54] : memref<320000xi32, #tpu.memory_space<hbm>> -> memref<80xi32, #tpu.memory_space<hbm>>
        tpu.wait_dma2 semaphore(%run_scoped3A : memref<!tpu.dma_semaphore, #tpu.memory_space<semaphore_mem>>) src(%dma_wait3A_61 : memref<80xi32, #tpu.memory_space<hbm>>) dst(%arg7 : memref<80xi32, #tpu.memory_space<vmem>>)
        tpu.yield
      }) : () -> ()
      %dma_start3A_55 = arith.constant 0 : i32
      %dma_start3A_56 = arith.constant 0 : i32
      %dma_start3A_57 = tpu.memref_slice %arg9[%dma_start3A_55, %dma_start3A_56] : memref<10240x128xf32, #tpu.memory_space<vmem_shared>> -> memref<10240x128xf32, #tpu.memory_space<vmem_shared>>
      tpu.enqueue_indirect_dma source(%arg8 : memref<80x128xf32, #tpu.memory_space<vmem>>) target(%dma_start3A_57 : memref<10240x128xf32, #tpu.memory_space<vmem_shared>>) offsets(%arg7 : memref<80xi32, #tpu.memory_space<vmem>>) semaphore(%arg11 : memref<!tpu.dma_semaphore, #tpu.memory_space<semaphore_mem>>) {add = true}
    }
    %scan3A_16 = arith.constant 61 : i32
    %dma_wait3A = arith.constant 0 : i32
    %dma_wait3A_17 = arith.constant 0 : i32
    %dma_wait3A_18 = tpu.memref_slice %arg9[%dma_wait3A, %dma_wait3A_17] : memref<10240x128xf32, #tpu.memory_space<vmem_shared>> -> memref<10240x128xf32, #tpu.memory_space<vmem_shared>>
    tpu.wait_indirect_dma semaphore(%arg10 : memref<!tpu.dma_semaphore, #tpu.memory_space<semaphore_mem>>) src(%arg8 : memref<80x128xf32, #tpu.memory_space<vmem>>) dst(%dma_wait3A_18 : memref<10240x128xf32, #tpu.memory_space<vmem_shared>>)
    %add3A_19 = arith.constant 9920 : i32
    %add3A_20 = arith.addi %mul3A_4, %add3A_19 : i32
    "tpu.region"() ({
      %run_scoped3A = tpu.sem_alloc : memref<!tpu.dma_semaphore, #tpu.memory_space<semaphore_mem>>
      %dma_start3A_31 = tpu.memref_slice %arg2[%add3A_20] : memref<320000xi32, #tpu.memory_space<hbm>> -> memref<80xi32, #tpu.memory_space<hbm>>
      %dma_start3A_32 = tpu.memref_slice %arg2[%add3A_20] : memref<320000xi32, #tpu.memory_space<hbm>> -> memref<80xi32, #tpu.memory_space<hbm>>
      tpu.enqueue_dma source(%dma_start3A_32 : memref<80xi32, #tpu.memory_space<hbm>>) target(%arg6 : memref<80xi32, #tpu.memory_space<vmem>>) target_semaphore(%run_scoped3A : memref<!tpu.dma_semaphore, #tpu.memory_space<semaphore_mem>>)
      %dma_wait3A_33 = tpu.memref_slice %arg2[%add3A_20] : memref<320000xi32, #tpu.memory_space<hbm>> -> memref<80xi32, #tpu.memory_space<hbm>>
      %dma_wait3A_34 = tpu.memref_slice %arg2[%add3A_20] : memref<320000xi32, #tpu.memory_space<hbm>> -> memref<80xi32, #tpu.memory_space<hbm>>
      tpu.wait_dma2 semaphore(%run_scoped3A : memref<!tpu.dma_semaphore, #tpu.memory_space<semaphore_mem>>) src(%dma_wait3A_34 : memref<80xi32, #tpu.memory_space<hbm>>) dst(%arg6 : memref<80xi32, #tpu.memory_space<vmem>>)
      tpu.yield
    }) : () -> ()
    %dma_start3A_21 = arith.constant 0 : i32
    %dma_start3A_22 = arith.constant 0 : i32
    %dma_start3A_23 = tpu.memref_slice %arg9[%dma_start3A_21, %dma_start3A_22] : memref<10240x128xf32, #tpu.memory_space<vmem_shared>> -> memref<10240x128xf32, #tpu.memory_space<vmem_shared>>
    tpu.enqueue_indirect_dma source(%arg8 : memref<80x128xf32, #tpu.memory_space<vmem>>) target(%dma_start3A_23 : memref<10240x128xf32, #tpu.memory_space<vmem_shared>>) offsets(%arg6 : memref<80xi32, #tpu.memory_space<vmem>>) semaphore(%arg10 : memref<!tpu.dma_semaphore, #tpu.memory_space<semaphore_mem>>) {add = true}
    %dma_wait3A_24 = arith.constant 0 : i32
    %dma_wait3A_25 = arith.constant 0 : i32
    %dma_wait3A_26 = tpu.memref_slice %arg9[%dma_wait3A_24, %dma_wait3A_25] : memref<10240x128xf32, #tpu.memory_space<vmem_shared>> -> memref<10240x128xf32, #tpu.memory_space<vmem_shared>>
    tpu.wait_indirect_dma semaphore(%arg10 : memref<!tpu.dma_semaphore, #tpu.memory_space<semaphore_mem>>) src(%arg8 : memref<80x128xf32, #tpu.memory_space<vmem>>) dst(%dma_wait3A_26 : memref<10240x128xf32, #tpu.memory_space<vmem_shared>>)
    %dma_wait3A_27 = arith.constant 0 : i32
    %dma_wait3A_28 = arith.constant 0 : i32
    %dma_wait3A_29 = tpu.memref_slice %arg9[%dma_wait3A_27, %dma_wait3A_28] : memref<10240x128xf32, #tpu.memory_space<vmem_shared>> -> memref<10240x128xf32, #tpu.memory_space<vmem_shared>>
    tpu.wait_indirect_dma semaphore(%arg11 : memref<!tpu.dma_semaphore, #tpu.memory_space<semaphore_mem>>) src(%arg8 : memref<80x128xf32, #tpu.memory_space<vmem>>) dst(%dma_wait3A_29 : memref<10240x128xf32, #tpu.memory_space<vmem_shared>>)
    %barrier3A_30 = arith.constant 0 : index
    tpu.barrier barrier_id(%barrier3A_30)
    "tpu.region"() ({
      %run_scoped3A = tpu.sem_alloc : memref<!tpu.dma_semaphore, #tpu.memory_space<semaphore_mem>>
      %dma_start3A_31 = arith.constant 0 : i32
      %dma_start3A_32 = tpu.memref_slice %arg5[%arg0, %mul3A_0, %dma_start3A_31] : memref<2x10240x128xf32, #tpu.memory_space<hbm>> -> memref<1x640x128xf32, #tpu.memory_space<hbm>>
      %dma_start3A_33 = tpu.memref_squeeze %dma_start3A_32 : memref<1x640x128xf32, #tpu.memory_space<hbm>> -> memref<640x128xf32, #tpu.memory_space<hbm>>
      %dma_start3A_34 = arith.constant 0 : i32
      %dma_start3A_35 = tpu.memref_slice %arg9[%mul3A_0, %dma_start3A_34] : memref<10240x128xf32, #tpu.memory_space<vmem_shared>> -> memref<640x128xf32, #tpu.memory_space<vmem_shared>>
      tpu.enqueue_dma source(%dma_start3A_35 : memref<640x128xf32, #tpu.memory_space<vmem_shared>>) target(%dma_start3A_33 : memref<640x128xf32, #tpu.memory_space<hbm>>) target_semaphore(%run_scoped3A : memref<!tpu.dma_semaphore, #tpu.memory_space<semaphore_mem>>)
      %dma_wait3A_36 = arith.constant 0 : i32
      %dma_wait3A_37 = tpu.memref_slice %arg5[%arg0, %mul3A_0, %dma_wait3A_36] : memref<2x10240x128xf32, #tpu.memory_space<hbm>> -> memref<1x640x128xf32, #tpu.memory_space<hbm>>
      %dma_wait3A_38 = tpu.memref_squeeze %dma_wait3A_37 : memref<1x640x128xf32, #tpu.memory_space<hbm>> -> memref<640x128xf32, #tpu.memory_space<hbm>>
      %dma_wait3A_39 = arith.constant 0 : i32
      %dma_wait3A_40 = tpu.memref_slice %arg9[%mul3A_0, %dma_wait3A_39] : memref<10240x128xf32, #tpu.memory_space<vmem_shared>> -> memref<640x128xf32, #tpu.memory_space<vmem_shared>>
      tpu.wait_dma2 semaphore(%run_scoped3A : memref<!tpu.dma_semaphore, #tpu.memory_space<semaphore_mem>>) src(%dma_wait3A_40 : memref<640x128xf32, #tpu.memory_space<vmem_shared>>) dst(%dma_wait3A_38 : memref<640x128xf32, #tpu.memory_space<hbm>>)
      tpu.yield
    }) : () -> ()
    return
  }
}

#map = affine_map<(d0, d1) -> (0, 0)>
#map1 = affine_map<(d0, d1) -> (0)>
#map2 = affine_map<(d0, d1) -> (0, 0, 0)>
module attributes {stable_mosaic.version = 14 : i64} {
  func.func @scatter_kernel(%arg0: i32, %arg1: i32, %arg2: memref<10000x128xf32, #tpu.memory_space<hbm>>, %arg3: memref<320000xi32, #tpu.memory_space<hbm>>, %arg4: memref<320000xi32, #tpu.memory_space<hbm>>, %arg5: memref<640x128xf32, #tpu.memory_space<hbm>>, %arg6: memref<2x10240x128xf32, #tpu.memory_space<hbm>>, %arg7: memref<80xi32, #tpu.memory_space<vmem>>, %arg8: memref<80xi32, #tpu.memory_space<vmem>>, %arg9: memref<80xi32, #tpu.memory_space<vmem>>, %arg10: memref<80xi32, #tpu.memory_space<vmem>>, %arg11: memref<80xi32, #tpu.memory_space<vmem>>, %arg12: memref<80xi32, #tpu.memory_space<vmem>>, %arg13: memref<80xi32, #tpu.memory_space<vmem>>, %arg14: memref<80xi32, #tpu.memory_space<vmem>>, %arg15: memref<80x128xf32, #tpu.memory_space<vmem>>, %arg16: memref<80x128xf32, #tpu.memory_space<vmem>>, %arg17: memref<80x128xf32, #tpu.memory_space<vmem>>, %arg18: memref<80x128xf32, #tpu.memory_space<vmem>>, %arg19: memref<10240x128xf32, #tpu.memory_space<vmem_shared>>, %arg20: memref<!tpu.dma_semaphore, #tpu.memory_space<semaphore_mem>>, %arg21: memref<!tpu.dma_semaphore, #tpu.memory_space<semaphore_mem>>, %arg22: memref<!tpu.dma_semaphore, #tpu.memory_space<semaphore_mem>>, %arg23: memref<!tpu.dma_semaphore, #tpu.memory_space<semaphore_mem>>, %arg24: memref<!tpu.dma_semaphore, #tpu.memory_space<semaphore_mem>>, %arg25: memref<!tpu.dma_semaphore, #tpu.memory_space<semaphore_mem>>, %arg26: memref<!tpu.dma_semaphore, #tpu.memory_space<semaphore_mem>>, %arg27: memref<!tpu.dma_semaphore, #tpu.memory_space<semaphore_mem>>, %arg28: memref<!tpu.dma_semaphore, #tpu.memory_space<semaphore_mem>>, %arg29: memref<!tpu.dma_semaphore, #tpu.memory_space<semaphore_mem>>, %arg30: memref<!tpu.dma_semaphore, #tpu.memory_space<semaphore_mem>>, %arg31: memref<!tpu.dma_semaphore, #tpu.memory_space<semaphore_mem>>) attributes {dimension_semantics = [#tpu.dimension_semantics<core_parallel>, #tpu.dimension_semantics<subcore_parallel>], iteration_bounds = array<i64: 2, 16>, scalar_prefetch = 0 : i64, scratch_operands = 25 : i64, tpu.core_type = #tpu.core_type<sc_vector_subcore>, window_params = [{transform_indices = #map}, {transform_indices = #map1}, {transform_indices = #map1}, {transform_indices = #map}, {transform_indices = #map2}]} {
    %mul3A = arith.constant 640 : i32
    %mul3A_0 = arith.muli %arg1, %mul3A : i32
    %mul3A_1 = arith.constant 16 : i32
    %mul3A_2 = arith.muli %arg0, %mul3A_1 : i32
    %add3A = arith.addi %mul3A_2, %arg1 : i32
    %mul3A_3 = arith.constant 10000 : i32
    %mul3A_4 = arith.muli %add3A, %mul3A_3 : i32
    %add3A_5 = arith.constant 0 : i32
    %add3A_6 = arith.addi %mul3A_4, %add3A_5 : i32
    %dma_start3A = tpu.memref_slice %arg3[%add3A_6] : memref<320000xi32, #tpu.memory_space<hbm>> -> memref<80xi32, #tpu.memory_space<hbm>>
    %dma_start3A_7 = tpu.memref_slice %arg3[%add3A_6] : memref<320000xi32, #tpu.memory_space<hbm>> -> memref<80xi32, #tpu.memory_space<hbm>>
    tpu.enqueue_dma source(%dma_start3A_7 : memref<80xi32, #tpu.memory_space<hbm>>) target(%arg7 : memref<80xi32, #tpu.memory_space<vmem>>) target_semaphore(%arg28 : memref<!tpu.dma_semaphore, #tpu.memory_space<semaphore_mem>>)
    %add3A_8 = arith.constant 0 : i32
    %add3A_9 = arith.addi %mul3A_4, %add3A_8 : i32
    %dma_start3A_10 = tpu.memref_slice %arg4[%add3A_9] : memref<320000xi32, #tpu.memory_space<hbm>> -> memref<80xi32, #tpu.memory_space<hbm>>
    %dma_start3A_11 = tpu.memref_slice %arg4[%add3A_9] : memref<320000xi32, #tpu.memory_space<hbm>> -> memref<80xi32, #tpu.memory_space<hbm>>
    tpu.enqueue_dma source(%dma_start3A_11 : memref<80xi32, #tpu.memory_space<hbm>>) target(%arg11 : memref<80xi32, #tpu.memory_space<vmem>>) target_semaphore(%arg28 : memref<!tpu.dma_semaphore, #tpu.memory_space<semaphore_mem>>)
    %add3A_12 = arith.constant 80 : i32
    %add3A_13 = arith.addi %mul3A_4, %add3A_12 : i32
    %dma_start3A_14 = tpu.memref_slice %arg3[%add3A_13] : memref<320000xi32, #tpu.memory_space<hbm>> -> memref<80xi32, #tpu.memory_space<hbm>>
    %dma_start3A_15 = tpu.memref_slice %arg3[%add3A_13] : memref<320000xi32, #tpu.memory_space<hbm>> -> memref<80xi32, #tpu.memory_space<hbm>>
    tpu.enqueue_dma source(%dma_start3A_15 : memref<80xi32, #tpu.memory_space<hbm>>) target(%arg8 : memref<80xi32, #tpu.memory_space<vmem>>) target_semaphore(%arg29 : memref<!tpu.dma_semaphore, #tpu.memory_space<semaphore_mem>>)
    %add3A_16 = arith.constant 80 : i32
    %add3A_17 = arith.addi %mul3A_4, %add3A_16 : i32
    %dma_start3A_18 = tpu.memref_slice %arg4[%add3A_17] : memref<320000xi32, #tpu.memory_space<hbm>> -> memref<80xi32, #tpu.memory_space<hbm>>
    %dma_start3A_19 = tpu.memref_slice %arg4[%add3A_17] : memref<320000xi32, #tpu.memory_space<hbm>> -> memref<80xi32, #tpu.memory_space<hbm>>
    tpu.enqueue_dma source(%dma_start3A_19 : memref<80xi32, #tpu.memory_space<hbm>>) target(%arg12 : memref<80xi32, #tpu.memory_space<vmem>>) target_semaphore(%arg29 : memref<!tpu.dma_semaphore, #tpu.memory_space<semaphore_mem>>)
    "tpu.region"() ({
      %run_scoped3A = tpu.sem_alloc : memref<!tpu.dma_semaphore, #tpu.memory_space<semaphore_mem>>
      %dma_start3A_47 = arith.constant 0 : i32
      %dma_start3A_48 = tpu.memref_slice %arg19[%mul3A_0, %dma_start3A_47] : memref<10240x128xf32, #tpu.memory_space<vmem_shared>> -> memref<640x128xf32, #tpu.memory_space<vmem_shared>>
      tpu.enqueue_dma source(%arg5 : memref<640x128xf32, #tpu.memory_space<hbm>>) target(%dma_start3A_48 : memref<640x128xf32, #tpu.memory_space<vmem_shared>>) target_semaphore(%run_scoped3A : memref<!tpu.dma_semaphore, #tpu.memory_space<semaphore_mem>>)
      %dma_wait3A_49 = arith.constant 0 : i32
      %dma_wait3A_50 = tpu.memref_slice %arg19[%mul3A_0, %dma_wait3A_49] : memref<10240x128xf32, #tpu.memory_space<vmem_shared>> -> memref<640x128xf32, #tpu.memory_space<vmem_shared>>
      tpu.wait_dma2 semaphore(%run_scoped3A : memref<!tpu.dma_semaphore, #tpu.memory_space<semaphore_mem>>) src(%arg5 : memref<640x128xf32, #tpu.memory_space<hbm>>) dst(%dma_wait3A_50 : memref<640x128xf32, #tpu.memory_space<vmem_shared>>)
      tpu.yield
    }) : () -> ()
    %dma_wait3A = tpu.memref_slice %arg3[%mul3A_4] : memref<320000xi32, #tpu.memory_space<hbm>> -> memref<80xi32, #tpu.memory_space<hbm>>
    %dma_wait3A_20 = tpu.memref_slice %arg3[%mul3A_4] : memref<320000xi32, #tpu.memory_space<hbm>> -> memref<80xi32, #tpu.memory_space<hbm>>
    tpu.wait_dma2 semaphore(%arg28 : memref<!tpu.dma_semaphore, #tpu.memory_space<semaphore_mem>>) src(%dma_wait3A_20 : memref<80xi32, #tpu.memory_space<hbm>>) dst(%arg7 : memref<80xi32, #tpu.memory_space<vmem>>)
    %dma_wait3A_21 = tpu.memref_slice %arg4[%mul3A_4] : memref<320000xi32, #tpu.memory_space<hbm>> -> memref<80xi32, #tpu.memory_space<hbm>>
    %dma_wait3A_22 = tpu.memref_slice %arg4[%mul3A_4] : memref<320000xi32, #tpu.memory_space<hbm>> -> memref<80xi32, #tpu.memory_space<hbm>>
    tpu.wait_dma2 semaphore(%arg28 : memref<!tpu.dma_semaphore, #tpu.memory_space<semaphore_mem>>) src(%dma_wait3A_22 : memref<80xi32, #tpu.memory_space<hbm>>) dst(%arg11 : memref<80xi32, #tpu.memory_space<vmem>>)
    %dma_start3A_23 = arith.constant 0 : i32
    %dma_start3A_24 = arith.constant 0 : i32
    %dma_start3A_25 = tpu.memref_slice %arg2[%dma_start3A_23, %dma_start3A_24] : memref<10000x128xf32, #tpu.memory_space<hbm>> -> memref<10000x128xf32, #tpu.memory_space<hbm>>
    tpu.enqueue_indirect_dma source(%dma_start3A_25 : memref<10000x128xf32, #tpu.memory_space<hbm>>) target(%arg15 : memref<80x128xf32, #tpu.memory_space<vmem>>) offsets(%arg7 : memref<80xi32, #tpu.memory_space<vmem>>) semaphore(%arg20 : memref<!tpu.dma_semaphore, #tpu.memory_space<semaphore_mem>>)
    %barrier3A = arith.constant 0 : index
    tpu.barrier barrier_id(%barrier3A)
    %scan3A = arith.constant 0 : i32
    %scan3A_26 = arith.constant 0 : i32
    %scan3A_27 = arith.constant 31 : i32
    %scan3A_28 = arith.addi %scan3A_26, %scan3A_27 : i32
    %scan3A_29 = arith.constant 1 : i32
    scf.for %scan3A_47 = %scan3A_26 to %scan3A_28 step %scan3A_29  : i32 {
      %dma_wait3A_48 = arith.constant 0 : i32
      %dma_wait3A_49 = arith.constant 0 : i32
      %dma_wait3A_50 = tpu.memref_slice %arg2[%dma_wait3A_48, %dma_wait3A_49] : memref<10000x128xf32, #tpu.memory_space<hbm>> -> memref<10000x128xf32, #tpu.memory_space<hbm>>
      tpu.wait_indirect_dma semaphore(%arg20 : memref<!tpu.dma_semaphore, #tpu.memory_space<semaphore_mem>>) src(%dma_wait3A_50 : memref<10000x128xf32, #tpu.memory_space<hbm>>) dst(%arg15 : memref<80x128xf32, #tpu.memory_space<vmem>>)
      %dma_start3A_51 = arith.constant 0 : i32
      %dma_start3A_52 = arith.constant 0 : i32
      %dma_start3A_53 = tpu.memref_slice %arg19[%dma_start3A_51, %dma_start3A_52] : memref<10240x128xf32, #tpu.memory_space<vmem_shared>> -> memref<10240x128xf32, #tpu.memory_space<vmem_shared>>
      tpu.enqueue_indirect_dma source(%arg15 : memref<80x128xf32, #tpu.memory_space<vmem>>) target(%dma_start3A_53 : memref<10240x128xf32, #tpu.memory_space<vmem_shared>>) offsets(%arg11 : memref<80xi32, #tpu.memory_space<vmem>>) semaphore(%arg24 : memref<!tpu.dma_semaphore, #tpu.memory_space<semaphore_mem>>) {add = true}
      %gt3A = arith.constant 0 : i32
      %gt3A_54 = arith.cmpi sgt, %scan3A_47, %gt3A : i32
      %convert_element_type3A = arith.extui %gt3A_54 : i1 to i32
      %cond3A = arith.constant 0 : i32
      %cond3A_55 = arith.cmpi ne, %convert_element_type3A, %cond3A : i32
      scf.if %cond3A_55 {
        %dma_wait3A_165 = arith.constant 0 : i32
        %dma_wait3A_166 = arith.constant 0 : i32
        %dma_wait3A_167 = tpu.memref_slice %arg19[%dma_wait3A_165, %dma_wait3A_166] : memref<10240x128xf32, #tpu.memory_space<vmem_shared>> -> memref<10240x128xf32, #tpu.memory_space<vmem_shared>>
        tpu.wait_indirect_dma semaphore(%arg26 : memref<!tpu.dma_semaphore, #tpu.memory_space<semaphore_mem>>) src(%arg17 : memref<80x128xf32, #tpu.memory_space<vmem>>) dst(%dma_wait3A_167 : memref<10240x128xf32, #tpu.memory_space<vmem_shared>>)
      } else {
      }
      %mul3A_56 = arith.constant 4 : i32
      %mul3A_57 = arith.muli %mul3A_56, %scan3A_47 : i32
      %add3A_58 = arith.constant 0 : i32
      %add3A_59 = arith.addi %mul3A_57, %add3A_58 : i32
      %add3A_60 = arith.constant 2 : i32
      %add3A_61 = arith.addi %add3A_59, %add3A_60 : i32
      %mul3A_62 = arith.constant 80 : i32
      %mul3A_63 = arith.muli %add3A_61, %mul3A_62 : i32
      %add3A_64 = arith.addi %mul3A_4, %mul3A_63 : i32
      %dma_start3A_65 = tpu.memref_slice %arg3[%add3A_64] : memref<320000xi32, #tpu.memory_space<hbm>> -> memref<80xi32, #tpu.memory_space<hbm>>
      %dma_start3A_66 = tpu.memref_slice %arg3[%add3A_64] : memref<320000xi32, #tpu.memory_space<hbm>> -> memref<80xi32, #tpu.memory_space<hbm>>
      tpu.enqueue_dma source(%dma_start3A_66 : memref<80xi32, #tpu.memory_space<hbm>>) target(%arg9 : memref<80xi32, #tpu.memory_space<vmem>>) target_semaphore(%arg30 : memref<!tpu.dma_semaphore, #tpu.memory_space<semaphore_mem>>)
      %mul3A_67 = arith.constant 80 : i32
      %mul3A_68 = arith.muli %add3A_61, %mul3A_67 : i32
      %add3A_69 = arith.addi %mul3A_4, %mul3A_68 : i32
      %dma_start3A_70 = tpu.memref_slice %arg4[%add3A_69] : memref<320000xi32, #tpu.memory_space<hbm>> -> memref<80xi32, #tpu.memory_space<hbm>>
      %dma_start3A_71 = tpu.memref_slice %arg4[%add3A_69] : memref<320000xi32, #tpu.memory_space<hbm>> -> memref<80xi32, #tpu.memory_space<hbm>>
      tpu.enqueue_dma source(%dma_start3A_71 : memref<80xi32, #tpu.memory_space<hbm>>) target(%arg13 : memref<80xi32, #tpu.memory_space<vmem>>) target_semaphore(%arg30 : memref<!tpu.dma_semaphore, #tpu.memory_space<semaphore_mem>>)
      %dma_wait3A_72 = tpu.memref_slice %arg3[%mul3A_4] : memref<320000xi32, #tpu.memory_space<hbm>> -> memref<80xi32, #tpu.memory_space<hbm>>
      %dma_wait3A_73 = tpu.memref_slice %arg3[%mul3A_4] : memref<320000xi32, #tpu.memory_space<hbm>> -> memref<80xi32, #tpu.memory_space<hbm>>
      tpu.wait_dma2 semaphore(%arg29 : memref<!tpu.dma_semaphore, #tpu.memory_space<semaphore_mem>>) src(%dma_wait3A_73 : memref<80xi32, #tpu.memory_space<hbm>>) dst(%arg8 : memref<80xi32, #tpu.memory_space<vmem>>)
      %dma_wait3A_74 = tpu.memref_slice %arg4[%mul3A_4] : memref<320000xi32, #tpu.memory_space<hbm>> -> memref<80xi32, #tpu.memory_space<hbm>>
      %dma_wait3A_75 = tpu.memref_slice %arg4[%mul3A_4] : memref<320000xi32, #tpu.memory_space<hbm>> -> memref<80xi32, #tpu.memory_space<hbm>>
      tpu.wait_dma2 semaphore(%arg29 : memref<!tpu.dma_semaphore, #tpu.memory_space<semaphore_mem>>) src(%dma_wait3A_75 : memref<80xi32, #tpu.memory_space<hbm>>) dst(%arg12 : memref<80xi32, #tpu.memory_space<vmem>>)
      %dma_start3A_76 = arith.constant 0 : i32
      %dma_start3A_77 = arith.constant 0 : i32
      %dma_start3A_78 = tpu.memref_slice %arg2[%dma_start3A_76, %dma_start3A_77] : memref<10000x128xf32, #tpu.memory_space<hbm>> -> memref<10000x128xf32, #tpu.memory_space<hbm>>
      tpu.enqueue_indirect_dma source(%dma_start3A_78 : memref<10000x128xf32, #tpu.memory_space<hbm>>) target(%arg16 : memref<80x128xf32, #tpu.memory_space<vmem>>) offsets(%arg8 : memref<80xi32, #tpu.memory_space<vmem>>) semaphore(%arg21 : memref<!tpu.dma_semaphore, #tpu.memory_space<semaphore_mem>>)
      %dma_wait3A_79 = arith.constant 0 : i32
      %dma_wait3A_80 = arith.constant 0 : i32
      %dma_wait3A_81 = tpu.memref_slice %arg2[%dma_wait3A_79, %dma_wait3A_80] : memref<10000x128xf32, #tpu.memory_space<hbm>> -> memref<10000x128xf32, #tpu.memory_space<hbm>>
      tpu.wait_indirect_dma semaphore(%arg21 : memref<!tpu.dma_semaphore, #tpu.memory_space<semaphore_mem>>) src(%dma_wait3A_81 : memref<10000x128xf32, #tpu.memory_space<hbm>>) dst(%arg16 : memref<80x128xf32, #tpu.memory_space<vmem>>)
      %dma_start3A_82 = arith.constant 0 : i32
      %dma_start3A_83 = arith.constant 0 : i32
      %dma_start3A_84 = tpu.memref_slice %arg19[%dma_start3A_82, %dma_start3A_83] : memref<10240x128xf32, #tpu.memory_space<vmem_shared>> -> memref<10240x128xf32, #tpu.memory_space<vmem_shared>>
      tpu.enqueue_indirect_dma source(%arg16 : memref<80x128xf32, #tpu.memory_space<vmem>>) target(%dma_start3A_84 : memref<10240x128xf32, #tpu.memory_space<vmem_shared>>) offsets(%arg12 : memref<80xi32, #tpu.memory_space<vmem>>) semaphore(%arg25 : memref<!tpu.dma_semaphore, #tpu.memory_space<semaphore_mem>>) {add = true}
      %gt3A_85 = arith.constant 0 : i32
      %gt3A_86 = arith.cmpi sgt, %scan3A_47, %gt3A_85 : i32
      %convert_element_type3A_87 = arith.extui %gt3A_86 : i1 to i32
      %cond3A_88 = arith.constant 0 : i32
      %cond3A_89 = arith.cmpi ne, %convert_element_type3A_87, %cond3A_88 : i32
      scf.if %cond3A_89 {
        %dma_wait3A_165 = arith.constant 0 : i32
        %dma_wait3A_166 = arith.constant 0 : i32
        %dma_wait3A_167 = tpu.memref_slice %arg19[%dma_wait3A_165, %dma_wait3A_166] : memref<10240x128xf32, #tpu.memory_space<vmem_shared>> -> memref<10240x128xf32, #tpu.memory_space<vmem_shared>>
        tpu.wait_indirect_dma semaphore(%arg27 : memref<!tpu.dma_semaphore, #tpu.memory_space<semaphore_mem>>) src(%arg18 : memref<80x128xf32, #tpu.memory_space<vmem>>) dst(%dma_wait3A_167 : memref<10240x128xf32, #tpu.memory_space<vmem_shared>>)
      } else {
      }
      %mul3A_90 = arith.constant 4 : i32
      %mul3A_91 = arith.muli %mul3A_90, %scan3A_47 : i32
      %add3A_92 = arith.constant 1 : i32
      %add3A_93 = arith.addi %mul3A_91, %add3A_92 : i32
      %add3A_94 = arith.constant 2 : i32
      %add3A_95 = arith.addi %add3A_93, %add3A_94 : i32
      %mul3A_96 = arith.constant 80 : i32
      %mul3A_97 = arith.muli %add3A_95, %mul3A_96 : i32
      %add3A_98 = arith.addi %mul3A_4, %mul3A_97 : i32
      %dma_start3A_99 = tpu.memref_slice %arg3[%add3A_98] : memref<320000xi32, #tpu.memory_space<hbm>> -> memref<80xi32, #tpu.memory_space<hbm>>
      %dma_start3A_100 = tpu.memref_slice %arg3[%add3A_98] : memref<320000xi32, #tpu.memory_space<hbm>> -> memref<80xi32, #tpu.memory_space<hbm>>
      tpu.enqueue_dma source(%dma_start3A_100 : memref<80xi32, #tpu.memory_space<hbm>>) target(%arg10 : memref<80xi32, #tpu.memory_space<vmem>>) target_semaphore(%arg31 : memref<!tpu.dma_semaphore, #tpu.memory_space<semaphore_mem>>)
      %mul3A_101 = arith.constant 80 : i32
      %mul3A_102 = arith.muli %add3A_95, %mul3A_101 : i32
      %add3A_103 = arith.addi %mul3A_4, %mul3A_102 : i32
      %dma_start3A_104 = tpu.memref_slice %arg4[%add3A_103] : memref<320000xi32, #tpu.memory_space<hbm>> -> memref<80xi32, #tpu.memory_space<hbm>>
      %dma_start3A_105 = tpu.memref_slice %arg4[%add3A_103] : memref<320000xi32, #tpu.memory_space<hbm>> -> memref<80xi32, #tpu.memory_space<hbm>>
      tpu.enqueue_dma source(%dma_start3A_105 : memref<80xi32, #tpu.memory_space<hbm>>) target(%arg14 : memref<80xi32, #tpu.memory_space<vmem>>) target_semaphore(%arg31 : memref<!tpu.dma_semaphore, #tpu.memory_space<semaphore_mem>>)
      %dma_wait3A_106 = tpu.memref_slice %arg3[%mul3A_4] : memref<320000xi32, #tpu.memory_space<hbm>> -> memref<80xi32, #tpu.memory_space<hbm>>
      %dma_wait3A_107 = tpu.memref_slice %arg3[%mul3A_4] : memref<320000xi32, #tpu.memory_space<hbm>> -> memref<80xi32, #tpu.memory_space<hbm>>
      tpu.wait_dma2 semaphore(%arg30 : memref<!tpu.dma_semaphore, #tpu.memory_space<semaphore_mem>>) src(%dma_wait3A_107 : memref<80xi32, #tpu.memory_space<hbm>>) dst(%arg9 : memref<80xi32, #tpu.memory_space<vmem>>)
      %dma_wait3A_108 = tpu.memref_slice %arg4[%mul3A_4] : memref<320000xi32, #tpu.memory_space<hbm>> -> memref<80xi32, #tpu.memory_space<hbm>>
      %dma_wait3A_109 = tpu.memref_slice %arg4[%mul3A_4] : memref<320000xi32, #tpu.memory_space<hbm>> -> memref<80xi32, #tpu.memory_space<hbm>>
      tpu.wait_dma2 semaphore(%arg30 : memref<!tpu.dma_semaphore, #tpu.memory_space<semaphore_mem>>) src(%dma_wait3A_109 : memref<80xi32, #tpu.memory_space<hbm>>) dst(%arg13 : memref<80xi32, #tpu.memory_space<vmem>>)
      %dma_start3A_110 = arith.constant 0 : i32
      %dma_start3A_111 = arith.constant 0 : i32
      %dma_start3A_112 = tpu.memref_slice %arg2[%dma_start3A_110, %dma_start3A_111] : memref<10000x128xf32, #tpu.memory_space<hbm>> -> memref<10000x128xf32, #tpu.memory_space<hbm>>
      tpu.enqueue_indirect_dma source(%dma_start3A_112 : memref<10000x128xf32, #tpu.memory_space<hbm>>) target(%arg17 : memref<80x128xf32, #tpu.memory_space<vmem>>) offsets(%arg9 : memref<80xi32, #tpu.memory_space<vmem>>) semaphore(%arg22 : memref<!tpu.dma_semaphore, #tpu.memory_space<semaphore_mem>>)
      %dma_wait3A_113 = arith.constant 0 : i32
      %dma_wait3A_114 = arith.constant 0 : i32
      %dma_wait3A_115 = tpu.memref_slice %arg2[%dma_wait3A_113, %dma_wait3A_114] : memref<10000x128xf32, #tpu.memory_space<hbm>> -> memref<10000x128xf32, #tpu.memory_space<hbm>>
      tpu.wait_indirect_dma semaphore(%arg22 : memref<!tpu.dma_semaphore, #tpu.memory_space<semaphore_mem>>) src(%dma_wait3A_115 : memref<10000x128xf32, #tpu.memory_space<hbm>>) dst(%arg17 : memref<80x128xf32, #tpu.memory_space<vmem>>)
      %dma_start3A_116 = arith.constant 0 : i32
      %dma_start3A_117 = arith.constant 0 : i32
      %dma_start3A_118 = tpu.memref_slice %arg19[%dma_start3A_116, %dma_start3A_117] : memref<10240x128xf32, #tpu.memory_space<vmem_shared>> -> memref<10240x128xf32, #tpu.memory_space<vmem_shared>>
      tpu.enqueue_indirect_dma source(%arg17 : memref<80x128xf32, #tpu.memory_space<vmem>>) target(%dma_start3A_118 : memref<10240x128xf32, #tpu.memory_space<vmem_shared>>) offsets(%arg13 : memref<80xi32, #tpu.memory_space<vmem>>) semaphore(%arg26 : memref<!tpu.dma_semaphore, #tpu.memory_space<semaphore_mem>>) {add = true}
      %dma_wait3A_119 = arith.constant 0 : i32
      %dma_wait3A_120 = arith.constant 0 : i32
      %dma_wait3A_121 = tpu.memref_slice %arg19[%dma_wait3A_119, %dma_wait3A_120] : memref<10240x128xf32, #tpu.memory_space<vmem_shared>> -> memref<10240x128xf32, #tpu.memory_space<vmem_shared>>
      tpu.wait_indirect_dma semaphore(%arg24 : memref<!tpu.dma_semaphore, #tpu.memory_space<semaphore_mem>>) src(%arg15 : memref<80x128xf32, #tpu.memory_space<vmem>>) dst(%dma_wait3A_121 : memref<10240x128xf32, #tpu.memory_space<vmem_shared>>)
      %mul3A_122 = arith.constant 4 : i32
      %mul3A_123 = arith.muli %mul3A_122, %scan3A_47 : i32
      %add3A_124 = arith.constant 2 : i32
      %add3A_125 = arith.addi %mul3A_123, %add3A_124 : i32
      %add3A_126 = arith.constant 2 : i32
      %add3A_127 = arith.addi %add3A_125, %add3A_126 : i32
      %mul3A_128 = arith.constant 80 : i32
      %mul3A_129 = arith.muli %add3A_127, %mul3A_128 : i32
      %add3A_130 = arith.addi %mul3A_4, %mul3A_129 : i32
      %dma_start3A_131 = tpu.memref_slice %arg3[%add3A_130] : memref<320000xi32, #tpu.memory_space<hbm>> -> memref<80xi32, #tpu.memory_space<hbm>>
      %dma_start3A_132 = tpu.memref_slice %arg3[%add3A_130] : memref<320000xi32, #tpu.memory_space<hbm>> -> memref<80xi32, #tpu.memory_space<hbm>>
      tpu.enqueue_dma source(%dma_start3A_132 : memref<80xi32, #tpu.memory_space<hbm>>) target(%arg7 : memref<80xi32, #tpu.memory_space<vmem>>) target_semaphore(%arg28 : memref<!tpu.dma_semaphore, #tpu.memory_space<semaphore_mem>>)
      %mul3A_133 = arith.constant 80 : i32
      %mul3A_134 = arith.muli %add3A_127, %mul3A_133 : i32
      %add3A_135 = arith.addi %mul3A_4, %mul3A_134 : i32
      %dma_start3A_136 = tpu.memref_slice %arg4[%add3A_135] : memref<320000xi32, #tpu.memory_space<hbm>> -> memref<80xi32, #tpu.memory_space<hbm>>
      %dma_start3A_137 = tpu.memref_slice %arg4[%add3A_135] : memref<320000xi32, #tpu.memory_space<hbm>> -> memref<80xi32, #tpu.memory_space<hbm>>
      tpu.enqueue_dma source(%dma_start3A_137 : memref<80xi32, #tpu.memory_space<hbm>>) target(%arg11 : memref<80xi32, #tpu.memory_space<vmem>>) target_semaphore(%arg28 : memref<!tpu.dma_semaphore, #tpu.memory_space<semaphore_mem>>)
      %dma_wait3A_138 = tpu.memref_slice %arg3[%mul3A_4] : memref<320000xi32, #tpu.memory_space<hbm>> -> memref<80xi32, #tpu.memory_space<hbm>>
      %dma_wait3A_139 = tpu.memref_slice %arg3[%mul3A_4] : memref<320000xi32, #tpu.memory_space<hbm>> -> memref<80xi32, #tpu.memory_space<hbm>>
      tpu.wait_dma2 semaphore(%arg31 : memref<!tpu.dma_semaphore, #tpu.memory_space<semaphore_mem>>) src(%dma_wait3A_139 : memref<80xi32, #tpu.memory_space<hbm>>) dst(%arg10 : memref<80xi32, #tpu.memory_space<vmem>>)
      %dma_wait3A_140 = tpu.memref_slice %arg4[%mul3A_4] : memref<320000xi32, #tpu.memory_space<hbm>> -> memref<80xi32, #tpu.memory_space<hbm>>
      %dma_wait3A_141 = tpu.memref_slice %arg4[%mul3A_4] : memref<320000xi32, #tpu.memory_space<hbm>> -> memref<80xi32, #tpu.memory_space<hbm>>
      tpu.wait_dma2 semaphore(%arg31 : memref<!tpu.dma_semaphore, #tpu.memory_space<semaphore_mem>>) src(%dma_wait3A_141 : memref<80xi32, #tpu.memory_space<hbm>>) dst(%arg14 : memref<80xi32, #tpu.memory_space<vmem>>)
      %dma_start3A_142 = arith.constant 0 : i32
      %dma_start3A_143 = arith.constant 0 : i32
      %dma_start3A_144 = tpu.memref_slice %arg2[%dma_start3A_142, %dma_start3A_143] : memref<10000x128xf32, #tpu.memory_space<hbm>> -> memref<10000x128xf32, #tpu.memory_space<hbm>>
      tpu.enqueue_indirect_dma source(%dma_start3A_144 : memref<10000x128xf32, #tpu.memory_space<hbm>>) target(%arg18 : memref<80x128xf32, #tpu.memory_space<vmem>>) offsets(%arg10 : memref<80xi32, #tpu.memory_space<vmem>>) semaphore(%arg23 : memref<!tpu.dma_semaphore, #tpu.memory_space<semaphore_mem>>)
      %dma_wait3A_145 = arith.constant 0 : i32
      %dma_wait3A_146 = arith.constant 0 : i32
      %dma_wait3A_147 = tpu.memref_slice %arg2[%dma_wait3A_145, %dma_wait3A_146] : memref<10000x128xf32, #tpu.memory_space<hbm>> -> memref<10000x128xf32, #tpu.memory_space<hbm>>
      tpu.wait_indirect_dma semaphore(%arg23 : memref<!tpu.dma_semaphore, #tpu.memory_space<semaphore_mem>>) src(%dma_wait3A_147 : memref<10000x128xf32, #tpu.memory_space<hbm>>) dst(%arg18 : memref<80x128xf32, #tpu.memory_space<vmem>>)
      %dma_start3A_148 = arith.constant 0 : i32
      %dma_start3A_149 = arith.constant 0 : i32
      %dma_start3A_150 = tpu.memref_slice %arg19[%dma_start3A_148, %dma_start3A_149] : memref<10240x128xf32, #tpu.memory_space<vmem_shared>> -> memref<10240x128xf32, #tpu.memory_space<vmem_shared>>
      tpu.enqueue_indirect_dma source(%arg18 : memref<80x128xf32, #tpu.memory_space<vmem>>) target(%dma_start3A_150 : memref<10240x128xf32, #tpu.memory_space<vmem_shared>>) offsets(%arg14 : memref<80xi32, #tpu.memory_space<vmem>>) semaphore(%arg27 : memref<!tpu.dma_semaphore, #tpu.memory_space<semaphore_mem>>) {add = true}
      %dma_wait3A_151 = arith.constant 0 : i32
      %dma_wait3A_152 = arith.constant 0 : i32
      %dma_wait3A_153 = tpu.memref_slice %arg19[%dma_wait3A_151, %dma_wait3A_152] : memref<10240x128xf32, #tpu.memory_space<vmem_shared>> -> memref<10240x128xf32, #tpu.memory_space<vmem_shared>>
      tpu.wait_indirect_dma semaphore(%arg25 : memref<!tpu.dma_semaphore, #tpu.memory_space<semaphore_mem>>) src(%arg16 : memref<80x128xf32, #tpu.memory_space<vmem>>) dst(%dma_wait3A_153 : memref<10240x128xf32, #tpu.memory_space<vmem_shared>>)
      %lt3A = arith.constant 30 : i32
      %lt3A_154 = arith.cmpi slt, %scan3A_47, %lt3A : i32
      %convert_element_type3A_155 = arith.extui %lt3A_154 : i1 to i32
      %cond3A_156 = arith.constant 0 : i32
      %cond3A_157 = arith.cmpi ne, %convert_element_type3A_155, %cond3A_156 : i32
      scf.if %cond3A_157 {
        %mul3A_165 = arith.constant 4 : i32
        %mul3A_166 = arith.muli %mul3A_165, %scan3A_47 : i32
        %add3A_167 = arith.constant 3 : i32
        %add3A_168 = arith.addi %mul3A_166, %add3A_167 : i32
        %add3A_169 = arith.constant 2 : i32
        %add3A_170 = arith.addi %add3A_168, %add3A_169 : i32
        %mul3A_171 = arith.constant 80 : i32
        %mul3A_172 = arith.muli %add3A_170, %mul3A_171 : i32
        %add3A_173 = arith.addi %mul3A_4, %mul3A_172 : i32
        %dma_start3A_174 = tpu.memref_slice %arg3[%add3A_173] : memref<320000xi32, #tpu.memory_space<hbm>> -> memref<80xi32, #tpu.memory_space<hbm>>
        %dma_start3A_175 = tpu.memref_slice %arg3[%add3A_173] : memref<320000xi32, #tpu.memory_space<hbm>> -> memref<80xi32, #tpu.memory_space<hbm>>
        tpu.enqueue_dma source(%dma_start3A_175 : memref<80xi32, #tpu.memory_space<hbm>>) target(%arg8 : memref<80xi32, #tpu.memory_space<vmem>>) target_semaphore(%arg29 : memref<!tpu.dma_semaphore, #tpu.memory_space<semaphore_mem>>)
        %mul3A_176 = arith.constant 80 : i32
        %mul3A_177 = arith.muli %add3A_170, %mul3A_176 : i32
        %add3A_178 = arith.addi %mul3A_4, %mul3A_177 : i32
        %dma_start3A_179 = tpu.memref_slice %arg4[%add3A_178] : memref<320000xi32, #tpu.memory_space<hbm>> -> memref<80xi32, #tpu.memory_space<hbm>>
        %dma_start3A_180 = tpu.memref_slice %arg4[%add3A_178] : memref<320000xi32, #tpu.memory_space<hbm>> -> memref<80xi32, #tpu.memory_space<hbm>>
        tpu.enqueue_dma source(%dma_start3A_180 : memref<80xi32, #tpu.memory_space<hbm>>) target(%arg12 : memref<80xi32, #tpu.memory_space<vmem>>) target_semaphore(%arg29 : memref<!tpu.dma_semaphore, #tpu.memory_space<semaphore_mem>>)
      } else {
      }
      %dma_wait3A_158 = tpu.memref_slice %arg3[%mul3A_4] : memref<320000xi32, #tpu.memory_space<hbm>> -> memref<80xi32, #tpu.memory_space<hbm>>
      %dma_wait3A_159 = tpu.memref_slice %arg3[%mul3A_4] : memref<320000xi32, #tpu.memory_space<hbm>> -> memref<80xi32, #tpu.memory_space<hbm>>
      tpu.wait_dma2 semaphore(%arg28 : memref<!tpu.dma_semaphore, #tpu.memory_space<semaphore_mem>>) src(%dma_wait3A_159 : memref<80xi32, #tpu.memory_space<hbm>>) dst(%arg7 : memref<80xi32, #tpu.memory_space<vmem>>)
      %dma_wait3A_160 = tpu.memref_slice %arg4[%mul3A_4] : memref<320000xi32, #tpu.memory_space<hbm>> -> memref<80xi32, #tpu.memory_space<hbm>>
      %dma_wait3A_161 = tpu.memref_slice %arg4[%mul3A_4] : memref<320000xi32, #tpu.memory_space<hbm>> -> memref<80xi32, #tpu.memory_space<hbm>>
      tpu.wait_dma2 semaphore(%arg28 : memref<!tpu.dma_semaphore, #tpu.memory_space<semaphore_mem>>) src(%dma_wait3A_161 : memref<80xi32, #tpu.memory_space<hbm>>) dst(%arg11 : memref<80xi32, #tpu.memory_space<vmem>>)
      %dma_start3A_162 = arith.constant 0 : i32
      %dma_start3A_163 = arith.constant 0 : i32
      %dma_start3A_164 = tpu.memref_slice %arg2[%dma_start3A_162, %dma_start3A_163] : memref<10000x128xf32, #tpu.memory_space<hbm>> -> memref<10000x128xf32, #tpu.memory_space<hbm>>
      tpu.enqueue_indirect_dma source(%dma_start3A_164 : memref<10000x128xf32, #tpu.memory_space<hbm>>) target(%arg15 : memref<80x128xf32, #tpu.memory_space<vmem>>) offsets(%arg7 : memref<80xi32, #tpu.memory_space<vmem>>) semaphore(%arg20 : memref<!tpu.dma_semaphore, #tpu.memory_space<semaphore_mem>>)
    }
    %scan3A_30 = arith.constant 31 : i32
    %dma_wait3A_31 = arith.constant 0 : i32
    %dma_wait3A_32 = arith.constant 0 : i32
    %dma_wait3A_33 = tpu.memref_slice %arg2[%dma_wait3A_31, %dma_wait3A_32] : memref<10000x128xf32, #tpu.memory_space<hbm>> -> memref<10000x128xf32, #tpu.memory_space<hbm>>
    tpu.wait_indirect_dma semaphore(%arg20 : memref<!tpu.dma_semaphore, #tpu.memory_space<semaphore_mem>>) src(%dma_wait3A_33 : memref<10000x128xf32, #tpu.memory_space<hbm>>) dst(%arg15 : memref<80x128xf32, #tpu.memory_space<vmem>>)
    %dma_start3A_34 = arith.constant 0 : i32
    %dma_start3A_35 = arith.constant 0 : i32
    %dma_start3A_36 = tpu.memref_slice %arg19[%dma_start3A_34, %dma_start3A_35] : memref<10240x128xf32, #tpu.memory_space<vmem_shared>> -> memref<10240x128xf32, #tpu.memory_space<vmem_shared>>
    tpu.enqueue_indirect_dma source(%arg15 : memref<80x128xf32, #tpu.memory_space<vmem>>) target(%dma_start3A_36 : memref<10240x128xf32, #tpu.memory_space<vmem_shared>>) offsets(%arg11 : memref<80xi32, #tpu.memory_space<vmem>>) semaphore(%arg24 : memref<!tpu.dma_semaphore, #tpu.memory_space<semaphore_mem>>) {add = true}
    %dma_wait3A_37 = arith.constant 0 : i32
    %dma_wait3A_38 = arith.constant 0 : i32
    %dma_wait3A_39 = tpu.memref_slice %arg19[%dma_wait3A_37, %dma_wait3A_38] : memref<10240x128xf32, #tpu.memory_space<vmem_shared>> -> memref<10240x128xf32, #tpu.memory_space<vmem_shared>>
    tpu.wait_indirect_dma semaphore(%arg24 : memref<!tpu.dma_semaphore, #tpu.memory_space<semaphore_mem>>) src(%arg15 : memref<80x128xf32, #tpu.memory_space<vmem>>) dst(%dma_wait3A_39 : memref<10240x128xf32, #tpu.memory_space<vmem_shared>>)
    %dma_wait3A_40 = arith.constant 0 : i32
    %dma_wait3A_41 = arith.constant 0 : i32
    %dma_wait3A_42 = tpu.memref_slice %arg19[%dma_wait3A_40, %dma_wait3A_41] : memref<10240x128xf32, #tpu.memory_space<vmem_shared>> -> memref<10240x128xf32, #tpu.memory_space<vmem_shared>>
    tpu.wait_indirect_dma semaphore(%arg26 : memref<!tpu.dma_semaphore, #tpu.memory_space<semaphore_mem>>) src(%arg17 : memref<80x128xf32, #tpu.memory_space<vmem>>) dst(%dma_wait3A_42 : memref<10240x128xf32, #tpu.memory_space<vmem_shared>>)
    %dma_wait3A_43 = arith.constant 0 : i32
    %dma_wait3A_44 = arith.constant 0 : i32
    %dma_wait3A_45 = tpu.memref_slice %arg19[%dma_wait3A_43, %dma_wait3A_44] : memref<10240x128xf32, #tpu.memory_space<vmem_shared>> -> memref<10240x128xf32, #tpu.memory_space<vmem_shared>>
    tpu.wait_indirect_dma semaphore(%arg27 : memref<!tpu.dma_semaphore, #tpu.memory_space<semaphore_mem>>) src(%arg18 : memref<80x128xf32, #tpu.memory_space<vmem>>) dst(%dma_wait3A_45 : memref<10240x128xf32, #tpu.memory_space<vmem_shared>>)
    %barrier3A_46 = arith.constant 0 : index
    tpu.barrier barrier_id(%barrier3A_46)
    "tpu.region"() ({
      %run_scoped3A = tpu.sem_alloc : memref<!tpu.dma_semaphore, #tpu.memory_space<semaphore_mem>>
      %dma_start3A_47 = arith.constant 0 : i32
      %dma_start3A_48 = tpu.memref_slice %arg6[%arg0, %mul3A_0, %dma_start3A_47] : memref<2x10240x128xf32, #tpu.memory_space<hbm>> -> memref<1x640x128xf32, #tpu.memory_space<hbm>>
      %dma_start3A_49 = tpu.memref_squeeze %dma_start3A_48 : memref<1x640x128xf32, #tpu.memory_space<hbm>> -> memref<640x128xf32, #tpu.memory_space<hbm>>
      %dma_start3A_50 = arith.constant 0 : i32
      %dma_start3A_51 = tpu.memref_slice %arg19[%mul3A_0, %dma_start3A_50] : memref<10240x128xf32, #tpu.memory_space<vmem_shared>> -> memref<640x128xf32, #tpu.memory_space<vmem_shared>>
      tpu.enqueue_dma source(%dma_start3A_51 : memref<640x128xf32, #tpu.memory_space<vmem_shared>>) target(%dma_start3A_49 : memref<640x128xf32, #tpu.memory_space<hbm>>) target_semaphore(%run_scoped3A : memref<!tpu.dma_semaphore, #tpu.memory_space<semaphore_mem>>)
      %dma_wait3A_52 = arith.constant 0 : i32
      %dma_wait3A_53 = tpu.memref_slice %arg6[%arg0, %mul3A_0, %dma_wait3A_52] : memref<2x10240x128xf32, #tpu.memory_space<hbm>> -> memref<1x640x128xf32, #tpu.memory_space<hbm>>
      %dma_wait3A_54 = tpu.memref_squeeze %dma_wait3A_53 : memref<1x640x128xf32, #tpu.memory_space<hbm>> -> memref<640x128xf32, #tpu.memory_space<hbm>>
      %dma_wait3A_55 = arith.constant 0 : i32
      %dma_wait3A_56 = tpu.memref_slice %arg19[%mul3A_0, %dma_wait3A_55] : memref<10240x128xf32, #tpu.memory_space<vmem_shared>> -> memref<640x128xf32, #tpu.memory_space<vmem_shared>>
      tpu.wait_dma2 semaphore(%run_scoped3A : memref<!tpu.dma_semaphore, #tpu.memory_space<semaphore_mem>>) src(%dma_wait3A_56 : memref<640x128xf32, #tpu.memory_space<vmem_shared>>) dst(%dma_wait3A_54 : memref<640x128xf32, #tpu.memory_space<hbm>>)
      tpu.yield
    }) : () -> ()
    return
  }
}

#map = affine_map<(d0, d1) -> (0, 0)>
#map1 = affine_map<(d0, d1) -> (0)>
#map2 = affine_map<(d0, d1) -> (0, 0, 0)>
module attributes {stable_mosaic.version = 14 : i64} {
  func.func @scatter_kernel(%arg0: i32, %arg1: i32, %arg2: memref<10000x128xf32, #tpu.memory_space<hbm>>, %arg3: memref<320000xi32, #tpu.memory_space<hbm>>, %arg4: memref<320000xi32, #tpu.memory_space<hbm>>, %arg5: memref<640x128xf32, #tpu.memory_space<hbm>>, %arg6: memref<2x10240x128xf32, #tpu.memory_space<hbm>>, %arg7: memref<80xi32, #tpu.memory_space<vmem>>, %arg8: memref<80xi32, #tpu.memory_space<vmem>>, %arg9: memref<80xi32, #tpu.memory_space<vmem>>, %arg10: memref<80xi32, #tpu.memory_space<vmem>>, %arg11: memref<80xi32, #tpu.memory_space<vmem>>, %arg12: memref<80xi32, #tpu.memory_space<vmem>>, %arg13: memref<80xi32, #tpu.memory_space<vmem>>, %arg14: memref<80xi32, #tpu.memory_space<vmem>>, %arg15: memref<80x128xf32, #tpu.memory_space<vmem>>, %arg16: memref<80x128xf32, #tpu.memory_space<vmem>>, %arg17: memref<80x128xf32, #tpu.memory_space<vmem>>, %arg18: memref<80x128xf32, #tpu.memory_space<vmem>>, %arg19: memref<10240x128xf32, #tpu.memory_space<vmem_shared>>, %arg20: memref<!tpu.dma_semaphore, #tpu.memory_space<semaphore_mem>>, %arg21: memref<!tpu.dma_semaphore, #tpu.memory_space<semaphore_mem>>, %arg22: memref<!tpu.dma_semaphore, #tpu.memory_space<semaphore_mem>>, %arg23: memref<!tpu.dma_semaphore, #tpu.memory_space<semaphore_mem>>, %arg24: memref<!tpu.dma_semaphore, #tpu.memory_space<semaphore_mem>>, %arg25: memref<!tpu.dma_semaphore, #tpu.memory_space<semaphore_mem>>, %arg26: memref<!tpu.dma_semaphore, #tpu.memory_space<semaphore_mem>>, %arg27: memref<!tpu.dma_semaphore, #tpu.memory_space<semaphore_mem>>, %arg28: memref<!tpu.dma_semaphore, #tpu.memory_space<semaphore_mem>>, %arg29: memref<!tpu.dma_semaphore, #tpu.memory_space<semaphore_mem>>, %arg30: memref<!tpu.dma_semaphore, #tpu.memory_space<semaphore_mem>>, %arg31: memref<!tpu.dma_semaphore, #tpu.memory_space<semaphore_mem>>) attributes {dimension_semantics = [#tpu.dimension_semantics<core_parallel>, #tpu.dimension_semantics<subcore_parallel>], iteration_bounds = array<i64: 2, 16>, scalar_prefetch = 0 : i64, scratch_operands = 25 : i64, tpu.core_type = #tpu.core_type<sc_vector_subcore>, window_params = [{transform_indices = #map}, {transform_indices = #map1}, {transform_indices = #map1}, {transform_indices = #map}, {transform_indices = #map2}]} {
    %mul3A = arith.constant 640 : i32
    %mul3A_0 = arith.muli %arg1, %mul3A : i32
    %mul3A_1 = arith.constant 16 : i32
    %mul3A_2 = arith.muli %arg0, %mul3A_1 : i32
    %add3A = arith.addi %mul3A_2, %arg1 : i32
    %mul3A_3 = arith.constant 10000 : i32
    %mul3A_4 = arith.muli %add3A, %mul3A_3 : i32
    %add3A_5 = arith.constant 0 : i32
    %add3A_6 = arith.addi %mul3A_4, %add3A_5 : i32
    %dma_start3A = tpu.memref_slice %arg3[%add3A_6] : memref<320000xi32, #tpu.memory_space<hbm>> -> memref<80xi32, #tpu.memory_space<hbm>>
    %dma_start3A_7 = tpu.memref_slice %arg3[%add3A_6] : memref<320000xi32, #tpu.memory_space<hbm>> -> memref<80xi32, #tpu.memory_space<hbm>>
    tpu.enqueue_dma source(%dma_start3A_7 : memref<80xi32, #tpu.memory_space<hbm>>) target(%arg7 : memref<80xi32, #tpu.memory_space<vmem>>) target_semaphore(%arg28 : memref<!tpu.dma_semaphore, #tpu.memory_space<semaphore_mem>>)
    %add3A_8 = arith.constant 0 : i32
    %add3A_9 = arith.addi %mul3A_4, %add3A_8 : i32
    %dma_start3A_10 = tpu.memref_slice %arg4[%add3A_9] : memref<320000xi32, #tpu.memory_space<hbm>> -> memref<80xi32, #tpu.memory_space<hbm>>
    %dma_start3A_11 = tpu.memref_slice %arg4[%add3A_9] : memref<320000xi32, #tpu.memory_space<hbm>> -> memref<80xi32, #tpu.memory_space<hbm>>
    tpu.enqueue_dma source(%dma_start3A_11 : memref<80xi32, #tpu.memory_space<hbm>>) target(%arg11 : memref<80xi32, #tpu.memory_space<vmem>>) target_semaphore(%arg28 : memref<!tpu.dma_semaphore, #tpu.memory_space<semaphore_mem>>)
    %add3A_12 = arith.constant 80 : i32
    %add3A_13 = arith.addi %mul3A_4, %add3A_12 : i32
    %dma_start3A_14 = tpu.memref_slice %arg3[%add3A_13] : memref<320000xi32, #tpu.memory_space<hbm>> -> memref<80xi32, #tpu.memory_space<hbm>>
    %dma_start3A_15 = tpu.memref_slice %arg3[%add3A_13] : memref<320000xi32, #tpu.memory_space<hbm>> -> memref<80xi32, #tpu.memory_space<hbm>>
    tpu.enqueue_dma source(%dma_start3A_15 : memref<80xi32, #tpu.memory_space<hbm>>) target(%arg8 : memref<80xi32, #tpu.memory_space<vmem>>) target_semaphore(%arg29 : memref<!tpu.dma_semaphore, #tpu.memory_space<semaphore_mem>>)
    %add3A_16 = arith.constant 80 : i32
    %add3A_17 = arith.addi %mul3A_4, %add3A_16 : i32
    %dma_start3A_18 = tpu.memref_slice %arg4[%add3A_17] : memref<320000xi32, #tpu.memory_space<hbm>> -> memref<80xi32, #tpu.memory_space<hbm>>
    %dma_start3A_19 = tpu.memref_slice %arg4[%add3A_17] : memref<320000xi32, #tpu.memory_space<hbm>> -> memref<80xi32, #tpu.memory_space<hbm>>
    tpu.enqueue_dma source(%dma_start3A_19 : memref<80xi32, #tpu.memory_space<hbm>>) target(%arg12 : memref<80xi32, #tpu.memory_space<vmem>>) target_semaphore(%arg29 : memref<!tpu.dma_semaphore, #tpu.memory_space<semaphore_mem>>)
    "tpu.region"() ({
      %run_scoped3A = tpu.sem_alloc : memref<!tpu.dma_semaphore, #tpu.memory_space<semaphore_mem>>
      %dma_start3A_47 = arith.constant 0 : i32
      %dma_start3A_48 = tpu.memref_slice %arg19[%mul3A_0, %dma_start3A_47] : memref<10240x128xf32, #tpu.memory_space<vmem_shared>> -> memref<640x128xf32, #tpu.memory_space<vmem_shared>>
      tpu.enqueue_dma source(%arg5 : memref<640x128xf32, #tpu.memory_space<hbm>>) target(%dma_start3A_48 : memref<640x128xf32, #tpu.memory_space<vmem_shared>>) target_semaphore(%run_scoped3A : memref<!tpu.dma_semaphore, #tpu.memory_space<semaphore_mem>>)
      %dma_wait3A_49 = arith.constant 0 : i32
      %dma_wait3A_50 = tpu.memref_slice %arg19[%mul3A_0, %dma_wait3A_49] : memref<10240x128xf32, #tpu.memory_space<vmem_shared>> -> memref<640x128xf32, #tpu.memory_space<vmem_shared>>
      tpu.wait_dma2 semaphore(%run_scoped3A : memref<!tpu.dma_semaphore, #tpu.memory_space<semaphore_mem>>) src(%arg5 : memref<640x128xf32, #tpu.memory_space<hbm>>) dst(%dma_wait3A_50 : memref<640x128xf32, #tpu.memory_space<vmem_shared>>)
      tpu.yield
    }) : () -> ()
    %dma_wait3A = tpu.memref_slice %arg3[%mul3A_4] : memref<320000xi32, #tpu.memory_space<hbm>> -> memref<80xi32, #tpu.memory_space<hbm>>
    %dma_wait3A_20 = tpu.memref_slice %arg3[%mul3A_4] : memref<320000xi32, #tpu.memory_space<hbm>> -> memref<80xi32, #tpu.memory_space<hbm>>
    tpu.wait_dma2 semaphore(%arg28 : memref<!tpu.dma_semaphore, #tpu.memory_space<semaphore_mem>>) src(%dma_wait3A_20 : memref<80xi32, #tpu.memory_space<hbm>>) dst(%arg7 : memref<80xi32, #tpu.memory_space<vmem>>)
    %dma_wait3A_21 = tpu.memref_slice %arg4[%mul3A_4] : memref<320000xi32, #tpu.memory_space<hbm>> -> memref<80xi32, #tpu.memory_space<hbm>>
    %dma_wait3A_22 = tpu.memref_slice %arg4[%mul3A_4] : memref<320000xi32, #tpu.memory_space<hbm>> -> memref<80xi32, #tpu.memory_space<hbm>>
    tpu.wait_dma2 semaphore(%arg28 : memref<!tpu.dma_semaphore, #tpu.memory_space<semaphore_mem>>) src(%dma_wait3A_22 : memref<80xi32, #tpu.memory_space<hbm>>) dst(%arg11 : memref<80xi32, #tpu.memory_space<vmem>>)
    %dma_start3A_23 = arith.constant 0 : i32
    %dma_start3A_24 = arith.constant 0 : i32
    %dma_start3A_25 = tpu.memref_slice %arg2[%dma_start3A_23, %dma_start3A_24] : memref<10000x128xf32, #tpu.memory_space<hbm>> -> memref<10000x128xf32, #tpu.memory_space<hbm>>
    tpu.enqueue_indirect_dma source(%dma_start3A_25 : memref<10000x128xf32, #tpu.memory_space<hbm>>) target(%arg15 : memref<80x128xf32, #tpu.memory_space<vmem>>) offsets(%arg7 : memref<80xi32, #tpu.memory_space<vmem>>) semaphore(%arg20 : memref<!tpu.dma_semaphore, #tpu.memory_space<semaphore_mem>>)
    %barrier3A = arith.constant 0 : index
    tpu.barrier barrier_id(%barrier3A)
    %scan3A = arith.constant 0 : i32
    %scan3A_26 = arith.constant 0 : i32
    %scan3A_27 = arith.constant 31 : i32
    %scan3A_28 = arith.addi %scan3A_26, %scan3A_27 : i32
    %scan3A_29 = arith.constant 1 : i32
    scf.for %scan3A_47 = %scan3A_26 to %scan3A_28 step %scan3A_29  : i32 {
      %dma_wait3A_48 = arith.constant 0 : i32
      %dma_wait3A_49 = arith.constant 0 : i32
      %dma_wait3A_50 = tpu.memref_slice %arg2[%dma_wait3A_48, %dma_wait3A_49] : memref<10000x128xf32, #tpu.memory_space<hbm>> -> memref<10000x128xf32, #tpu.memory_space<hbm>>
      tpu.wait_indirect_dma semaphore(%arg20 : memref<!tpu.dma_semaphore, #tpu.memory_space<semaphore_mem>>) src(%dma_wait3A_50 : memref<10000x128xf32, #tpu.memory_space<hbm>>) dst(%arg15 : memref<80x128xf32, #tpu.memory_space<vmem>>)
      %dma_start3A_51 = arith.constant 0 : i32
      %dma_start3A_52 = arith.constant 0 : i32
      %dma_start3A_53 = tpu.memref_slice %arg19[%dma_start3A_51, %dma_start3A_52] : memref<10240x128xf32, #tpu.memory_space<vmem_shared>> -> memref<10240x128xf32, #tpu.memory_space<vmem_shared>>
      tpu.enqueue_indirect_dma source(%arg15 : memref<80x128xf32, #tpu.memory_space<vmem>>) target(%dma_start3A_53 : memref<10240x128xf32, #tpu.memory_space<vmem_shared>>) offsets(%arg11 : memref<80xi32, #tpu.memory_space<vmem>>) semaphore(%arg24 : memref<!tpu.dma_semaphore, #tpu.memory_space<semaphore_mem>>) {add = true}
      %gt3A = arith.constant 0 : i32
      %gt3A_54 = arith.cmpi sgt, %scan3A_47, %gt3A : i32
      %convert_element_type3A = arith.extui %gt3A_54 : i1 to i32
      %cond3A = arith.constant 0 : i32
      %cond3A_55 = arith.cmpi ne, %convert_element_type3A, %cond3A : i32
      scf.if %cond3A_55 {
        %dma_wait3A_165 = arith.constant 0 : i32
        %dma_wait3A_166 = arith.constant 0 : i32
        %dma_wait3A_167 = tpu.memref_slice %arg19[%dma_wait3A_165, %dma_wait3A_166] : memref<10240x128xf32, #tpu.memory_space<vmem_shared>> -> memref<10240x128xf32, #tpu.memory_space<vmem_shared>>
        tpu.wait_indirect_dma semaphore(%arg26 : memref<!tpu.dma_semaphore, #tpu.memory_space<semaphore_mem>>) src(%arg17 : memref<80x128xf32, #tpu.memory_space<vmem>>) dst(%dma_wait3A_167 : memref<10240x128xf32, #tpu.memory_space<vmem_shared>>)
      } else {
      }
      %mul3A_56 = arith.constant 4 : i32
      %mul3A_57 = arith.muli %mul3A_56, %scan3A_47 : i32
      %add3A_58 = arith.constant 0 : i32
      %add3A_59 = arith.addi %mul3A_57, %add3A_58 : i32
      %add3A_60 = arith.constant 2 : i32
      %add3A_61 = arith.addi %add3A_59, %add3A_60 : i32
      %mul3A_62 = arith.constant 80 : i32
      %mul3A_63 = arith.muli %add3A_61, %mul3A_62 : i32
      %add3A_64 = arith.addi %mul3A_4, %mul3A_63 : i32
      %dma_start3A_65 = tpu.memref_slice %arg3[%add3A_64] : memref<320000xi32, #tpu.memory_space<hbm>> -> memref<80xi32, #tpu.memory_space<hbm>>
      %dma_start3A_66 = tpu.memref_slice %arg3[%add3A_64] : memref<320000xi32, #tpu.memory_space<hbm>> -> memref<80xi32, #tpu.memory_space<hbm>>
      tpu.enqueue_dma source(%dma_start3A_66 : memref<80xi32, #tpu.memory_space<hbm>>) target(%arg9 : memref<80xi32, #tpu.memory_space<vmem>>) target_semaphore(%arg30 : memref<!tpu.dma_semaphore, #tpu.memory_space<semaphore_mem>>)
      %mul3A_67 = arith.constant 80 : i32
      %mul3A_68 = arith.muli %add3A_61, %mul3A_67 : i32
      %add3A_69 = arith.addi %mul3A_4, %mul3A_68 : i32
      %dma_start3A_70 = tpu.memref_slice %arg4[%add3A_69] : memref<320000xi32, #tpu.memory_space<hbm>> -> memref<80xi32, #tpu.memory_space<hbm>>
      %dma_start3A_71 = tpu.memref_slice %arg4[%add3A_69] : memref<320000xi32, #tpu.memory_space<hbm>> -> memref<80xi32, #tpu.memory_space<hbm>>
      tpu.enqueue_dma source(%dma_start3A_71 : memref<80xi32, #tpu.memory_space<hbm>>) target(%arg13 : memref<80xi32, #tpu.memory_space<vmem>>) target_semaphore(%arg30 : memref<!tpu.dma_semaphore, #tpu.memory_space<semaphore_mem>>)
      %dma_wait3A_72 = tpu.memref_slice %arg3[%mul3A_4] : memref<320000xi32, #tpu.memory_space<hbm>> -> memref<80xi32, #tpu.memory_space<hbm>>
      %dma_wait3A_73 = tpu.memref_slice %arg3[%mul3A_4] : memref<320000xi32, #tpu.memory_space<hbm>> -> memref<80xi32, #tpu.memory_space<hbm>>
      tpu.wait_dma2 semaphore(%arg29 : memref<!tpu.dma_semaphore, #tpu.memory_space<semaphore_mem>>) src(%dma_wait3A_73 : memref<80xi32, #tpu.memory_space<hbm>>) dst(%arg8 : memref<80xi32, #tpu.memory_space<vmem>>)
      %dma_wait3A_74 = tpu.memref_slice %arg4[%mul3A_4] : memref<320000xi32, #tpu.memory_space<hbm>> -> memref<80xi32, #tpu.memory_space<hbm>>
      %dma_wait3A_75 = tpu.memref_slice %arg4[%mul3A_4] : memref<320000xi32, #tpu.memory_space<hbm>> -> memref<80xi32, #tpu.memory_space<hbm>>
      tpu.wait_dma2 semaphore(%arg29 : memref<!tpu.dma_semaphore, #tpu.memory_space<semaphore_mem>>) src(%dma_wait3A_75 : memref<80xi32, #tpu.memory_space<hbm>>) dst(%arg12 : memref<80xi32, #tpu.memory_space<vmem>>)
      %dma_start3A_76 = arith.constant 0 : i32
      %dma_start3A_77 = arith.constant 0 : i32
      %dma_start3A_78 = tpu.memref_slice %arg2[%dma_start3A_76, %dma_start3A_77] : memref<10000x128xf32, #tpu.memory_space<hbm>> -> memref<10000x128xf32, #tpu.memory_space<hbm>>
      tpu.enqueue_indirect_dma source(%dma_start3A_78 : memref<10000x128xf32, #tpu.memory_space<hbm>>) target(%arg16 : memref<80x128xf32, #tpu.memory_space<vmem>>) offsets(%arg8 : memref<80xi32, #tpu.memory_space<vmem>>) semaphore(%arg21 : memref<!tpu.dma_semaphore, #tpu.memory_space<semaphore_mem>>)
      %dma_wait3A_79 = arith.constant 0 : i32
      %dma_wait3A_80 = arith.constant 0 : i32
      %dma_wait3A_81 = tpu.memref_slice %arg2[%dma_wait3A_79, %dma_wait3A_80] : memref<10000x128xf32, #tpu.memory_space<hbm>> -> memref<10000x128xf32, #tpu.memory_space<hbm>>
      tpu.wait_indirect_dma semaphore(%arg21 : memref<!tpu.dma_semaphore, #tpu.memory_space<semaphore_mem>>) src(%dma_wait3A_81 : memref<10000x128xf32, #tpu.memory_space<hbm>>) dst(%arg16 : memref<80x128xf32, #tpu.memory_space<vmem>>)
      %dma_start3A_82 = arith.constant 0 : i32
      %dma_start3A_83 = arith.constant 0 : i32
      %dma_start3A_84 = tpu.memref_slice %arg19[%dma_start3A_82, %dma_start3A_83] : memref<10240x128xf32, #tpu.memory_space<vmem_shared>> -> memref<10240x128xf32, #tpu.memory_space<vmem_shared>>
      tpu.enqueue_indirect_dma source(%arg16 : memref<80x128xf32, #tpu.memory_space<vmem>>) target(%dma_start3A_84 : memref<10240x128xf32, #tpu.memory_space<vmem_shared>>) offsets(%arg12 : memref<80xi32, #tpu.memory_space<vmem>>) semaphore(%arg25 : memref<!tpu.dma_semaphore, #tpu.memory_space<semaphore_mem>>) {add = true}
      %gt3A_85 = arith.constant 0 : i32
      %gt3A_86 = arith.cmpi sgt, %scan3A_47, %gt3A_85 : i32
      %convert_element_type3A_87 = arith.extui %gt3A_86 : i1 to i32
      %cond3A_88 = arith.constant 0 : i32
      %cond3A_89 = arith.cmpi ne, %convert_element_type3A_87, %cond3A_88 : i32
      scf.if %cond3A_89 {
        %dma_wait3A_165 = arith.constant 0 : i32
        %dma_wait3A_166 = arith.constant 0 : i32
        %dma_wait3A_167 = tpu.memref_slice %arg19[%dma_wait3A_165, %dma_wait3A_166] : memref<10240x128xf32, #tpu.memory_space<vmem_shared>> -> memref<10240x128xf32, #tpu.memory_space<vmem_shared>>
        tpu.wait_indirect_dma semaphore(%arg27 : memref<!tpu.dma_semaphore, #tpu.memory_space<semaphore_mem>>) src(%arg18 : memref<80x128xf32, #tpu.memory_space<vmem>>) dst(%dma_wait3A_167 : memref<10240x128xf32, #tpu.memory_space<vmem_shared>>)
      } else {
      }
      %mul3A_90 = arith.constant 4 : i32
      %mul3A_91 = arith.muli %mul3A_90, %scan3A_47 : i32
      %add3A_92 = arith.constant 1 : i32
      %add3A_93 = arith.addi %mul3A_91, %add3A_92 : i32
      %add3A_94 = arith.constant 2 : i32
      %add3A_95 = arith.addi %add3A_93, %add3A_94 : i32
      %mul3A_96 = arith.constant 80 : i32
      %mul3A_97 = arith.muli %add3A_95, %mul3A_96 : i32
      %add3A_98 = arith.addi %mul3A_4, %mul3A_97 : i32
      %dma_start3A_99 = tpu.memref_slice %arg3[%add3A_98] : memref<320000xi32, #tpu.memory_space<hbm>> -> memref<80xi32, #tpu.memory_space<hbm>>
      %dma_start3A_100 = tpu.memref_slice %arg3[%add3A_98] : memref<320000xi32, #tpu.memory_space<hbm>> -> memref<80xi32, #tpu.memory_space<hbm>>
      tpu.enqueue_dma source(%dma_start3A_100 : memref<80xi32, #tpu.memory_space<hbm>>) target(%arg10 : memref<80xi32, #tpu.memory_space<vmem>>) target_semaphore(%arg31 : memref<!tpu.dma_semaphore, #tpu.memory_space<semaphore_mem>>)
      %mul3A_101 = arith.constant 80 : i32
      %mul3A_102 = arith.muli %add3A_95, %mul3A_101 : i32
      %add3A_103 = arith.addi %mul3A_4, %mul3A_102 : i32
      %dma_start3A_104 = tpu.memref_slice %arg4[%add3A_103] : memref<320000xi32, #tpu.memory_space<hbm>> -> memref<80xi32, #tpu.memory_space<hbm>>
      %dma_start3A_105 = tpu.memref_slice %arg4[%add3A_103] : memref<320000xi32, #tpu.memory_space<hbm>> -> memref<80xi32, #tpu.memory_space<hbm>>
      tpu.enqueue_dma source(%dma_start3A_105 : memref<80xi32, #tpu.memory_space<hbm>>) target(%arg14 : memref<80xi32, #tpu.memory_space<vmem>>) target_semaphore(%arg31 : memref<!tpu.dma_semaphore, #tpu.memory_space<semaphore_mem>>)
      %dma_wait3A_106 = tpu.memref_slice %arg3[%mul3A_4] : memref<320000xi32, #tpu.memory_space<hbm>> -> memref<80xi32, #tpu.memory_space<hbm>>
      %dma_wait3A_107 = tpu.memref_slice %arg3[%mul3A_4] : memref<320000xi32, #tpu.memory_space<hbm>> -> memref<80xi32, #tpu.memory_space<hbm>>
      tpu.wait_dma2 semaphore(%arg30 : memref<!tpu.dma_semaphore, #tpu.memory_space<semaphore_mem>>) src(%dma_wait3A_107 : memref<80xi32, #tpu.memory_space<hbm>>) dst(%arg9 : memref<80xi32, #tpu.memory_space<vmem>>)
      %dma_wait3A_108 = tpu.memref_slice %arg4[%mul3A_4] : memref<320000xi32, #tpu.memory_space<hbm>> -> memref<80xi32, #tpu.memory_space<hbm>>
      %dma_wait3A_109 = tpu.memref_slice %arg4[%mul3A_4] : memref<320000xi32, #tpu.memory_space<hbm>> -> memref<80xi32, #tpu.memory_space<hbm>>
      tpu.wait_dma2 semaphore(%arg30 : memref<!tpu.dma_semaphore, #tpu.memory_space<semaphore_mem>>) src(%dma_wait3A_109 : memref<80xi32, #tpu.memory_space<hbm>>) dst(%arg13 : memref<80xi32, #tpu.memory_space<vmem>>)
      %dma_start3A_110 = arith.constant 0 : i32
      %dma_start3A_111 = arith.constant 0 : i32
      %dma_start3A_112 = tpu.memref_slice %arg2[%dma_start3A_110, %dma_start3A_111] : memref<10000x128xf32, #tpu.memory_space<hbm>> -> memref<10000x128xf32, #tpu.memory_space<hbm>>
      tpu.enqueue_indirect_dma source(%dma_start3A_112 : memref<10000x128xf32, #tpu.memory_space<hbm>>) target(%arg17 : memref<80x128xf32, #tpu.memory_space<vmem>>) offsets(%arg9 : memref<80xi32, #tpu.memory_space<vmem>>) semaphore(%arg22 : memref<!tpu.dma_semaphore, #tpu.memory_space<semaphore_mem>>)
      %dma_wait3A_113 = arith.constant 0 : i32
      %dma_wait3A_114 = arith.constant 0 : i32
      %dma_wait3A_115 = tpu.memref_slice %arg2[%dma_wait3A_113, %dma_wait3A_114] : memref<10000x128xf32, #tpu.memory_space<hbm>> -> memref<10000x128xf32, #tpu.memory_space<hbm>>
      tpu.wait_indirect_dma semaphore(%arg22 : memref<!tpu.dma_semaphore, #tpu.memory_space<semaphore_mem>>) src(%dma_wait3A_115 : memref<10000x128xf32, #tpu.memory_space<hbm>>) dst(%arg17 : memref<80x128xf32, #tpu.memory_space<vmem>>)
      %dma_start3A_116 = arith.constant 0 : i32
      %dma_start3A_117 = arith.constant 0 : i32
      %dma_start3A_118 = tpu.memref_slice %arg19[%dma_start3A_116, %dma_start3A_117] : memref<10240x128xf32, #tpu.memory_space<vmem_shared>> -> memref<10240x128xf32, #tpu.memory_space<vmem_shared>>
      tpu.enqueue_indirect_dma source(%arg17 : memref<80x128xf32, #tpu.memory_space<vmem>>) target(%dma_start3A_118 : memref<10240x128xf32, #tpu.memory_space<vmem_shared>>) offsets(%arg13 : memref<80xi32, #tpu.memory_space<vmem>>) semaphore(%arg26 : memref<!tpu.dma_semaphore, #tpu.memory_space<semaphore_mem>>) {add = true}
      %dma_wait3A_119 = arith.constant 0 : i32
      %dma_wait3A_120 = arith.constant 0 : i32
      %dma_wait3A_121 = tpu.memref_slice %arg19[%dma_wait3A_119, %dma_wait3A_120] : memref<10240x128xf32, #tpu.memory_space<vmem_shared>> -> memref<10240x128xf32, #tpu.memory_space<vmem_shared>>
      tpu.wait_indirect_dma semaphore(%arg24 : memref<!tpu.dma_semaphore, #tpu.memory_space<semaphore_mem>>) src(%arg15 : memref<80x128xf32, #tpu.memory_space<vmem>>) dst(%dma_wait3A_121 : memref<10240x128xf32, #tpu.memory_space<vmem_shared>>)
      %mul3A_122 = arith.constant 4 : i32
      %mul3A_123 = arith.muli %mul3A_122, %scan3A_47 : i32
      %add3A_124 = arith.constant 2 : i32
      %add3A_125 = arith.addi %mul3A_123, %add3A_124 : i32
      %add3A_126 = arith.constant 2 : i32
      %add3A_127 = arith.addi %add3A_125, %add3A_126 : i32
      %mul3A_128 = arith.constant 80 : i32
      %mul3A_129 = arith.muli %add3A_127, %mul3A_128 : i32
      %add3A_130 = arith.addi %mul3A_4, %mul3A_129 : i32
      %dma_start3A_131 = tpu.memref_slice %arg3[%add3A_130] : memref<320000xi32, #tpu.memory_space<hbm>> -> memref<80xi32, #tpu.memory_space<hbm>>
      %dma_start3A_132 = tpu.memref_slice %arg3[%add3A_130] : memref<320000xi32, #tpu.memory_space<hbm>> -> memref<80xi32, #tpu.memory_space<hbm>>
      tpu.enqueue_dma source(%dma_start3A_132 : memref<80xi32, #tpu.memory_space<hbm>>) target(%arg7 : memref<80xi32, #tpu.memory_space<vmem>>) target_semaphore(%arg28 : memref<!tpu.dma_semaphore, #tpu.memory_space<semaphore_mem>>)
      %mul3A_133 = arith.constant 80 : i32
      %mul3A_134 = arith.muli %add3A_127, %mul3A_133 : i32
      %add3A_135 = arith.addi %mul3A_4, %mul3A_134 : i32
      %dma_start3A_136 = tpu.memref_slice %arg4[%add3A_135] : memref<320000xi32, #tpu.memory_space<hbm>> -> memref<80xi32, #tpu.memory_space<hbm>>
      %dma_start3A_137 = tpu.memref_slice %arg4[%add3A_135] : memref<320000xi32, #tpu.memory_space<hbm>> -> memref<80xi32, #tpu.memory_space<hbm>>
      tpu.enqueue_dma source(%dma_start3A_137 : memref<80xi32, #tpu.memory_space<hbm>>) target(%arg11 : memref<80xi32, #tpu.memory_space<vmem>>) target_semaphore(%arg28 : memref<!tpu.dma_semaphore, #tpu.memory_space<semaphore_mem>>)
      %dma_wait3A_138 = tpu.memref_slice %arg3[%mul3A_4] : memref<320000xi32, #tpu.memory_space<hbm>> -> memref<80xi32, #tpu.memory_space<hbm>>
      %dma_wait3A_139 = tpu.memref_slice %arg3[%mul3A_4] : memref<320000xi32, #tpu.memory_space<hbm>> -> memref<80xi32, #tpu.memory_space<hbm>>
      tpu.wait_dma2 semaphore(%arg31 : memref<!tpu.dma_semaphore, #tpu.memory_space<semaphore_mem>>) src(%dma_wait3A_139 : memref<80xi32, #tpu.memory_space<hbm>>) dst(%arg10 : memref<80xi32, #tpu.memory_space<vmem>>)
      %dma_wait3A_140 = tpu.memref_slice %arg4[%mul3A_4] : memref<320000xi32, #tpu.memory_space<hbm>> -> memref<80xi32, #tpu.memory_space<hbm>>
      %dma_wait3A_141 = tpu.memref_slice %arg4[%mul3A_4] : memref<320000xi32, #tpu.memory_space<hbm>> -> memref<80xi32, #tpu.memory_space<hbm>>
      tpu.wait_dma2 semaphore(%arg31 : memref<!tpu.dma_semaphore, #tpu.memory_space<semaphore_mem>>) src(%dma_wait3A_141 : memref<80xi32, #tpu.memory_space<hbm>>) dst(%arg14 : memref<80xi32, #tpu.memory_space<vmem>>)
      %dma_start3A_142 = arith.constant 0 : i32
      %dma_start3A_143 = arith.constant 0 : i32
      %dma_start3A_144 = tpu.memref_slice %arg2[%dma_start3A_142, %dma_start3A_143] : memref<10000x128xf32, #tpu.memory_space<hbm>> -> memref<10000x128xf32, #tpu.memory_space<hbm>>
      tpu.enqueue_indirect_dma source(%dma_start3A_144 : memref<10000x128xf32, #tpu.memory_space<hbm>>) target(%arg18 : memref<80x128xf32, #tpu.memory_space<vmem>>) offsets(%arg10 : memref<80xi32, #tpu.memory_space<vmem>>) semaphore(%arg23 : memref<!tpu.dma_semaphore, #tpu.memory_space<semaphore_mem>>)
      %dma_wait3A_145 = arith.constant 0 : i32
      %dma_wait3A_146 = arith.constant 0 : i32
      %dma_wait3A_147 = tpu.memref_slice %arg2[%dma_wait3A_145, %dma_wait3A_146] : memref<10000x128xf32, #tpu.memory_space<hbm>> -> memref<10000x128xf32, #tpu.memory_space<hbm>>
      tpu.wait_indirect_dma semaphore(%arg23 : memref<!tpu.dma_semaphore, #tpu.memory_space<semaphore_mem>>) src(%dma_wait3A_147 : memref<10000x128xf32, #tpu.memory_space<hbm>>) dst(%arg18 : memref<80x128xf32, #tpu.memory_space<vmem>>)
      %dma_start3A_148 = arith.constant 0 : i32
      %dma_start3A_149 = arith.constant 0 : i32
      %dma_start3A_150 = tpu.memref_slice %arg19[%dma_start3A_148, %dma_start3A_149] : memref<10240x128xf32, #tpu.memory_space<vmem_shared>> -> memref<10240x128xf32, #tpu.memory_space<vmem_shared>>
      tpu.enqueue_indirect_dma source(%arg18 : memref<80x128xf32, #tpu.memory_space<vmem>>) target(%dma_start3A_150 : memref<10240x128xf32, #tpu.memory_space<vmem_shared>>) offsets(%arg14 : memref<80xi32, #tpu.memory_space<vmem>>) semaphore(%arg27 : memref<!tpu.dma_semaphore, #tpu.memory_space<semaphore_mem>>) {add = true}
      %dma_wait3A_151 = arith.constant 0 : i32
      %dma_wait3A_152 = arith.constant 0 : i32
      %dma_wait3A_153 = tpu.memref_slice %arg19[%dma_wait3A_151, %dma_wait3A_152] : memref<10240x128xf32, #tpu.memory_space<vmem_shared>> -> memref<10240x128xf32, #tpu.memory_space<vmem_shared>>
      tpu.wait_indirect_dma semaphore(%arg25 : memref<!tpu.dma_semaphore, #tpu.memory_space<semaphore_mem>>) src(%arg16 : memref<80x128xf32, #tpu.memory_space<vmem>>) dst(%dma_wait3A_153 : memref<10240x128xf32, #tpu.memory_space<vmem_shared>>)
      %lt3A = arith.constant 30 : i32
      %lt3A_154 = arith.cmpi slt, %scan3A_47, %lt3A : i32
      %convert_element_type3A_155 = arith.extui %lt3A_154 : i1 to i32
      %cond3A_156 = arith.constant 0 : i32
      %cond3A_157 = arith.cmpi ne, %convert_element_type3A_155, %cond3A_156 : i32
      scf.if %cond3A_157 {
        %mul3A_165 = arith.constant 4 : i32
        %mul3A_166 = arith.muli %mul3A_165, %scan3A_47 : i32
        %add3A_167 = arith.constant 3 : i32
        %add3A_168 = arith.addi %mul3A_166, %add3A_167 : i32
        %add3A_169 = arith.constant 2 : i32
        %add3A_170 = arith.addi %add3A_168, %add3A_169 : i32
        %mul3A_171 = arith.constant 80 : i32
        %mul3A_172 = arith.muli %add3A_170, %mul3A_171 : i32
        %add3A_173 = arith.addi %mul3A_4, %mul3A_172 : i32
        %dma_start3A_174 = tpu.memref_slice %arg3[%add3A_173] : memref<320000xi32, #tpu.memory_space<hbm>> -> memref<80xi32, #tpu.memory_space<hbm>>
        %dma_start3A_175 = tpu.memref_slice %arg3[%add3A_173] : memref<320000xi32, #tpu.memory_space<hbm>> -> memref<80xi32, #tpu.memory_space<hbm>>
        tpu.enqueue_dma source(%dma_start3A_175 : memref<80xi32, #tpu.memory_space<hbm>>) target(%arg8 : memref<80xi32, #tpu.memory_space<vmem>>) target_semaphore(%arg29 : memref<!tpu.dma_semaphore, #tpu.memory_space<semaphore_mem>>)
        %mul3A_176 = arith.constant 80 : i32
        %mul3A_177 = arith.muli %add3A_170, %mul3A_176 : i32
        %add3A_178 = arith.addi %mul3A_4, %mul3A_177 : i32
        %dma_start3A_179 = tpu.memref_slice %arg4[%add3A_178] : memref<320000xi32, #tpu.memory_space<hbm>> -> memref<80xi32, #tpu.memory_space<hbm>>
        %dma_start3A_180 = tpu.memref_slice %arg4[%add3A_178] : memref<320000xi32, #tpu.memory_space<hbm>> -> memref<80xi32, #tpu.memory_space<hbm>>
        tpu.enqueue_dma source(%dma_start3A_180 : memref<80xi32, #tpu.memory_space<hbm>>) target(%arg12 : memref<80xi32, #tpu.memory_space<vmem>>) target_semaphore(%arg29 : memref<!tpu.dma_semaphore, #tpu.memory_space<semaphore_mem>>)
      } else {
      }
      %dma_wait3A_158 = tpu.memref_slice %arg3[%mul3A_4] : memref<320000xi32, #tpu.memory_space<hbm>> -> memref<80xi32, #tpu.memory_space<hbm>>
      %dma_wait3A_159 = tpu.memref_slice %arg3[%mul3A_4] : memref<320000xi32, #tpu.memory_space<hbm>> -> memref<80xi32, #tpu.memory_space<hbm>>
      tpu.wait_dma2 semaphore(%arg28 : memref<!tpu.dma_semaphore, #tpu.memory_space<semaphore_mem>>) src(%dma_wait3A_159 : memref<80xi32, #tpu.memory_space<hbm>>) dst(%arg7 : memref<80xi32, #tpu.memory_space<vmem>>)
      %dma_wait3A_160 = tpu.memref_slice %arg4[%mul3A_4] : memref<320000xi32, #tpu.memory_space<hbm>> -> memref<80xi32, #tpu.memory_space<hbm>>
      %dma_wait3A_161 = tpu.memref_slice %arg4[%mul3A_4] : memref<320000xi32, #tpu.memory_space<hbm>> -> memref<80xi32, #tpu.memory_space<hbm>>
      tpu.wait_dma2 semaphore(%arg28 : memref<!tpu.dma_semaphore, #tpu.memory_space<semaphore_mem>>) src(%dma_wait3A_161 : memref<80xi32, #tpu.memory_space<hbm>>) dst(%arg11 : memref<80xi32, #tpu.memory_space<vmem>>)
      %dma_start3A_162 = arith.constant 0 : i32
      %dma_start3A_163 = arith.constant 0 : i32
      %dma_start3A_164 = tpu.memref_slice %arg2[%dma_start3A_162, %dma_start3A_163] : memref<10000x128xf32, #tpu.memory_space<hbm>> -> memref<10000x128xf32, #tpu.memory_space<hbm>>
      tpu.enqueue_indirect_dma source(%dma_start3A_164 : memref<10000x128xf32, #tpu.memory_space<hbm>>) target(%arg15 : memref<80x128xf32, #tpu.memory_space<vmem>>) offsets(%arg7 : memref<80xi32, #tpu.memory_space<vmem>>) semaphore(%arg20 : memref<!tpu.dma_semaphore, #tpu.memory_space<semaphore_mem>>)
    }
    %scan3A_30 = arith.constant 31 : i32
    %dma_wait3A_31 = arith.constant 0 : i32
    %dma_wait3A_32 = arith.constant 0 : i32
    %dma_wait3A_33 = tpu.memref_slice %arg2[%dma_wait3A_31, %dma_wait3A_32] : memref<10000x128xf32, #tpu.memory_space<hbm>> -> memref<10000x128xf32, #tpu.memory_space<hbm>>
    tpu.wait_indirect_dma semaphore(%arg20 : memref<!tpu.dma_semaphore, #tpu.memory_space<semaphore_mem>>) src(%dma_wait3A_33 : memref<10000x128xf32, #tpu.memory_space<hbm>>) dst(%arg15 : memref<80x128xf32, #tpu.memory_space<vmem>>)
    %dma_start3A_34 = arith.constant 0 : i32
    %dma_start3A_35 = arith.constant 0 : i32
    %dma_start3A_36 = tpu.memref_slice %arg19[%dma_start3A_34, %dma_start3A_35] : memref<10240x128xf32, #tpu.memory_space<vmem_shared>> -> memref<10240x128xf32, #tpu.memory_space<vmem_shared>>
    tpu.enqueue_indirect_dma source(%arg15 : memref<80x128xf32, #tpu.memory_space<vmem>>) target(%dma_start3A_36 : memref<10240x128xf32, #tpu.memory_space<vmem_shared>>) offsets(%arg11 : memref<80xi32, #tpu.memory_space<vmem>>) semaphore(%arg24 : memref<!tpu.dma_semaphore, #tpu.memory_space<semaphore_mem>>) {add = true}
    %dma_wait3A_37 = arith.constant 0 : i32
    %dma_wait3A_38 = arith.constant 0 : i32
    %dma_wait3A_39 = tpu.memref_slice %arg19[%dma_wait3A_37, %dma_wait3A_38] : memref<10240x128xf32, #tpu.memory_space<vmem_shared>> -> memref<10240x128xf32, #tpu.memory_space<vmem_shared>>
    tpu.wait_indirect_dma semaphore(%arg24 : memref<!tpu.dma_semaphore, #tpu.memory_space<semaphore_mem>>) src(%arg15 : memref<80x128xf32, #tpu.memory_space<vmem>>) dst(%dma_wait3A_39 : memref<10240x128xf32, #tpu.memory_space<vmem_shared>>)
    %dma_wait3A_40 = arith.constant 0 : i32
    %dma_wait3A_41 = arith.constant 0 : i32
    %dma_wait3A_42 = tpu.memref_slice %arg19[%dma_wait3A_40, %dma_wait3A_41] : memref<10240x128xf32, #tpu.memory_space<vmem_shared>> -> memref<10240x128xf32, #tpu.memory_space<vmem_shared>>
    tpu.wait_indirect_dma semaphore(%arg26 : memref<!tpu.dma_semaphore, #tpu.memory_space<semaphore_mem>>) src(%arg17 : memref<80x128xf32, #tpu.memory_space<vmem>>) dst(%dma_wait3A_42 : memref<10240x128xf32, #tpu.memory_space<vmem_shared>>)
    %dma_wait3A_43 = arith.constant 0 : i32
    %dma_wait3A_44 = arith.constant 0 : i32
    %dma_wait3A_45 = tpu.memref_slice %arg19[%dma_wait3A_43, %dma_wait3A_44] : memref<10240x128xf32, #tpu.memory_space<vmem_shared>> -> memref<10240x128xf32, #tpu.memory_space<vmem_shared>>
    tpu.wait_indirect_dma semaphore(%arg27 : memref<!tpu.dma_semaphore, #tpu.memory_space<semaphore_mem>>) src(%arg18 : memref<80x128xf32, #tpu.memory_space<vmem>>) dst(%dma_wait3A_45 : memref<10240x128xf32, #tpu.memory_space<vmem_shared>>)
    %barrier3A_46 = arith.constant 0 : index
    tpu.barrier barrier_id(%barrier3A_46)
    "tpu.region"() ({
      %run_scoped3A = tpu.sem_alloc : memref<!tpu.dma_semaphore, #tpu.memory_space<semaphore_mem>>
      %dma_start3A_47 = arith.constant 0 : i32
      %dma_start3A_48 = tpu.memref_slice %arg6[%arg0, %mul3A_0, %dma_start3A_47] : memref<2x10240x128xf32, #tpu.memory_space<hbm>> -> memref<1x640x128xf32, #tpu.memory_space<hbm>>
      %dma_start3A_49 = tpu.memref_squeeze %dma_start3A_48 : memref<1x640x128xf32, #tpu.memory_space<hbm>> -> memref<640x128xf32, #tpu.memory_space<hbm>>
      %dma_start3A_50 = arith.constant 0 : i32
      %dma_start3A_51 = tpu.memref_slice %arg19[%mul3A_0, %dma_start3A_50] : memref<10240x128xf32, #tpu.memory_space<vmem_shared>> -> memref<640x128xf32, #tpu.memory_space<vmem_shared>>
      tpu.enqueue_dma source(%dma_start3A_51 : memref<640x128xf32, #tpu.memory_space<vmem_shared>>) target(%dma_start3A_49 : memref<640x128xf32, #tpu.memory_space<hbm>>) target_semaphore(%run_scoped3A : memref<!tpu.dma_semaphore, #tpu.memory_space<semaphore_mem>>)
      %dma_wait3A_52 = arith.constant 0 : i32
      %dma_wait3A_53 = tpu.memref_slice %arg6[%arg0, %mul3A_0, %dma_wait3A_52] : memref<2x10240x128xf32, #tpu.memory_space<hbm>> -> memref<1x640x128xf32, #tpu.memory_space<hbm>>
      %dma_wait3A_54 = tpu.memref_squeeze %dma_wait3A_53 : memref<1x640x128xf32, #tpu.memory_space<hbm>> -> memref<640x128xf32, #tpu.memory_space<hbm>>
      %dma_wait3A_55 = arith.constant 0 : i32
      %dma_wait3A_56 = tpu.memref_slice %arg19[%mul3A_0, %dma_wait3A_55] : memref<10240x128xf32, #tpu.memory_space<vmem_shared>> -> memref<640x128xf32, #tpu.memory_space<vmem_shared>>
      tpu.wait_dma2 semaphore(%run_scoped3A : memref<!tpu.dma_semaphore, #tpu.memory_space<semaphore_mem>>) src(%dma_wait3A_56 : memref<640x128xf32, #tpu.memory_space<vmem_shared>>) dst(%dma_wait3A_54 : memref<640x128xf32, #tpu.memory_space<hbm>>)
      tpu.yield
    }) : () -> ()
    return
  }
}

#map = affine_map<(d0, d1) -> (0, 0)>
#map1 = affine_map<(d0, d1) -> (0)>
#map2 = affine_map<(d0, d1) -> (0, 0, 0)>
module attributes {stable_mosaic.version = 14 : i64} {
  func.func @scatter_kernel(%arg0: i32, %arg1: i32, %arg2: memref<10000x128xf32, #tpu.memory_space<hbm>>, %arg3: memref<320000xi32, #tpu.memory_space<hbm>>, %arg4: memref<320000xi32, #tpu.memory_space<hbm>>, %arg5: memref<640x128xf32, #tpu.memory_space<hbm>>, %arg6: memref<2x10240x128xf32, #tpu.memory_space<hbm>>, %arg7: memref<80xi32, #tpu.memory_space<vmem>>, %arg8: memref<80xi32, #tpu.memory_space<vmem>>, %arg9: memref<80xi32, #tpu.memory_space<vmem>>, %arg10: memref<80xi32, #tpu.memory_space<vmem>>, %arg11: memref<80xi32, #tpu.memory_space<vmem>>, %arg12: memref<80xi32, #tpu.memory_space<vmem>>, %arg13: memref<80xi32, #tpu.memory_space<vmem>>, %arg14: memref<80xi32, #tpu.memory_space<vmem>>, %arg15: memref<80x128xf32, #tpu.memory_space<vmem>>, %arg16: memref<80x128xf32, #tpu.memory_space<vmem>>, %arg17: memref<80x128xf32, #tpu.memory_space<vmem>>, %arg18: memref<80x128xf32, #tpu.memory_space<vmem>>, %arg19: memref<10240x128xf32, #tpu.memory_space<vmem_shared>>, %arg20: memref<!tpu.dma_semaphore, #tpu.memory_space<semaphore_mem>>, %arg21: memref<!tpu.dma_semaphore, #tpu.memory_space<semaphore_mem>>, %arg22: memref<!tpu.dma_semaphore, #tpu.memory_space<semaphore_mem>>, %arg23: memref<!tpu.dma_semaphore, #tpu.memory_space<semaphore_mem>>, %arg24: memref<!tpu.dma_semaphore, #tpu.memory_space<semaphore_mem>>, %arg25: memref<!tpu.dma_semaphore, #tpu.memory_space<semaphore_mem>>, %arg26: memref<!tpu.dma_semaphore, #tpu.memory_space<semaphore_mem>>, %arg27: memref<!tpu.dma_semaphore, #tpu.memory_space<semaphore_mem>>, %arg28: memref<!tpu.dma_semaphore, #tpu.memory_space<semaphore_mem>>, %arg29: memref<!tpu.dma_semaphore, #tpu.memory_space<semaphore_mem>>, %arg30: memref<!tpu.dma_semaphore, #tpu.memory_space<semaphore_mem>>, %arg31: memref<!tpu.dma_semaphore, #tpu.memory_space<semaphore_mem>>) attributes {dimension_semantics = [#tpu.dimension_semantics<core_parallel>, #tpu.dimension_semantics<subcore_parallel>], iteration_bounds = array<i64: 2, 16>, scalar_prefetch = 0 : i64, scratch_operands = 25 : i64, tpu.core_type = #tpu.core_type<sc_vector_subcore>, window_params = [{transform_indices = #map}, {transform_indices = #map1}, {transform_indices = #map1}, {transform_indices = #map}, {transform_indices = #map2}]} {
    %mul3A = arith.constant 640 : i32
    %mul3A_0 = arith.muli %arg1, %mul3A : i32
    %mul3A_1 = arith.constant 16 : i32
    %mul3A_2 = arith.muli %arg0, %mul3A_1 : i32
    %add3A = arith.addi %mul3A_2, %arg1 : i32
    %mul3A_3 = arith.constant 10000 : i32
    %mul3A_4 = arith.muli %add3A, %mul3A_3 : i32
    %add3A_5 = arith.constant 0 : i32
    %add3A_6 = arith.addi %mul3A_4, %add3A_5 : i32
    %dma_start3A = tpu.memref_slice %arg3[%add3A_6] : memref<320000xi32, #tpu.memory_space<hbm>> -> memref<80xi32, #tpu.memory_space<hbm>>
    %dma_start3A_7 = tpu.memref_slice %arg3[%add3A_6] : memref<320000xi32, #tpu.memory_space<hbm>> -> memref<80xi32, #tpu.memory_space<hbm>>
    tpu.enqueue_dma source(%dma_start3A_7 : memref<80xi32, #tpu.memory_space<hbm>>) target(%arg7 : memref<80xi32, #tpu.memory_space<vmem>>) target_semaphore(%arg28 : memref<!tpu.dma_semaphore, #tpu.memory_space<semaphore_mem>>)
    %add3A_8 = arith.constant 0 : i32
    %add3A_9 = arith.addi %mul3A_4, %add3A_8 : i32
    %dma_start3A_10 = tpu.memref_slice %arg4[%add3A_9] : memref<320000xi32, #tpu.memory_space<hbm>> -> memref<80xi32, #tpu.memory_space<hbm>>
    %dma_start3A_11 = tpu.memref_slice %arg4[%add3A_9] : memref<320000xi32, #tpu.memory_space<hbm>> -> memref<80xi32, #tpu.memory_space<hbm>>
    tpu.enqueue_dma source(%dma_start3A_11 : memref<80xi32, #tpu.memory_space<hbm>>) target(%arg11 : memref<80xi32, #tpu.memory_space<vmem>>) target_semaphore(%arg28 : memref<!tpu.dma_semaphore, #tpu.memory_space<semaphore_mem>>)
    %add3A_12 = arith.constant 80 : i32
    %add3A_13 = arith.addi %mul3A_4, %add3A_12 : i32
    %dma_start3A_14 = tpu.memref_slice %arg3[%add3A_13] : memref<320000xi32, #tpu.memory_space<hbm>> -> memref<80xi32, #tpu.memory_space<hbm>>
    %dma_start3A_15 = tpu.memref_slice %arg3[%add3A_13] : memref<320000xi32, #tpu.memory_space<hbm>> -> memref<80xi32, #tpu.memory_space<hbm>>
    tpu.enqueue_dma source(%dma_start3A_15 : memref<80xi32, #tpu.memory_space<hbm>>) target(%arg8 : memref<80xi32, #tpu.memory_space<vmem>>) target_semaphore(%arg29 : memref<!tpu.dma_semaphore, #tpu.memory_space<semaphore_mem>>)
    %add3A_16 = arith.constant 80 : i32
    %add3A_17 = arith.addi %mul3A_4, %add3A_16 : i32
    %dma_start3A_18 = tpu.memref_slice %arg4[%add3A_17] : memref<320000xi32, #tpu.memory_space<hbm>> -> memref<80xi32, #tpu.memory_space<hbm>>
    %dma_start3A_19 = tpu.memref_slice %arg4[%add3A_17] : memref<320000xi32, #tpu.memory_space<hbm>> -> memref<80xi32, #tpu.memory_space<hbm>>
    tpu.enqueue_dma source(%dma_start3A_19 : memref<80xi32, #tpu.memory_space<hbm>>) target(%arg12 : memref<80xi32, #tpu.memory_space<vmem>>) target_semaphore(%arg29 : memref<!tpu.dma_semaphore, #tpu.memory_space<semaphore_mem>>)
    "tpu.region"() ({
      %run_scoped3A = tpu.sem_alloc : memref<!tpu.dma_semaphore, #tpu.memory_space<semaphore_mem>>
      %dma_start3A_47 = arith.constant 0 : i32
      %dma_start3A_48 = tpu.memref_slice %arg19[%mul3A_0, %dma_start3A_47] : memref<10240x128xf32, #tpu.memory_space<vmem_shared>> -> memref<640x128xf32, #tpu.memory_space<vmem_shared>>
      tpu.enqueue_dma source(%arg5 : memref<640x128xf32, #tpu.memory_space<hbm>>) target(%dma_start3A_48 : memref<640x128xf32, #tpu.memory_space<vmem_shared>>) target_semaphore(%run_scoped3A : memref<!tpu.dma_semaphore, #tpu.memory_space<semaphore_mem>>)
      %dma_wait3A_49 = arith.constant 0 : i32
      %dma_wait3A_50 = tpu.memref_slice %arg19[%mul3A_0, %dma_wait3A_49] : memref<10240x128xf32, #tpu.memory_space<vmem_shared>> -> memref<640x128xf32, #tpu.memory_space<vmem_shared>>
      tpu.wait_dma2 semaphore(%run_scoped3A : memref<!tpu.dma_semaphore, #tpu.memory_space<semaphore_mem>>) src(%arg5 : memref<640x128xf32, #tpu.memory_space<hbm>>) dst(%dma_wait3A_50 : memref<640x128xf32, #tpu.memory_space<vmem_shared>>)
      tpu.yield
    }) : () -> ()
    %dma_wait3A = tpu.memref_slice %arg3[%mul3A_4] : memref<320000xi32, #tpu.memory_space<hbm>> -> memref<80xi32, #tpu.memory_space<hbm>>
    %dma_wait3A_20 = tpu.memref_slice %arg3[%mul3A_4] : memref<320000xi32, #tpu.memory_space<hbm>> -> memref<80xi32, #tpu.memory_space<hbm>>
    tpu.wait_dma2 semaphore(%arg28 : memref<!tpu.dma_semaphore, #tpu.memory_space<semaphore_mem>>) src(%dma_wait3A_20 : memref<80xi32, #tpu.memory_space<hbm>>) dst(%arg7 : memref<80xi32, #tpu.memory_space<vmem>>)
    %dma_wait3A_21 = tpu.memref_slice %arg4[%mul3A_4] : memref<320000xi32, #tpu.memory_space<hbm>> -> memref<80xi32, #tpu.memory_space<hbm>>
    %dma_wait3A_22 = tpu.memref_slice %arg4[%mul3A_4] : memref<320000xi32, #tpu.memory_space<hbm>> -> memref<80xi32, #tpu.memory_space<hbm>>
    tpu.wait_dma2 semaphore(%arg28 : memref<!tpu.dma_semaphore, #tpu.memory_space<semaphore_mem>>) src(%dma_wait3A_22 : memref<80xi32, #tpu.memory_space<hbm>>) dst(%arg11 : memref<80xi32, #tpu.memory_space<vmem>>)
    %dma_start3A_23 = arith.constant 0 : i32
    %dma_start3A_24 = arith.constant 0 : i32
    %dma_start3A_25 = tpu.memref_slice %arg2[%dma_start3A_23, %dma_start3A_24] : memref<10000x128xf32, #tpu.memory_space<hbm>> -> memref<10000x128xf32, #tpu.memory_space<hbm>>
    tpu.enqueue_indirect_dma source(%dma_start3A_25 : memref<10000x128xf32, #tpu.memory_space<hbm>>) target(%arg15 : memref<80x128xf32, #tpu.memory_space<vmem>>) offsets(%arg7 : memref<80xi32, #tpu.memory_space<vmem>>) semaphore(%arg20 : memref<!tpu.dma_semaphore, #tpu.memory_space<semaphore_mem>>)
    %barrier3A = arith.constant 0 : index
    tpu.barrier barrier_id(%barrier3A)
    %scan3A = arith.constant 0 : i32
    %scan3A_26 = arith.constant 0 : i32
    %scan3A_27 = arith.constant 31 : i32
    %scan3A_28 = arith.addi %scan3A_26, %scan3A_27 : i32
    %scan3A_29 = arith.constant 1 : i32
    scf.for %scan3A_47 = %scan3A_26 to %scan3A_28 step %scan3A_29  : i32 {
      %dma_wait3A_48 = arith.constant 0 : i32
      %dma_wait3A_49 = arith.constant 0 : i32
      %dma_wait3A_50 = tpu.memref_slice %arg2[%dma_wait3A_48, %dma_wait3A_49] : memref<10000x128xf32, #tpu.memory_space<hbm>> -> memref<10000x128xf32, #tpu.memory_space<hbm>>
      tpu.wait_indirect_dma semaphore(%arg20 : memref<!tpu.dma_semaphore, #tpu.memory_space<semaphore_mem>>) src(%dma_wait3A_50 : memref<10000x128xf32, #tpu.memory_space<hbm>>) dst(%arg15 : memref<80x128xf32, #tpu.memory_space<vmem>>)
      %dma_start3A_51 = arith.constant 0 : i32
      %dma_start3A_52 = arith.constant 0 : i32
      %dma_start3A_53 = tpu.memref_slice %arg19[%dma_start3A_51, %dma_start3A_52] : memref<10240x128xf32, #tpu.memory_space<vmem_shared>> -> memref<10240x128xf32, #tpu.memory_space<vmem_shared>>
      tpu.enqueue_indirect_dma source(%arg15 : memref<80x128xf32, #tpu.memory_space<vmem>>) target(%dma_start3A_53 : memref<10240x128xf32, #tpu.memory_space<vmem_shared>>) offsets(%arg11 : memref<80xi32, #tpu.memory_space<vmem>>) semaphore(%arg24 : memref<!tpu.dma_semaphore, #tpu.memory_space<semaphore_mem>>) {add = true}
      %gt3A = arith.constant 0 : i32
      %gt3A_54 = arith.cmpi sgt, %scan3A_47, %gt3A : i32
      %convert_element_type3A = arith.extui %gt3A_54 : i1 to i32
      %cond3A = arith.constant 0 : i32
      %cond3A_55 = arith.cmpi ne, %convert_element_type3A, %cond3A : i32
      scf.if %cond3A_55 {
        %dma_wait3A_165 = arith.constant 0 : i32
        %dma_wait3A_166 = arith.constant 0 : i32
        %dma_wait3A_167 = tpu.memref_slice %arg19[%dma_wait3A_165, %dma_wait3A_166] : memref<10240x128xf32, #tpu.memory_space<vmem_shared>> -> memref<10240x128xf32, #tpu.memory_space<vmem_shared>>
        tpu.wait_indirect_dma semaphore(%arg26 : memref<!tpu.dma_semaphore, #tpu.memory_space<semaphore_mem>>) src(%arg17 : memref<80x128xf32, #tpu.memory_space<vmem>>) dst(%dma_wait3A_167 : memref<10240x128xf32, #tpu.memory_space<vmem_shared>>)
      } else {
      }
      %mul3A_56 = arith.constant 4 : i32
      %mul3A_57 = arith.muli %mul3A_56, %scan3A_47 : i32
      %add3A_58 = arith.constant 0 : i32
      %add3A_59 = arith.addi %mul3A_57, %add3A_58 : i32
      %add3A_60 = arith.constant 2 : i32
      %add3A_61 = arith.addi %add3A_59, %add3A_60 : i32
      %mul3A_62 = arith.constant 80 : i32
      %mul3A_63 = arith.muli %add3A_61, %mul3A_62 : i32
      %add3A_64 = arith.addi %mul3A_4, %mul3A_63 : i32
      %dma_start3A_65 = tpu.memref_slice %arg3[%add3A_64] : memref<320000xi32, #tpu.memory_space<hbm>> -> memref<80xi32, #tpu.memory_space<hbm>>
      %dma_start3A_66 = tpu.memref_slice %arg3[%add3A_64] : memref<320000xi32, #tpu.memory_space<hbm>> -> memref<80xi32, #tpu.memory_space<hbm>>
      tpu.enqueue_dma source(%dma_start3A_66 : memref<80xi32, #tpu.memory_space<hbm>>) target(%arg9 : memref<80xi32, #tpu.memory_space<vmem>>) target_semaphore(%arg30 : memref<!tpu.dma_semaphore, #tpu.memory_space<semaphore_mem>>)
      %mul3A_67 = arith.constant 80 : i32
      %mul3A_68 = arith.muli %add3A_61, %mul3A_67 : i32
      %add3A_69 = arith.addi %mul3A_4, %mul3A_68 : i32
      %dma_start3A_70 = tpu.memref_slice %arg4[%add3A_69] : memref<320000xi32, #tpu.memory_space<hbm>> -> memref<80xi32, #tpu.memory_space<hbm>>
      %dma_start3A_71 = tpu.memref_slice %arg4[%add3A_69] : memref<320000xi32, #tpu.memory_space<hbm>> -> memref<80xi32, #tpu.memory_space<hbm>>
      tpu.enqueue_dma source(%dma_start3A_71 : memref<80xi32, #tpu.memory_space<hbm>>) target(%arg13 : memref<80xi32, #tpu.memory_space<vmem>>) target_semaphore(%arg30 : memref<!tpu.dma_semaphore, #tpu.memory_space<semaphore_mem>>)
      %dma_wait3A_72 = tpu.memref_slice %arg3[%mul3A_4] : memref<320000xi32, #tpu.memory_space<hbm>> -> memref<80xi32, #tpu.memory_space<hbm>>
      %dma_wait3A_73 = tpu.memref_slice %arg3[%mul3A_4] : memref<320000xi32, #tpu.memory_space<hbm>> -> memref<80xi32, #tpu.memory_space<hbm>>
      tpu.wait_dma2 semaphore(%arg29 : memref<!tpu.dma_semaphore, #tpu.memory_space<semaphore_mem>>) src(%dma_wait3A_73 : memref<80xi32, #tpu.memory_space<hbm>>) dst(%arg8 : memref<80xi32, #tpu.memory_space<vmem>>)
      %dma_wait3A_74 = tpu.memref_slice %arg4[%mul3A_4] : memref<320000xi32, #tpu.memory_space<hbm>> -> memref<80xi32, #tpu.memory_space<hbm>>
      %dma_wait3A_75 = tpu.memref_slice %arg4[%mul3A_4] : memref<320000xi32, #tpu.memory_space<hbm>> -> memref<80xi32, #tpu.memory_space<hbm>>
      tpu.wait_dma2 semaphore(%arg29 : memref<!tpu.dma_semaphore, #tpu.memory_space<semaphore_mem>>) src(%dma_wait3A_75 : memref<80xi32, #tpu.memory_space<hbm>>) dst(%arg12 : memref<80xi32, #tpu.memory_space<vmem>>)
      %dma_start3A_76 = arith.constant 0 : i32
      %dma_start3A_77 = arith.constant 0 : i32
      %dma_start3A_78 = tpu.memref_slice %arg2[%dma_start3A_76, %dma_start3A_77] : memref<10000x128xf32, #tpu.memory_space<hbm>> -> memref<10000x128xf32, #tpu.memory_space<hbm>>
      tpu.enqueue_indirect_dma source(%dma_start3A_78 : memref<10000x128xf32, #tpu.memory_space<hbm>>) target(%arg16 : memref<80x128xf32, #tpu.memory_space<vmem>>) offsets(%arg8 : memref<80xi32, #tpu.memory_space<vmem>>) semaphore(%arg21 : memref<!tpu.dma_semaphore, #tpu.memory_space<semaphore_mem>>)
      %dma_wait3A_79 = arith.constant 0 : i32
      %dma_wait3A_80 = arith.constant 0 : i32
      %dma_wait3A_81 = tpu.memref_slice %arg2[%dma_wait3A_79, %dma_wait3A_80] : memref<10000x128xf32, #tpu.memory_space<hbm>> -> memref<10000x128xf32, #tpu.memory_space<hbm>>
      tpu.wait_indirect_dma semaphore(%arg21 : memref<!tpu.dma_semaphore, #tpu.memory_space<semaphore_mem>>) src(%dma_wait3A_81 : memref<10000x128xf32, #tpu.memory_space<hbm>>) dst(%arg16 : memref<80x128xf32, #tpu.memory_space<vmem>>)
      %dma_start3A_82 = arith.constant 0 : i32
      %dma_start3A_83 = arith.constant 0 : i32
      %dma_start3A_84 = tpu.memref_slice %arg19[%dma_start3A_82, %dma_start3A_83] : memref<10240x128xf32, #tpu.memory_space<vmem_shared>> -> memref<10240x128xf32, #tpu.memory_space<vmem_shared>>
      tpu.enqueue_indirect_dma source(%arg16 : memref<80x128xf32, #tpu.memory_space<vmem>>) target(%dma_start3A_84 : memref<10240x128xf32, #tpu.memory_space<vmem_shared>>) offsets(%arg12 : memref<80xi32, #tpu.memory_space<vmem>>) semaphore(%arg25 : memref<!tpu.dma_semaphore, #tpu.memory_space<semaphore_mem>>) {add = true}
      %gt3A_85 = arith.constant 0 : i32
      %gt3A_86 = arith.cmpi sgt, %scan3A_47, %gt3A_85 : i32
      %convert_element_type3A_87 = arith.extui %gt3A_86 : i1 to i32
      %cond3A_88 = arith.constant 0 : i32
      %cond3A_89 = arith.cmpi ne, %convert_element_type3A_87, %cond3A_88 : i32
      scf.if %cond3A_89 {
        %dma_wait3A_165 = arith.constant 0 : i32
        %dma_wait3A_166 = arith.constant 0 : i32
        %dma_wait3A_167 = tpu.memref_slice %arg19[%dma_wait3A_165, %dma_wait3A_166] : memref<10240x128xf32, #tpu.memory_space<vmem_shared>> -> memref<10240x128xf32, #tpu.memory_space<vmem_shared>>
        tpu.wait_indirect_dma semaphore(%arg27 : memref<!tpu.dma_semaphore, #tpu.memory_space<semaphore_mem>>) src(%arg18 : memref<80x128xf32, #tpu.memory_space<vmem>>) dst(%dma_wait3A_167 : memref<10240x128xf32, #tpu.memory_space<vmem_shared>>)
      } else {
      }
      %mul3A_90 = arith.constant 4 : i32
      %mul3A_91 = arith.muli %mul3A_90, %scan3A_47 : i32
      %add3A_92 = arith.constant 1 : i32
      %add3A_93 = arith.addi %mul3A_91, %add3A_92 : i32
      %add3A_94 = arith.constant 2 : i32
      %add3A_95 = arith.addi %add3A_93, %add3A_94 : i32
      %mul3A_96 = arith.constant 80 : i32
      %mul3A_97 = arith.muli %add3A_95, %mul3A_96 : i32
      %add3A_98 = arith.addi %mul3A_4, %mul3A_97 : i32
      %dma_start3A_99 = tpu.memref_slice %arg3[%add3A_98] : memref<320000xi32, #tpu.memory_space<hbm>> -> memref<80xi32, #tpu.memory_space<hbm>>
      %dma_start3A_100 = tpu.memref_slice %arg3[%add3A_98] : memref<320000xi32, #tpu.memory_space<hbm>> -> memref<80xi32, #tpu.memory_space<hbm>>
      tpu.enqueue_dma source(%dma_start3A_100 : memref<80xi32, #tpu.memory_space<hbm>>) target(%arg10 : memref<80xi32, #tpu.memory_space<vmem>>) target_semaphore(%arg31 : memref<!tpu.dma_semaphore, #tpu.memory_space<semaphore_mem>>)
      %mul3A_101 = arith.constant 80 : i32
      %mul3A_102 = arith.muli %add3A_95, %mul3A_101 : i32
      %add3A_103 = arith.addi %mul3A_4, %mul3A_102 : i32
      %dma_start3A_104 = tpu.memref_slice %arg4[%add3A_103] : memref<320000xi32, #tpu.memory_space<hbm>> -> memref<80xi32, #tpu.memory_space<hbm>>
      %dma_start3A_105 = tpu.memref_slice %arg4[%add3A_103] : memref<320000xi32, #tpu.memory_space<hbm>> -> memref<80xi32, #tpu.memory_space<hbm>>
      tpu.enqueue_dma source(%dma_start3A_105 : memref<80xi32, #tpu.memory_space<hbm>>) target(%arg14 : memref<80xi32, #tpu.memory_space<vmem>>) target_semaphore(%arg31 : memref<!tpu.dma_semaphore, #tpu.memory_space<semaphore_mem>>)
      %dma_wait3A_106 = tpu.memref_slice %arg3[%mul3A_4] : memref<320000xi32, #tpu.memory_space<hbm>> -> memref<80xi32, #tpu.memory_space<hbm>>
      %dma_wait3A_107 = tpu.memref_slice %arg3[%mul3A_4] : memref<320000xi32, #tpu.memory_space<hbm>> -> memref<80xi32, #tpu.memory_space<hbm>>
      tpu.wait_dma2 semaphore(%arg30 : memref<!tpu.dma_semaphore, #tpu.memory_space<semaphore_mem>>) src(%dma_wait3A_107 : memref<80xi32, #tpu.memory_space<hbm>>) dst(%arg9 : memref<80xi32, #tpu.memory_space<vmem>>)
      %dma_wait3A_108 = tpu.memref_slice %arg4[%mul3A_4] : memref<320000xi32, #tpu.memory_space<hbm>> -> memref<80xi32, #tpu.memory_space<hbm>>
      %dma_wait3A_109 = tpu.memref_slice %arg4[%mul3A_4] : memref<320000xi32, #tpu.memory_space<hbm>> -> memref<80xi32, #tpu.memory_space<hbm>>
      tpu.wait_dma2 semaphore(%arg30 : memref<!tpu.dma_semaphore, #tpu.memory_space<semaphore_mem>>) src(%dma_wait3A_109 : memref<80xi32, #tpu.memory_space<hbm>>) dst(%arg13 : memref<80xi32, #tpu.memory_space<vmem>>)
      %dma_start3A_110 = arith.constant 0 : i32
      %dma_start3A_111 = arith.constant 0 : i32
      %dma_start3A_112 = tpu.memref_slice %arg2[%dma_start3A_110, %dma_start3A_111] : memref<10000x128xf32, #tpu.memory_space<hbm>> -> memref<10000x128xf32, #tpu.memory_space<hbm>>
      tpu.enqueue_indirect_dma source(%dma_start3A_112 : memref<10000x128xf32, #tpu.memory_space<hbm>>) target(%arg17 : memref<80x128xf32, #tpu.memory_space<vmem>>) offsets(%arg9 : memref<80xi32, #tpu.memory_space<vmem>>) semaphore(%arg22 : memref<!tpu.dma_semaphore, #tpu.memory_space<semaphore_mem>>)
      %dma_wait3A_113 = arith.constant 0 : i32
      %dma_wait3A_114 = arith.constant 0 : i32
      %dma_wait3A_115 = tpu.memref_slice %arg2[%dma_wait3A_113, %dma_wait3A_114] : memref<10000x128xf32, #tpu.memory_space<hbm>> -> memref<10000x128xf32, #tpu.memory_space<hbm>>
      tpu.wait_indirect_dma semaphore(%arg22 : memref<!tpu.dma_semaphore, #tpu.memory_space<semaphore_mem>>) src(%dma_wait3A_115 : memref<10000x128xf32, #tpu.memory_space<hbm>>) dst(%arg17 : memref<80x128xf32, #tpu.memory_space<vmem>>)
      %dma_start3A_116 = arith.constant 0 : i32
      %dma_start3A_117 = arith.constant 0 : i32
      %dma_start3A_118 = tpu.memref_slice %arg19[%dma_start3A_116, %dma_start3A_117] : memref<10240x128xf32, #tpu.memory_space<vmem_shared>> -> memref<10240x128xf32, #tpu.memory_space<vmem_shared>>
      tpu.enqueue_indirect_dma source(%arg17 : memref<80x128xf32, #tpu.memory_space<vmem>>) target(%dma_start3A_118 : memref<10240x128xf32, #tpu.memory_space<vmem_shared>>) offsets(%arg13 : memref<80xi32, #tpu.memory_space<vmem>>) semaphore(%arg26 : memref<!tpu.dma_semaphore, #tpu.memory_space<semaphore_mem>>) {add = true}
      %dma_wait3A_119 = arith.constant 0 : i32
      %dma_wait3A_120 = arith.constant 0 : i32
      %dma_wait3A_121 = tpu.memref_slice %arg19[%dma_wait3A_119, %dma_wait3A_120] : memref<10240x128xf32, #tpu.memory_space<vmem_shared>> -> memref<10240x128xf32, #tpu.memory_space<vmem_shared>>
      tpu.wait_indirect_dma semaphore(%arg24 : memref<!tpu.dma_semaphore, #tpu.memory_space<semaphore_mem>>) src(%arg15 : memref<80x128xf32, #tpu.memory_space<vmem>>) dst(%dma_wait3A_121 : memref<10240x128xf32, #tpu.memory_space<vmem_shared>>)
      %mul3A_122 = arith.constant 4 : i32
      %mul3A_123 = arith.muli %mul3A_122, %scan3A_47 : i32
      %add3A_124 = arith.constant 2 : i32
      %add3A_125 = arith.addi %mul3A_123, %add3A_124 : i32
      %add3A_126 = arith.constant 2 : i32
      %add3A_127 = arith.addi %add3A_125, %add3A_126 : i32
      %mul3A_128 = arith.constant 80 : i32
      %mul3A_129 = arith.muli %add3A_127, %mul3A_128 : i32
      %add3A_130 = arith.addi %mul3A_4, %mul3A_129 : i32
      %dma_start3A_131 = tpu.memref_slice %arg3[%add3A_130] : memref<320000xi32, #tpu.memory_space<hbm>> -> memref<80xi32, #tpu.memory_space<hbm>>
      %dma_start3A_132 = tpu.memref_slice %arg3[%add3A_130] : memref<320000xi32, #tpu.memory_space<hbm>> -> memref<80xi32, #tpu.memory_space<hbm>>
      tpu.enqueue_dma source(%dma_start3A_132 : memref<80xi32, #tpu.memory_space<hbm>>) target(%arg7 : memref<80xi32, #tpu.memory_space<vmem>>) target_semaphore(%arg28 : memref<!tpu.dma_semaphore, #tpu.memory_space<semaphore_mem>>)
      %mul3A_133 = arith.constant 80 : i32
      %mul3A_134 = arith.muli %add3A_127, %mul3A_133 : i32
      %add3A_135 = arith.addi %mul3A_4, %mul3A_134 : i32
      %dma_start3A_136 = tpu.memref_slice %arg4[%add3A_135] : memref<320000xi32, #tpu.memory_space<hbm>> -> memref<80xi32, #tpu.memory_space<hbm>>
      %dma_start3A_137 = tpu.memref_slice %arg4[%add3A_135] : memref<320000xi32, #tpu.memory_space<hbm>> -> memref<80xi32, #tpu.memory_space<hbm>>
      tpu.enqueue_dma source(%dma_start3A_137 : memref<80xi32, #tpu.memory_space<hbm>>) target(%arg11 : memref<80xi32, #tpu.memory_space<vmem>>) target_semaphore(%arg28 : memref<!tpu.dma_semaphore, #tpu.memory_space<semaphore_mem>>)
      %dma_wait3A_138 = tpu.memref_slice %arg3[%mul3A_4] : memref<320000xi32, #tpu.memory_space<hbm>> -> memref<80xi32, #tpu.memory_space<hbm>>
      %dma_wait3A_139 = tpu.memref_slice %arg3[%mul3A_4] : memref<320000xi32, #tpu.memory_space<hbm>> -> memref<80xi32, #tpu.memory_space<hbm>>
      tpu.wait_dma2 semaphore(%arg31 : memref<!tpu.dma_semaphore, #tpu.memory_space<semaphore_mem>>) src(%dma_wait3A_139 : memref<80xi32, #tpu.memory_space<hbm>>) dst(%arg10 : memref<80xi32, #tpu.memory_space<vmem>>)
      %dma_wait3A_140 = tpu.memref_slice %arg4[%mul3A_4] : memref<320000xi32, #tpu.memory_space<hbm>> -> memref<80xi32, #tpu.memory_space<hbm>>
      %dma_wait3A_141 = tpu.memref_slice %arg4[%mul3A_4] : memref<320000xi32, #tpu.memory_space<hbm>> -> memref<80xi32, #tpu.memory_space<hbm>>
      tpu.wait_dma2 semaphore(%arg31 : memref<!tpu.dma_semaphore, #tpu.memory_space<semaphore_mem>>) src(%dma_wait3A_141 : memref<80xi32, #tpu.memory_space<hbm>>) dst(%arg14 : memref<80xi32, #tpu.memory_space<vmem>>)
      %dma_start3A_142 = arith.constant 0 : i32
      %dma_start3A_143 = arith.constant 0 : i32
      %dma_start3A_144 = tpu.memref_slice %arg2[%dma_start3A_142, %dma_start3A_143] : memref<10000x128xf32, #tpu.memory_space<hbm>> -> memref<10000x128xf32, #tpu.memory_space<hbm>>
      tpu.enqueue_indirect_dma source(%dma_start3A_144 : memref<10000x128xf32, #tpu.memory_space<hbm>>) target(%arg18 : memref<80x128xf32, #tpu.memory_space<vmem>>) offsets(%arg10 : memref<80xi32, #tpu.memory_space<vmem>>) semaphore(%arg23 : memref<!tpu.dma_semaphore, #tpu.memory_space<semaphore_mem>>)
      %dma_wait3A_145 = arith.constant 0 : i32
      %dma_wait3A_146 = arith.constant 0 : i32
      %dma_wait3A_147 = tpu.memref_slice %arg2[%dma_wait3A_145, %dma_wait3A_146] : memref<10000x128xf32, #tpu.memory_space<hbm>> -> memref<10000x128xf32, #tpu.memory_space<hbm>>
      tpu.wait_indirect_dma semaphore(%arg23 : memref<!tpu.dma_semaphore, #tpu.memory_space<semaphore_mem>>) src(%dma_wait3A_147 : memref<10000x128xf32, #tpu.memory_space<hbm>>) dst(%arg18 : memref<80x128xf32, #tpu.memory_space<vmem>>)
      %dma_start3A_148 = arith.constant 0 : i32
      %dma_start3A_149 = arith.constant 0 : i32
      %dma_start3A_150 = tpu.memref_slice %arg19[%dma_start3A_148, %dma_start3A_149] : memref<10240x128xf32, #tpu.memory_space<vmem_shared>> -> memref<10240x128xf32, #tpu.memory_space<vmem_shared>>
      tpu.enqueue_indirect_dma source(%arg18 : memref<80x128xf32, #tpu.memory_space<vmem>>) target(%dma_start3A_150 : memref<10240x128xf32, #tpu.memory_space<vmem_shared>>) offsets(%arg14 : memref<80xi32, #tpu.memory_space<vmem>>) semaphore(%arg27 : memref<!tpu.dma_semaphore, #tpu.memory_space<semaphore_mem>>) {add = true}
      %dma_wait3A_151 = arith.constant 0 : i32
      %dma_wait3A_152 = arith.constant 0 : i32
      %dma_wait3A_153 = tpu.memref_slice %arg19[%dma_wait3A_151, %dma_wait3A_152] : memref<10240x128xf32, #tpu.memory_space<vmem_shared>> -> memref<10240x128xf32, #tpu.memory_space<vmem_shared>>
      tpu.wait_indirect_dma semaphore(%arg25 : memref<!tpu.dma_semaphore, #tpu.memory_space<semaphore_mem>>) src(%arg16 : memref<80x128xf32, #tpu.memory_space<vmem>>) dst(%dma_wait3A_153 : memref<10240x128xf32, #tpu.memory_space<vmem_shared>>)
      %lt3A = arith.constant 30 : i32
      %lt3A_154 = arith.cmpi slt, %scan3A_47, %lt3A : i32
      %convert_element_type3A_155 = arith.extui %lt3A_154 : i1 to i32
      %cond3A_156 = arith.constant 0 : i32
      %cond3A_157 = arith.cmpi ne, %convert_element_type3A_155, %cond3A_156 : i32
      scf.if %cond3A_157 {
        %mul3A_165 = arith.constant 4 : i32
        %mul3A_166 = arith.muli %mul3A_165, %scan3A_47 : i32
        %add3A_167 = arith.constant 3 : i32
        %add3A_168 = arith.addi %mul3A_166, %add3A_167 : i32
        %add3A_169 = arith.constant 2 : i32
        %add3A_170 = arith.addi %add3A_168, %add3A_169 : i32
        %mul3A_171 = arith.constant 80 : i32
        %mul3A_172 = arith.muli %add3A_170, %mul3A_171 : i32
        %add3A_173 = arith.addi %mul3A_4, %mul3A_172 : i32
        %dma_start3A_174 = tpu.memref_slice %arg3[%add3A_173] : memref<320000xi32, #tpu.memory_space<hbm>> -> memref<80xi32, #tpu.memory_space<hbm>>
        %dma_start3A_175 = tpu.memref_slice %arg3[%add3A_173] : memref<320000xi32, #tpu.memory_space<hbm>> -> memref<80xi32, #tpu.memory_space<hbm>>
        tpu.enqueue_dma source(%dma_start3A_175 : memref<80xi32, #tpu.memory_space<hbm>>) target(%arg8 : memref<80xi32, #tpu.memory_space<vmem>>) target_semaphore(%arg29 : memref<!tpu.dma_semaphore, #tpu.memory_space<semaphore_mem>>)
        %mul3A_176 = arith.constant 80 : i32
        %mul3A_177 = arith.muli %add3A_170, %mul3A_176 : i32
        %add3A_178 = arith.addi %mul3A_4, %mul3A_177 : i32
        %dma_start3A_179 = tpu.memref_slice %arg4[%add3A_178] : memref<320000xi32, #tpu.memory_space<hbm>> -> memref<80xi32, #tpu.memory_space<hbm>>
        %dma_start3A_180 = tpu.memref_slice %arg4[%add3A_178] : memref<320000xi32, #tpu.memory_space<hbm>> -> memref<80xi32, #tpu.memory_space<hbm>>
        tpu.enqueue_dma source(%dma_start3A_180 : memref<80xi32, #tpu.memory_space<hbm>>) target(%arg12 : memref<80xi32, #tpu.memory_space<vmem>>) target_semaphore(%arg29 : memref<!tpu.dma_semaphore, #tpu.memory_space<semaphore_mem>>)
      } else {
      }
      %dma_wait3A_158 = tpu.memref_slice %arg3[%mul3A_4] : memref<320000xi32, #tpu.memory_space<hbm>> -> memref<80xi32, #tpu.memory_space<hbm>>
      %dma_wait3A_159 = tpu.memref_slice %arg3[%mul3A_4] : memref<320000xi32, #tpu.memory_space<hbm>> -> memref<80xi32, #tpu.memory_space<hbm>>
      tpu.wait_dma2 semaphore(%arg28 : memref<!tpu.dma_semaphore, #tpu.memory_space<semaphore_mem>>) src(%dma_wait3A_159 : memref<80xi32, #tpu.memory_space<hbm>>) dst(%arg7 : memref<80xi32, #tpu.memory_space<vmem>>)
      %dma_wait3A_160 = tpu.memref_slice %arg4[%mul3A_4] : memref<320000xi32, #tpu.memory_space<hbm>> -> memref<80xi32, #tpu.memory_space<hbm>>
      %dma_wait3A_161 = tpu.memref_slice %arg4[%mul3A_4] : memref<320000xi32, #tpu.memory_space<hbm>> -> memref<80xi32, #tpu.memory_space<hbm>>
      tpu.wait_dma2 semaphore(%arg28 : memref<!tpu.dma_semaphore, #tpu.memory_space<semaphore_mem>>) src(%dma_wait3A_161 : memref<80xi32, #tpu.memory_space<hbm>>) dst(%arg11 : memref<80xi32, #tpu.memory_space<vmem>>)
      %dma_start3A_162 = arith.constant 0 : i32
      %dma_start3A_163 = arith.constant 0 : i32
      %dma_start3A_164 = tpu.memref_slice %arg2[%dma_start3A_162, %dma_start3A_163] : memref<10000x128xf32, #tpu.memory_space<hbm>> -> memref<10000x128xf32, #tpu.memory_space<hbm>>
      tpu.enqueue_indirect_dma source(%dma_start3A_164 : memref<10000x128xf32, #tpu.memory_space<hbm>>) target(%arg15 : memref<80x128xf32, #tpu.memory_space<vmem>>) offsets(%arg7 : memref<80xi32, #tpu.memory_space<vmem>>) semaphore(%arg20 : memref<!tpu.dma_semaphore, #tpu.memory_space<semaphore_mem>>)
    }
    %scan3A_30 = arith.constant 31 : i32
    %dma_wait3A_31 = arith.constant 0 : i32
    %dma_wait3A_32 = arith.constant 0 : i32
    %dma_wait3A_33 = tpu.memref_slice %arg2[%dma_wait3A_31, %dma_wait3A_32] : memref<10000x128xf32, #tpu.memory_space<hbm>> -> memref<10000x128xf32, #tpu.memory_space<hbm>>
    tpu.wait_indirect_dma semaphore(%arg20 : memref<!tpu.dma_semaphore, #tpu.memory_space<semaphore_mem>>) src(%dma_wait3A_33 : memref<10000x128xf32, #tpu.memory_space<hbm>>) dst(%arg15 : memref<80x128xf32, #tpu.memory_space<vmem>>)
    %dma_start3A_34 = arith.constant 0 : i32
    %dma_start3A_35 = arith.constant 0 : i32
    %dma_start3A_36 = tpu.memref_slice %arg19[%dma_start3A_34, %dma_start3A_35] : memref<10240x128xf32, #tpu.memory_space<vmem_shared>> -> memref<10240x128xf32, #tpu.memory_space<vmem_shared>>
    tpu.enqueue_indirect_dma source(%arg15 : memref<80x128xf32, #tpu.memory_space<vmem>>) target(%dma_start3A_36 : memref<10240x128xf32, #tpu.memory_space<vmem_shared>>) offsets(%arg11 : memref<80xi32, #tpu.memory_space<vmem>>) semaphore(%arg24 : memref<!tpu.dma_semaphore, #tpu.memory_space<semaphore_mem>>) {add = true}
    %dma_wait3A_37 = arith.constant 0 : i32
    %dma_wait3A_38 = arith.constant 0 : i32
    %dma_wait3A_39 = tpu.memref_slice %arg19[%dma_wait3A_37, %dma_wait3A_38] : memref<10240x128xf32, #tpu.memory_space<vmem_shared>> -> memref<10240x128xf32, #tpu.memory_space<vmem_shared>>
    tpu.wait_indirect_dma semaphore(%arg24 : memref<!tpu.dma_semaphore, #tpu.memory_space<semaphore_mem>>) src(%arg15 : memref<80x128xf32, #tpu.memory_space<vmem>>) dst(%dma_wait3A_39 : memref<10240x128xf32, #tpu.memory_space<vmem_shared>>)
    %dma_wait3A_40 = arith.constant 0 : i32
    %dma_wait3A_41 = arith.constant 0 : i32
    %dma_wait3A_42 = tpu.memref_slice %arg19[%dma_wait3A_40, %dma_wait3A_41] : memref<10240x128xf32, #tpu.memory_space<vmem_shared>> -> memref<10240x128xf32, #tpu.memory_space<vmem_shared>>
    tpu.wait_indirect_dma semaphore(%arg26 : memref<!tpu.dma_semaphore, #tpu.memory_space<semaphore_mem>>) src(%arg17 : memref<80x128xf32, #tpu.memory_space<vmem>>) dst(%dma_wait3A_42 : memref<10240x128xf32, #tpu.memory_space<vmem_shared>>)
    %dma_wait3A_43 = arith.constant 0 : i32
    %dma_wait3A_44 = arith.constant 0 : i32
    %dma_wait3A_45 = tpu.memref_slice %arg19[%dma_wait3A_43, %dma_wait3A_44] : memref<10240x128xf32, #tpu.memory_space<vmem_shared>> -> memref<10240x128xf32, #tpu.memory_space<vmem_shared>>
    tpu.wait_indirect_dma semaphore(%arg27 : memref<!tpu.dma_semaphore, #tpu.memory_space<semaphore_mem>>) src(%arg18 : memref<80x128xf32, #tpu.memory_space<vmem>>) dst(%dma_wait3A_45 : memref<10240x128xf32, #tpu.memory_space<vmem_shared>>)
    %barrier3A_46 = arith.constant 0 : index
    tpu.barrier barrier_id(%barrier3A_46)
    "tpu.region"() ({
      %run_scoped3A = tpu.sem_alloc : memref<!tpu.dma_semaphore, #tpu.memory_space<semaphore_mem>>
      %dma_start3A_47 = arith.constant 0 : i32
      %dma_start3A_48 = tpu.memref_slice %arg6[%arg0, %mul3A_0, %dma_start3A_47] : memref<2x10240x128xf32, #tpu.memory_space<hbm>> -> memref<1x640x128xf32, #tpu.memory_space<hbm>>
      %dma_start3A_49 = tpu.memref_squeeze %dma_start3A_48 : memref<1x640x128xf32, #tpu.memory_space<hbm>> -> memref<640x128xf32, #tpu.memory_space<hbm>>
      %dma_start3A_50 = arith.constant 0 : i32
      %dma_start3A_51 = tpu.memref_slice %arg19[%mul3A_0, %dma_start3A_50] : memref<10240x128xf32, #tpu.memory_space<vmem_shared>> -> memref<640x128xf32, #tpu.memory_space<vmem_shared>>
      tpu.enqueue_dma source(%dma_start3A_51 : memref<640x128xf32, #tpu.memory_space<vmem_shared>>) target(%dma_start3A_49 : memref<640x128xf32, #tpu.memory_space<hbm>>) target_semaphore(%run_scoped3A : memref<!tpu.dma_semaphore, #tpu.memory_space<semaphore_mem>>)
      %dma_wait3A_52 = arith.constant 0 : i32
      %dma_wait3A_53 = tpu.memref_slice %arg6[%arg0, %mul3A_0, %dma_wait3A_52] : memref<2x10240x128xf32, #tpu.memory_space<hbm>> -> memref<1x640x128xf32, #tpu.memory_space<hbm>>
      %dma_wait3A_54 = tpu.memref_squeeze %dma_wait3A_53 : memref<1x640x128xf32, #tpu.memory_space<hbm>> -> memref<640x128xf32, #tpu.memory_space<hbm>>
      %dma_wait3A_55 = arith.constant 0 : i32
      %dma_wait3A_56 = tpu.memref_slice %arg19[%mul3A_0, %dma_wait3A_55] : memref<10240x128xf32, #tpu.memory_space<vmem_shared>> -> memref<640x128xf32, #tpu.memory_space<vmem_shared>>
      tpu.wait_dma2 semaphore(%run_scoped3A : memref<!tpu.dma_semaphore, #tpu.memory_space<semaphore_mem>>) src(%dma_wait3A_56 : memref<640x128xf32, #tpu.memory_space<vmem_shared>>) dst(%dma_wait3A_54 : memref<640x128xf32, #tpu.memory_space<hbm>>)
      tpu.yield
    }) : () -> ()
    return
  }
}

module attributes {stable_mosaic.version = 14 : i64} {
  func.func @body(%arg0: i32, %arg1: memref<1000x128xf32, #tpu.memory_space<vmem>>, %arg2: memref<128x128xf32, #tpu.memory_space<vmem>>, %arg3: memref<1000x128xf32, #tpu.memory_space<vmem>>) attributes {dimension_semantics = [#tpu.dimension_semantics<arbitrary>], iteration_bounds = array<i64: 10>, scalar_prefetch = 0 : i64, scratch_operands = 0 : i64, tpu.core_type = #tpu.core_type<tc>, window_params = [{transform_indices = @transform_0, window_bounds = array<i64: 1000, 128>}, {pipeline_mode = #tpu.pipeline_mode<synchronous>, transform_indices = @transform_1, window_bounds = array<i64: 128, 128>}, {transform_indices = @transform_2, window_bounds = array<i64: 1000, 128>}]} {
    %get3A = arith.constant 0 : index
    %get3A_0 = arith.constant 0 : index
    %get3A_1 = vector.load %arg1[%get3A, %get3A_0] : memref<1000x128xf32, #tpu.memory_space<vmem>>, vector<1000x128xf32>
    %get3A_2 = arith.constant 0 : index
    %get3A_3 = arith.constant 0 : index
    %get3A_4 = vector.load %arg2[%get3A_2, %get3A_3] : memref<128x128xf32, #tpu.memory_space<vmem>>, vector<128x128xf32>
    %dot_general3A = arith.constant dense<0.000000e+00> : vector<1000x128xf32>
    %dot_general3A_5 = tpu.matmul %get3A_1, %get3A_4, %dot_general3A {dimension_numbers = #tpu.dot_dimension_numbers<[1], [0], [0], [1], [0, 0, 1, 1], [], []>, transpose_lhs_hint = false} : vector<1000x128xf32>, vector<128x128xf32>, vector<1000x128xf32> -> vector<1000x128xf32>
    %swap3A = arith.constant 0 : index
    %swap3A_6 = arith.constant 0 : index
    %swap3A_7 = vector.load %arg3[%swap3A, %swap3A_6] : memref<1000x128xf32, #tpu.memory_space<vmem>>, vector<1000x128xf32>
    tpu.vector_store %arg3[%swap3A, %swap3A_6], %dot_general3A_5 {strides = array<i32>} : memref<1000x128xf32, #tpu.memory_space<vmem>>, vector<1000x128xf32>,
    return
  }
  func.func @transform_0(%arg0: i32) -> (i32, i32) {
    %c0_i32 = arith.constant 0 : i32
    %c0_i32_0 = arith.constant 0 : i32
    return %arg0, %c0_i32 : i32, i32
  }
  func.func @transform_1(%arg0: i32) -> (i32, i32) {
    %c0_i32 = arith.constant 0 : i32
    %c0_i32_0 = arith.constant 0 : i32
    %c0_i32_1 = arith.constant 0 : i32
    return %c0_i32, %c0_i32_0 : i32, i32
  }
  func.func @transform_2(%arg0: i32) -> (i32, i32) {
    %c0_i32 = arith.constant 0 : i32
    %c0_i32_0 = arith.constant 0 : i32
    return %arg0, %c0_i32 : i32, i32
  }
}

module attributes {stable_mosaic.version = 14 : i64} {
  func.func @body(%arg0: i32, %arg1: memref<1000x128xf32, #tpu.memory_space<vmem>>, %arg2: memref<2x1000x128xf32, #tpu.memory_space<vmem>>, %arg3: memref<1000x128xf32, #tpu.memory_space<vmem>>, %arg4: memref<1000x8xf32, #tpu.memory_space<vmem>>) attributes {dimension_semantics = [#tpu.dimension_semantics<arbitrary>], iteration_bounds = array<i64: 10>, scalar_prefetch = 0 : i64, scratch_operands = 0 : i64, tpu.core_type = #tpu.core_type<tc>, window_params = [{transform_indices = @transform_0, window_bounds = array<i64: 1000, 128>}, {transform_indices = @transform_1, window_bounds = array<i64: 2, 1000, 128>}, {transform_indices = @transform_2, window_bounds = array<i64: 1000, 128>}, {transform_indices = @transform_3, window_bounds = array<i64: 1000, 8>}]} {
    %get3A = arith.constant 0 : index
    %get3A_0 = arith.constant 0 : index
    %get3A_1 = arith.constant 0 : index
    %get3A_2 = vector.load %arg2[%get3A, %get3A_0, %get3A_1] : memref<2x1000x128xf32, #tpu.memory_space<vmem>>, vector<1x1000x128xf32>
    %get3A_3 = vector.shape_cast %get3A_2 : vector<1x1000x128xf32> to vector<1000x128xf32>
    %slice3A = vector.extract_strided_slice %get3A_3 {offsets = [0, 0], sizes = [1000, 1], strides = [1, 1]} : vector<1000x128xf32> to vector<1000x1xf32>
    %get3A_4 = arith.constant 1 : index
    %get3A_5 = arith.constant 0 : index
    %get3A_6 = arith.constant 0 : index
    %get3A_7 = vector.load %arg2[%get3A_4, %get3A_5, %get3A_6] : memref<2x1000x128xf32, #tpu.memory_space<vmem>>, vector<1x1000x128xf32>
    %get3A_8 = vector.shape_cast %get3A_7 : vector<1x1000x128xf32> to vector<1000x128xf32>
    %slice3A_9 = vector.extract_strided_slice %get3A_8 {offsets = [0, 0], sizes = [1000, 1], strides = [1, 1]} : vector<1000x128xf32> to vector<1000x1xf32>
    %add3A = arith.addf %slice3A, %slice3A_9 : vector<1000x1xf32>
    %add3A_10 = arith.constant 1.000000e+00 : f32
    %add3A_11 = vector.broadcast %add3A_10 : f32 to vector<1000x1xf32>
    %add3A_12 = arith.addf %add3A, %add3A_11 : vector<1000x1xf32>
    %rsqrt3A = math.rsqrt %add3A_12 : vector<1000x1xf32>
    %get3A_13 = arith.constant 0 : index
    %get3A_14 = arith.constant 0 : index
    %get3A_15 = vector.load %arg1[%get3A_13, %get3A_14] : memref<1000x128xf32, #tpu.memory_space<vmem>>, vector<1000x128xf32>
    %mul3A = vector.broadcast %rsqrt3A : vector<1000x1xf32> to vector<1000x128xf32>
    %mul3A_16 = arith.mulf %get3A_15, %mul3A : vector<1000x128xf32>
    %swap3A = arith.constant 0 : index
    %swap3A_17 = arith.constant 0 : index
    %swap3A_18 = vector.load %arg3[%swap3A, %swap3A_17] : memref<1000x128xf32, #tpu.memory_space<vmem>>, vector<1000x128xf32>
    tpu.vector_store %arg3[%swap3A, %swap3A_17], %mul3A_16 {strides = array<i32>} : memref<1000x128xf32, #tpu.memory_space<vmem>>, vector<1000x128xf32>,
    %broadcast_in_dim3A = vector.shape_cast %rsqrt3A : vector<1000x1xf32> to vector<1000x1xf32>
    %broadcast_in_dim3A_19 = vector.broadcast %broadcast_in_dim3A : vector<1000x1xf32> to vector<1000x8xf32>
    %swap3A_20 = arith.constant 0 : index
    %swap3A_21 = arith.constant 0 : index
    %swap3A_22 = vector.load %arg4[%swap3A_20, %swap3A_21] : memref<1000x8xf32, #tpu.memory_space<vmem>>, vector<1000x8xf32>
    tpu.vector_store %arg4[%swap3A_20, %swap3A_21], %broadcast_in_dim3A_19 {strides = array<i32>} : memref<1000x8xf32, #tpu.memory_space<vmem>>, vector<1000x8xf32>,
    return
  }
  func.func @transform_0(%arg0: i32) -> (i32, i32) {
    %c0_i32 = arith.constant 0 : i32
    %c0_i32_0 = arith.constant 0 : i32
    return %arg0, %c0_i32 : i32, i32
  }
  func.func @transform_1(%arg0: i32) -> (i32, i32, i32) {
    %c0_i32 = arith.constant 0 : i32
    %c0_i32_0 = arith.constant 0 : i32
    %c0_i32_1 = arith.constant 0 : i32
    return %c0_i32, %arg0, %c0_i32_0 : i32, i32, i32
  }
  func.func @transform_2(%arg0: i32) -> (i32, i32) {
    %c0_i32 = arith.constant 0 : i32
    %c0_i32_0 = arith.constant 0 : i32
    return %arg0, %c0_i32 : i32, i32
  }
  func.func @transform_3(%arg0: i32) -> (i32, i32) {
    %c0_i32 = arith.constant 0 : i32
    %c0_i32_0 = arith.constant 0 : i32
    return %arg0, %c0_i32 : i32, i32
  }
}

module attributes {stable_mosaic.version = 14 : i64} {
  func.func @body(%arg0: i32, %arg1: memref<2x1000x128xf32, #tpu.memory_space<vmem>>, %arg2: memref<1000x128xf32, #tpu.memory_space<vmem>>, %arg3: memref<1000x8xf32, #tpu.memory_space<vmem>>, %arg4: memref<1x128xf32, #tpu.memory_space<vmem>>, %arg5: memref<128x128xf32, #tpu.memory_space<vmem>>, %arg6: memref<1000x128xf32, #tpu.memory_space<vmem>>, %arg7: memref<1000x128xf32, #tpu.memory_space<vmem>>) attributes {dimension_semantics = [#tpu.dimension_semantics<arbitrary>], iteration_bounds = array<i64: 10>, scalar_prefetch = 0 : i64, scratch_operands = 0 : i64, tpu.core_type = #tpu.core_type<tc>, window_params = [{transform_indices = @transform_0, window_bounds = array<i64: 2, 1000, 128>}, {transform_indices = @transform_1, window_bounds = array<i64: 1000, 128>}, {transform_indices = @transform_2, window_bounds = array<i64: 1000, 8>}, {pipeline_mode = #tpu.pipeline_mode<synchronous>, transform_indices = @transform_3, window_bounds = array<i64: 1, 128>}, {pipeline_mode = #tpu.pipeline_mode<synchronous>, transform_indices = @transform_4, window_bounds = array<i64: 128, 128>}, {transform_indices = @transform_5, window_bounds = array<i64: 1000, 128>}, {transform_indices = @transform_6, window_bounds = array<i64: 1000, 128>}]} {
    %get3A = arith.constant 0 : index
    %get3A_0 = arith.constant 0 : index
    %get3A_1 = vector.load %arg3[%get3A, %get3A_0] : memref<1000x8xf32, #tpu.memory_space<vmem>>, vector<1000x1xf32>
    %get3A_2 = arith.constant 0 : index
    %get3A_3 = arith.constant 0 : index
    %get3A_4 = arith.constant 0 : index
    %get3A_5 = vector.load %arg1[%get3A_2, %get3A_3, %get3A_4] : memref<2x1000x128xf32, #tpu.memory_space<vmem>>, vector<1x1000x128xf32>
    %get3A_6 = vector.shape_cast %get3A_5 : vector<1x1000x128xf32> to vector<1000x128xf32>
    %get3A_7 = arith.constant 1 : index
    %get3A_8 = arith.constant 0 : index
    %get3A_9 = arith.constant 0 : index
    %get3A_10 = vector.load %arg1[%get3A_7, %get3A_8, %get3A_9] : memref<2x1000x128xf32, #tpu.memory_space<vmem>>, vector<1x1000x128xf32>
    %get3A_11 = vector.shape_cast %get3A_10 : vector<1x1000x128xf32> to vector<1000x128xf32>
    %add3A = arith.addf %get3A_6, %get3A_11 : vector<1000x128xf32>
    %get3A_12 = arith.constant 0 : index
    %get3A_13 = arith.constant 0 : index
    %get3A_14 = vector.load %arg2[%get3A_12, %get3A_13] : memref<1000x128xf32, #tpu.memory_space<vmem>>, vector<1000x128xf32>
    %add3A_15 = arith.addf %add3A, %get3A_14 : vector<1000x128xf32>
    %mul3A = vector.broadcast %get3A_1 : vector<1000x1xf32> to vector<1000x128xf32>
    %mul3A_16 = arith.mulf %mul3A, %add3A_15 : vector<1000x128xf32>
    %get3A_17 = arith.constant 0 : index
    %get3A_18 = arith.constant 0 : index
    %get3A_19 = vector.load %arg4[%get3A_17, %get3A_18] : memref<1x128xf32, #tpu.memory_space<vmem>>, vector<1x128xf32>
    %add3A_20 = vector.broadcast %get3A_19 : vector<1x128xf32> to vector<1000x128xf32>
    %add3A_21 = arith.addf %mul3A_16, %add3A_20 : vector<1000x128xf32>
    %max3A = arith.constant 0.000000e+00 : f32
    %max3A_22 = vector.broadcast %max3A : f32 to vector<1000x128xf32>
    %max3A_23 = arith.maximumf %add3A_21, %max3A_22 : vector<1000x128xf32>
    %swap3A = arith.constant 0 : index
    %swap3A_24 = arith.constant 0 : index
    %swap3A_25 = vector.load %arg6[%swap3A, %swap3A_24] : memref<1000x128xf32, #tpu.memory_space<vmem>>, vector<1000x128xf32>
    tpu.vector_store %arg6[%swap3A, %swap3A_24], %max3A_23 {strides = array<i32>} : memref<1000x128xf32, #tpu.memory_space<vmem>>, vector<1000x128xf32>,
    %get3A_26 = arith.constant 0 : index
    %get3A_27 = arith.constant 0 : index
    %get3A_28 = vector.load %arg5[%get3A_26, %get3A_27] : memref<128x128xf32, #tpu.memory_space<vmem>>, vector<128x128xf32>
    %dot_general3A = arith.constant dense<0.000000e+00> : vector<1000x128xf32>
    %dot_general3A_29 = tpu.matmul %max3A_23, %get3A_28, %dot_general3A {dimension_numbers = #tpu.dot_dimension_numbers<[1], [0], [0], [1], [0, 0, 1, 1], [], []>, transpose_lhs_hint = false} : vector<1000x128xf32>, vector<128x128xf32>, vector<1000x128xf32> -> vector<1000x128xf32>
    %mul3A_30 = vector.broadcast %get3A_1 : vector<1000x1xf32> to vector<1000x128xf32>
    %mul3A_31 = arith.mulf %dot_general3A_29, %mul3A_30 : vector<1000x128xf32>
    %swap3A_32 = arith.constant 0 : index
    %swap3A_33 = arith.constant 0 : index
    %swap3A_34 = vector.load %arg7[%swap3A_32, %swap3A_33] : memref<1000x128xf32, #tpu.memory_space<vmem>>, vector<1000x128xf32>
    tpu.vector_store %arg7[%swap3A_32, %swap3A_33], %mul3A_31 {strides = array<i32>} : memref<1000x128xf32, #tpu.memory_space<vmem>>, vector<1000x128xf32>,
    return
  }
  func.func @transform_0(%arg0: i32) -> (i32, i32, i32) {
    %c0_i32 = arith.constant 0 : i32
    %c0_i32_0 = arith.constant 0 : i32
    %c0_i32_1 = arith.constant 0 : i32
    return %c0_i32, %arg0, %c0_i32_0 : i32, i32, i32
  }
  func.func @transform_1(%arg0: i32) -> (i32, i32) {
    %c0_i32 = arith.constant 0 : i32
    %c0_i32_0 = arith.constant 0 : i32
    return %arg0, %c0_i32 : i32, i32
  }
  func.func @transform_2(%arg0: i32) -> (i32, i32) {
    %c0_i32 = arith.constant 0 : i32
    %c0_i32_0 = arith.constant 0 : i32
    return %arg0, %c0_i32 : i32, i32
  }
  func.func @transform_3(%arg0: i32) -> (i32, i32) {
    %c0_i32 = arith.constant 0 : i32
    %c0_i32_0 = arith.constant 0 : i32
    %c0_i32_1 = arith.constant 0 : i32
    return %c0_i32, %c0_i32_0 : i32, i32
  }
  func.func @transform_4(%arg0: i32) -> (i32, i32) {
    %c0_i32 = arith.constant 0 : i32
    %c0_i32_0 = arith.constant 0 : i32
    %c0_i32_1 = arith.constant 0 : i32
    return %c0_i32, %c0_i32_0 : i32, i32
  }
  func.func @transform_5(%arg0: i32) -> (i32, i32) {
    %c0_i32 = arith.constant 0 : i32
    %c0_i32_0 = arith.constant 0 : i32
    return %arg0, %c0_i32 : i32, i32
  }
  func.func @transform_6(%arg0: i32) -> (i32, i32) {
    %c0_i32 = arith.constant 0 : i32
    %c0_i32_0 = arith.constant 0 : i32
    return %arg0, %c0_i32 : i32, i32
  }
}

module attributes {stable_mosaic.version = 14 : i64} {
  func.func @body(%arg0: i32, %arg1: memref<2x1000x128xf32, #tpu.memory_space<vmem>>, %arg2: memref<1000x128xf32, #tpu.memory_space<vmem>>, %arg3: memref<1000x128xf32, #tpu.memory_space<vmem>>, %arg4: memref<1000x8xf32, #tpu.memory_space<vmem>>, %arg5: memref<1x128xf32, #tpu.memory_space<vmem>>, %arg6: memref<128x512xf32, #tpu.memory_space<vmem>>, %arg7: memref<128x512xf32, #tpu.memory_space<vmem>>, %arg8: memref<1x512xf32, #tpu.memory_space<vmem>>, %arg9: memref<128x512xf32, #tpu.memory_space<vmem>>, %arg10: memref<128x512xf32, #tpu.memory_space<vmem>>, %arg11: memref<1x512xf32, #tpu.memory_space<vmem>>, %arg12: memref<128x8xf32, #tpu.memory_space<vmem>>, %arg13: memref<128x8xf32, #tpu.memory_space<vmem>>, %arg14: memref<128x128xf32, #tpu.memory_space<vmem>>, %arg15: memref<1000x128xf32, #tpu.memory_space<vmem>>) attributes {dimension_semantics = [#tpu.dimension_semantics<arbitrary>], iteration_bounds = array<i64: 10>, scalar_prefetch = 0 : i64, scratch_operands = 0 : i64, tpu.core_type = #tpu.core_type<tc>, window_params = [{transform_indices = @transform_0, window_bounds = array<i64: 2, 1000, 128>}, {transform_indices = @transform_1, window_bounds = array<i64: 1000, 128>}, {transform_indices = @transform_2, window_bounds = array<i64: 1000, 128>}, {transform_indices = @transform_3, window_bounds = array<i64: 1000, 8>}, {pipeline_mode = #tpu.pipeline_mode<synchronous>, transform_indices = @transform_4, window_bounds = array<i64: 1, 128>}, {pipeline_mode = #tpu.pipeline_mode<synchronous>, transform_indices = @transform_5, window_bounds = array<i64: 128, 512>}, {pipeline_mode = #tpu.pipeline_mode<synchronous>, transform_indices = @transform_6, window_bounds = array<i64: 128, 512>}, {pipeline_mode = #tpu.pipeline_mode<synchronous>, transform_indices = @transform_7, window_bounds = array<i64: 1, 512>}, {pipeline_mode = #tpu.pipeline_mode<synchronous>, transform_indices = @transform_8, window_bounds = array<i64: 128, 512>}, {pipeline_mode = #tpu.pipeline_mode<synchronous>, transform_indices = @transform_9, window_bounds = array<i64: 128, 512>}, {pipeline_mode = #tpu.pipeline_mode<synchronous>, transform_indices = @transform_10, window_bounds = array<i64: 1, 512>}, {pipeline_mode = #tpu.pipeline_mode<synchronous>, transform_indices = @transform_11, window_bounds = array<i64: 128, 8>}, {pipeline_mode = #tpu.pipeline_mode<synchronous>, transform_indices = @transform_12, window_bounds = array<i64: 128, 8>}, {pipeline_mode = #tpu.pipeline_mode<synchronous>, transform_indices = @transform_13, window_bounds = array<i64: 128, 128>}, {transform_indices = @transform_14, window_bounds = array<i64: 1000, 128>}]} {
    %get3A = arith.constant 0 : index
    %get3A_0 = arith.constant 0 : index
    %get3A_1 = vector.load %arg4[%get3A, %get3A_0] : memref<1000x8xf32, #tpu.memory_space<vmem>>, vector<1000x1xf32>
    %get3A_2 = arith.constant 0 : index
    %get3A_3 = arith.constant 0 : index
    %get3A_4 = arith.constant 0 : index
    %get3A_5 = vector.load %arg1[%get3A_2, %get3A_3, %get3A_4] : memref<2x1000x128xf32, #tpu.memory_space<vmem>>, vector<1x1000x128xf32>
    %get3A_6 = vector.shape_cast %get3A_5 : vector<1x1000x128xf32> to vector<1000x128xf32>
    %get3A_7 = arith.constant 1 : index
    %get3A_8 = arith.constant 0 : index
    %get3A_9 = arith.constant 0 : index
    %get3A_10 = vector.load %arg1[%get3A_7, %get3A_8, %get3A_9] : memref<2x1000x128xf32, #tpu.memory_space<vmem>>, vector<1x1000x128xf32>
    %get3A_11 = vector.shape_cast %get3A_10 : vector<1x1000x128xf32> to vector<1000x128xf32>
    %add3A = arith.addf %get3A_6, %get3A_11 : vector<1000x128xf32>
    %get3A_12 = arith.constant 0 : index
    %get3A_13 = arith.constant 0 : index
    %get3A_14 = vector.load %arg2[%get3A_12, %get3A_13] : memref<1000x128xf32, #tpu.memory_space<vmem>>, vector<1000x128xf32>
    %add3A_15 = arith.addf %add3A, %get3A_14 : vector<1000x128xf32>
    %mul3A = vector.broadcast %get3A_1 : vector<1000x1xf32> to vector<1000x128xf32>
    %mul3A_16 = arith.mulf %mul3A, %add3A_15 : vector<1000x128xf32>
    %get3A_17 = arith.constant 0 : index
    %get3A_18 = arith.constant 0 : index
    %get3A_19 = vector.load %arg5[%get3A_17, %get3A_18] : memref<1x128xf32, #tpu.memory_space<vmem>>, vector<1x128xf32>
    %add3A_20 = vector.broadcast %get3A_19 : vector<1x128xf32> to vector<1000x128xf32>
    %add3A_21 = arith.addf %mul3A_16, %add3A_20 : vector<1000x128xf32>
    %max3A = arith.constant 0.000000e+00 : f32
    %max3A_22 = vector.broadcast %max3A : f32 to vector<1000x128xf32>
    %max3A_23 = arith.maximumf %add3A_21, %max3A_22 : vector<1000x128xf32>
    %get3A_24 = arith.constant 0 : index
    %get3A_25 = arith.constant 0 : index
    %get3A_26 = vector.load %arg3[%get3A_24, %get3A_25] : memref<1000x128xf32, #tpu.memory_space<vmem>>, vector<1000x128xf32>
    %convert_element_type3A = arith.truncf %get3A_26 : vector<1000x128xf32> to vector<1000x128xbf16>
    %get3A_27 = arith.constant 0 : index
    %get3A_28 = arith.constant 0 : index
    %get3A_29 = vector.load %arg6[%get3A_27, %get3A_28] : memref<128x512xf32, #tpu.memory_space<vmem>>, vector<128x512xf32>
    %convert_element_type3A_30 = arith.truncf %get3A_29 : vector<128x512xf32> to vector<128x512xbf16>
    %dot_general3A = arith.constant dense<0.000000e+00> : vector<1000x512xf32>
    %dot_general3A_31 = tpu.matmul %convert_element_type3A, %convert_element_type3A_30, %dot_general3A {dimension_numbers = #tpu.dot_dimension_numbers<[1], [0], [0], [1], [0, 0, 1, 1], [], []>, transpose_lhs_hint = false} : vector<1000x128xbf16>, vector<128x512xbf16>, vector<1000x512xf32> -> vector<1000x512xf32>
    %get3A_32 = arith.constant 0 : index
    %get3A_33 = arith.constant 0 : index
    %get3A_34 = vector.load %arg8[%get3A_32, %get3A_33] : memref<1x512xf32, #tpu.memory_space<vmem>>, vector<1x512xf32>
    %add3A_35 = vector.broadcast %get3A_34 : vector<1x512xf32> to vector<1000x512xf32>
    %add3A_36 = arith.addf %dot_general3A_31, %add3A_35 : vector<1000x512xf32>
    %slice3A = vector.extract_strided_slice %add3A_36 {offsets = [0, 0], sizes = [1000, 128], strides = [1, 1]} : vector<1000x512xf32> to vector<1000x128xf32>
    %logistic3A = arith.negf %slice3A : vector<1000x128xf32>
    %logistic3A_37 = math.exp %logistic3A : vector<1000x128xf32>
    %logistic3A_38 = arith.constant 1.000000e+00 : f32
    %logistic3A_39 = vector.broadcast %logistic3A_38 : f32 to vector<1000x128xf32>
    %logistic3A_40 = arith.addf %logistic3A_39, %logistic3A_37 : vector<1000x128xf32>
    %logistic3A_41 = arith.divf %logistic3A_39, %logistic3A_40 : vector<1000x128xf32>
    %slice3A_42 = vector.extract_strided_slice %add3A_36 {offsets = [0, 128], sizes = [1000, 128], strides = [1, 1]} : vector<1000x512xf32> to vector<1000x128xf32>
    %logistic3A_43 = arith.negf %slice3A_42 : vector<1000x128xf32>
    %logistic3A_44 = math.exp %logistic3A_43 : vector<1000x128xf32>
    %logistic3A_45 = arith.constant 1.000000e+00 : f32
    %logistic3A_46 = vector.broadcast %logistic3A_45 : f32 to vector<1000x128xf32>
    %logistic3A_47 = arith.addf %logistic3A_46, %logistic3A_44 : vector<1000x128xf32>
    %logistic3A_48 = arith.divf %logistic3A_46, %logistic3A_47 : vector<1000x128xf32>
    %slice3A_49 = vector.extract_strided_slice %add3A_36 {offsets = [0, 256], sizes = [1000, 128], strides = [1, 1]} : vector<1000x512xf32> to vector<1000x128xf32>
    %tanh3A = math.tanh %slice3A_49 : vector<1000x128xf32>
    %slice3A_50 = vector.extract_strided_slice %add3A_36 {offsets = [0, 384], sizes = [1000, 128], strides = [1, 1]} : vector<1000x512xf32> to vector<1000x128xf32>
    %logistic3A_51 = arith.negf %slice3A_50 : vector<1000x128xf32>
    %logistic3A_52 = math.exp %logistic3A_51 : vector<1000x128xf32>
    %logistic3A_53 = arith.constant 1.000000e+00 : f32
    %logistic3A_54 = vector.broadcast %logistic3A_53 : f32 to vector<1000x128xf32>
    %logistic3A_55 = arith.addf %logistic3A_54, %logistic3A_52 : vector<1000x128xf32>
    %logistic3A_56 = arith.divf %logistic3A_54, %logistic3A_55 : vector<1000x128xf32>
    %mul3A_57 = arith.constant 0.000000e+00 : f32
    %mul3A_58 = vector.broadcast %mul3A_57 : f32 to vector<1000x128xf32>
    %mul3A_59 = arith.mulf %logistic3A_48, %mul3A_58 : vector<1000x128xf32>
    %mul3A_60 = arith.mulf %logistic3A_41, %tanh3A : vector<1000x128xf32>
    %add3A_61 = arith.addf %mul3A_59, %mul3A_60 : vector<1000x128xf32>
    %tanh3A_62 = math.tanh %add3A_61 : vector<1000x128xf32>
    %mul3A_63 = arith.mulf %logistic3A_56, %tanh3A_62 : vector<1000x128xf32>
    %convert_element_type3A_64 = arith.truncf %max3A_23 : vector<1000x128xf32> to vector<1000x128xbf16>
    %get3A_65 = arith.constant 0 : index
    %get3A_66 = arith.constant 0 : index
    %get3A_67 = vector.load %arg6[%get3A_65, %get3A_66] : memref<128x512xf32, #tpu.memory_space<vmem>>, vector<128x512xf32>
    %convert_element_type3A_68 = arith.truncf %get3A_67 : vector<128x512xf32> to vector<128x512xbf16>
    %dot_general3A_69 = arith.constant dense<0.000000e+00> : vector<1000x512xf32>
    %dot_general3A_70 = tpu.matmul %convert_element_type3A_64, %convert_element_type3A_68, %dot_general3A_69 {dimension_numbers = #tpu.dot_dimension_numbers<[1], [0], [0], [1], [0, 0, 1, 1], [], []>, transpose_lhs_hint = false} : vector<1000x128xbf16>, vector<128x512xbf16>, vector<1000x512xf32> -> vector<1000x512xf32>
    %convert_element_type3A_71 = arith.truncf %mul3A_63 : vector<1000x128xf32> to vector<1000x128xbf16>
    %get3A_72 = arith.constant 0 : index
    %get3A_73 = arith.constant 0 : index
    %get3A_74 = vector.load %arg7[%get3A_72, %get3A_73] : memref<128x512xf32, #tpu.memory_space<vmem>>, vector<128x512xf32>
    %convert_element_type3A_75 = arith.truncf %get3A_74 : vector<128x512xf32> to vector<128x512xbf16>
    %dot_general3A_76 = arith.constant dense<0.000000e+00> : vector<1000x512xf32>
    %dot_general3A_77 = tpu.matmul %convert_element_type3A_71, %convert_element_type3A_75, %dot_general3A_76 {dimension_numbers = #tpu.dot_dimension_numbers<[1], [0], [0], [1], [0, 0, 1, 1], [], []>, transpose_lhs_hint = false} : vector<1000x128xbf16>, vector<128x512xbf16>, vector<1000x512xf32> -> vector<1000x512xf32>
    %add3A_78 = arith.addf %dot_general3A_70, %dot_general3A_77 : vector<1000x512xf32>
    %get3A_79 = arith.constant 0 : index
    %get3A_80 = arith.constant 0 : index
    %get3A_81 = vector.load %arg8[%get3A_79, %get3A_80] : memref<1x512xf32, #tpu.memory_space<vmem>>, vector<1x512xf32>
    %add3A_82 = vector.broadcast %get3A_81 : vector<1x512xf32> to vector<1000x512xf32>
    %add3A_83 = arith.addf %add3A_78, %add3A_82 : vector<1000x512xf32>
    %slice3A_84 = vector.extract_strided_slice %add3A_83 {offsets = [0, 0], sizes = [1000, 128], strides = [1, 1]} : vector<1000x512xf32> to vector<1000x128xf32>
    %logistic3A_85 = arith.negf %slice3A_84 : vector<1000x128xf32>
    %logistic3A_86 = math.exp %logistic3A_85 : vector<1000x128xf32>
    %logistic3A_87 = arith.constant 1.000000e+00 : f32
    %logistic3A_88 = vector.broadcast %logistic3A_87 : f32 to vector<1000x128xf32>
    %logistic3A_89 = arith.addf %logistic3A_88, %logistic3A_86 : vector<1000x128xf32>
    %logistic3A_90 = arith.divf %logistic3A_88, %logistic3A_89 : vector<1000x128xf32>
    %slice3A_91 = vector.extract_strided_slice %add3A_83 {offsets = [0, 128], sizes = [1000, 128], strides = [1, 1]} : vector<1000x512xf32> to vector<1000x128xf32>
    %logistic3A_92 = arith.negf %slice3A_91 : vector<1000x128xf32>
    %logistic3A_93 = math.exp %logistic3A_92 : vector<1000x128xf32>
    %logistic3A_94 = arith.constant 1.000000e+00 : f32
    %logistic3A_95 = vector.broadcast %logistic3A_94 : f32 to vector<1000x128xf32>
    %logistic3A_96 = arith.addf %logistic3A_95, %logistic3A_93 : vector<1000x128xf32>
    %logistic3A_97 = arith.divf %logistic3A_95, %logistic3A_96 : vector<1000x128xf32>
    %slice3A_98 = vector.extract_strided_slice %add3A_83 {offsets = [0, 256], sizes = [1000, 128], strides = [1, 1]} : vector<1000x512xf32> to vector<1000x128xf32>
    %tanh3A_99 = math.tanh %slice3A_98 : vector<1000x128xf32>
    %slice3A_100 = vector.extract_strided_slice %add3A_83 {offsets = [0, 384], sizes = [1000, 128], strides = [1, 1]} : vector<1000x512xf32> to vector<1000x128xf32>
    %logistic3A_101 = arith.negf %slice3A_100 : vector<1000x128xf32>
    %logistic3A_102 = math.exp %logistic3A_101 : vector<1000x128xf32>
    %logistic3A_103 = arith.constant 1.000000e+00 : f32
    %logistic3A_104 = vector.broadcast %logistic3A_103 : f32 to vector<1000x128xf32>
    %logistic3A_105 = arith.addf %logistic3A_104, %logistic3A_102 : vector<1000x128xf32>
    %logistic3A_106 = arith.divf %logistic3A_104, %logistic3A_105 : vector<1000x128xf32>
    %mul3A_107 = arith.mulf %logistic3A_97, %add3A_61 : vector<1000x128xf32>
    %mul3A_108 = arith.mulf %logistic3A_90, %tanh3A_99 : vector<1000x128xf32>
    %add3A_109 = arith.addf %mul3A_107, %mul3A_108 : vector<1000x128xf32>
    %tanh3A_110 = math.tanh %add3A_109 : vector<1000x128xf32>
    %mul3A_111 = arith.mulf %logistic3A_106, %tanh3A_110 : vector<1000x128xf32>
    %convert_element_type3A_112 = arith.truncf %max3A_23 : vector<1000x128xf32> to vector<1000x128xbf16>
    %get3A_113 = arith.constant 0 : index
    %get3A_114 = arith.constant 0 : index
    %get3A_115 = vector.load %arg9[%get3A_113, %get3A_114] : memref<128x512xf32, #tpu.memory_space<vmem>>, vector<128x512xf32>
    %convert_element_type3A_116 = arith.truncf %get3A_115 : vector<128x512xf32> to vector<128x512xbf16>
    %dot_general3A_117 = arith.constant dense<0.000000e+00> : vector<1000x512xf32>
    %dot_general3A_118 = tpu.matmul %convert_element_type3A_112, %convert_element_type3A_116, %dot_general3A_117 {dimension_numbers = #tpu.dot_dimension_numbers<[1], [0], [0], [1], [0, 0, 1, 1], [], []>, transpose_lhs_hint = false} : vector<1000x128xbf16>, vector<128x512xbf16>, vector<1000x512xf32> -> vector<1000x512xf32>
    %get3A_119 = arith.constant 0 : index
    %get3A_120 = arith.constant 0 : index
    %get3A_121 = vector.load %arg11[%get3A_119, %get3A_120] : memref<1x512xf32, #tpu.memory_space<vmem>>, vector<1x512xf32>
    %add3A_122 = vector.broadcast %get3A_121 : vector<1x512xf32> to vector<1000x512xf32>
    %add3A_123 = arith.addf %dot_general3A_118, %add3A_122 : vector<1000x512xf32>
    %slice3A_124 = vector.extract_strided_slice %add3A_123 {offsets = [0, 0], sizes = [1000, 128], strides = [1, 1]} : vector<1000x512xf32> to vector<1000x128xf32>
    %logistic3A_125 = arith.negf %slice3A_124 : vector<1000x128xf32>
    %logistic3A_126 = math.exp %logistic3A_125 : vector<1000x128xf32>
    %logistic3A_127 = arith.constant 1.000000e+00 : f32
    %logistic3A_128 = vector.broadcast %logistic3A_127 : f32 to vector<1000x128xf32>
    %logistic3A_129 = arith.addf %logistic3A_128, %logistic3A_126 : vector<1000x128xf32>
    %logistic3A_130 = arith.divf %logistic3A_128, %logistic3A_129 : vector<1000x128xf32>
    %slice3A_131 = vector.extract_strided_slice %add3A_123 {offsets = [0, 128], sizes = [1000, 128], strides = [1, 1]} : vector<1000x512xf32> to vector<1000x128xf32>
    %logistic3A_132 = arith.negf %slice3A_131 : vector<1000x128xf32>
    %logistic3A_133 = math.exp %logistic3A_132 : vector<1000x128xf32>
    %logistic3A_134 = arith.constant 1.000000e+00 : f32
    %logistic3A_135 = vector.broadcast %logistic3A_134 : f32 to vector<1000x128xf32>
    %logistic3A_136 = arith.addf %logistic3A_135, %logistic3A_133 : vector<1000x128xf32>
    %logistic3A_137 = arith.divf %logistic3A_135, %logistic3A_136 : vector<1000x128xf32>
    %slice3A_138 = vector.extract_strided_slice %add3A_123 {offsets = [0, 256], sizes = [1000, 128], strides = [1, 1]} : vector<1000x512xf32> to vector<1000x128xf32>
    %tanh3A_139 = math.tanh %slice3A_138 : vector<1000x128xf32>
    %slice3A_140 = vector.extract_strided_slice %add3A_123 {offsets = [0, 384], sizes = [1000, 128], strides = [1, 1]} : vector<1000x512xf32> to vector<1000x128xf32>
    %logistic3A_141 = arith.negf %slice3A_140 : vector<1000x128xf32>
    %logistic3A_142 = math.exp %logistic3A_141 : vector<1000x128xf32>
    %logistic3A_143 = arith.constant 1.000000e+00 : f32
    %logistic3A_144 = vector.broadcast %logistic3A_143 : f32 to vector<1000x128xf32>
    %logistic3A_145 = arith.addf %logistic3A_144, %logistic3A_142 : vector<1000x128xf32>
    %logistic3A_146 = arith.divf %logistic3A_144, %logistic3A_145 : vector<1000x128xf32>
    %mul3A_147 = arith.constant 0.000000e+00 : f32
    %mul3A_148 = vector.broadcast %mul3A_147 : f32 to vector<1000x128xf32>
    %mul3A_149 = arith.mulf %logistic3A_137, %mul3A_148 : vector<1000x128xf32>
    %mul3A_150 = arith.mulf %logistic3A_130, %tanh3A_139 : vector<1000x128xf32>
    %add3A_151 = arith.addf %mul3A_149, %mul3A_150 : vector<1000x128xf32>
    %tanh3A_152 = math.tanh %add3A_151 : vector<1000x128xf32>
    %mul3A_153 = arith.mulf %logistic3A_146, %tanh3A_152 : vector<1000x128xf32>
    %convert_element_type3A_154 = arith.truncf %get3A_26 : vector<1000x128xf32> to vector<1000x128xbf16>
    %get3A_155 = arith.constant 0 : index
    %get3A_156 = arith.constant 0 : index
    %get3A_157 = vector.load %arg9[%get3A_155, %get3A_156] : memref<128x512xf32, #tpu.memory_space<vmem>>, vector<128x512xf32>
    %convert_element_type3A_158 = arith.truncf %get3A_157 : vector<128x512xf32> to vector<128x512xbf16>
    %dot_general3A_159 = arith.constant dense<0.000000e+00> : vector<1000x512xf32>
    %dot_general3A_160 = tpu.matmul %convert_element_type3A_154, %convert_element_type3A_158, %dot_general3A_159 {dimension_numbers = #tpu.dot_dimension_numbers<[1], [0], [0], [1], [0, 0, 1, 1], [], []>, transpose_lhs_hint = false} : vector<1000x128xbf16>, vector<128x512xbf16>, vector<1000x512xf32> -> vector<1000x512xf32>
    %convert_element_type3A_161 = arith.truncf %mul3A_153 : vector<1000x128xf32> to vector<1000x128xbf16>
    %get3A_162 = arith.constant 0 : index
    %get3A_163 = arith.constant 0 : index
    %get3A_164 = vector.load %arg10[%get3A_162, %get3A_163] : memref<128x512xf32, #tpu.memory_space<vmem>>, vector<128x512xf32>
    %convert_element_type3A_165 = arith.truncf %get3A_164 : vector<128x512xf32> to vector<128x512xbf16>
    %dot_general3A_166 = arith.constant dense<0.000000e+00> : vector<1000x512xf32>
    %dot_general3A_167 = tpu.matmul %convert_element_type3A_161, %convert_element_type3A_165, %dot_general3A_166 {dimension_numbers = #tpu.dot_dimension_numbers<[1], [0], [0], [1], [0, 0, 1, 1], [], []>, transpose_lhs_hint = false} : vector<1000x128xbf16>, vector<128x512xbf16>, vector<1000x512xf32> -> vector<1000x512xf32>
    %add3A_168 = arith.addf %dot_general3A_160, %dot_general3A_167 : vector<1000x512xf32>
    %get3A_169 = arith.constant 0 : index
    %get3A_170 = arith.constant 0 : index
    %get3A_171 = vector.load %arg11[%get3A_169, %get3A_170] : memref<1x512xf32, #tpu.memory_space<vmem>>, vector<1x512xf32>
    %add3A_172 = vector.broadcast %get3A_171 : vector<1x512xf32> to vector<1000x512xf32>
    %add3A_173 = arith.addf %add3A_168, %add3A_172 : vector<1000x512xf32>
    %slice3A_174 = vector.extract_strided_slice %add3A_173 {offsets = [0, 0], sizes = [1000, 128], strides = [1, 1]} : vector<1000x512xf32> to vector<1000x128xf32>
    %logistic3A_175 = arith.negf %slice3A_174 : vector<1000x128xf32>
    %logistic3A_176 = math.exp %logistic3A_175 : vector<1000x128xf32>
    %logistic3A_177 = arith.constant 1.000000e+00 : f32
    %logistic3A_178 = vector.broadcast %logistic3A_177 : f32 to vector<1000x128xf32>
    %logistic3A_179 = arith.addf %logistic3A_178, %logistic3A_176 : vector<1000x128xf32>
    %logistic3A_180 = arith.divf %logistic3A_178, %logistic3A_179 : vector<1000x128xf32>
    %slice3A_181 = vector.extract_strided_slice %add3A_173 {offsets = [0, 128], sizes = [1000, 128], strides = [1, 1]} : vector<1000x512xf32> to vector<1000x128xf32>
    %logistic3A_182 = arith.negf %slice3A_181 : vector<1000x128xf32>
    %logistic3A_183 = math.exp %logistic3A_182 : vector<1000x128xf32>
    %logistic3A_184 = arith.constant 1.000000e+00 : f32
    %logistic3A_185 = vector.broadcast %logistic3A_184 : f32 to vector<1000x128xf32>
    %logistic3A_186 = arith.addf %logistic3A_185, %logistic3A_183 : vector<1000x128xf32>
    %logistic3A_187 = arith.divf %logistic3A_185, %logistic3A_186 : vector<1000x128xf32>
    %slice3A_188 = vector.extract_strided_slice %add3A_173 {offsets = [0, 256], sizes = [1000, 128], strides = [1, 1]} : vector<1000x512xf32> to vector<1000x128xf32>
    %tanh3A_189 = math.tanh %slice3A_188 : vector<1000x128xf32>
    %slice3A_190 = vector.extract_strided_slice %add3A_173 {offsets = [0, 384], sizes = [1000, 128], strides = [1, 1]} : vector<1000x512xf32> to vector<1000x128xf32>
    %logistic3A_191 = arith.negf %slice3A_190 : vector<1000x128xf32>
    %logistic3A_192 = math.exp %logistic3A_191 : vector<1000x128xf32>
    %logistic3A_193 = arith.constant 1.000000e+00 : f32
    %logistic3A_194 = vector.broadcast %logistic3A_193 : f32 to vector<1000x128xf32>
    %logistic3A_195 = arith.addf %logistic3A_194, %logistic3A_192 : vector<1000x128xf32>
    %logistic3A_196 = arith.divf %logistic3A_194, %logistic3A_195 : vector<1000x128xf32>
    %mul3A_197 = arith.mulf %logistic3A_187, %add3A_151 : vector<1000x128xf32>
    %mul3A_198 = arith.mulf %logistic3A_180, %tanh3A_189 : vector<1000x128xf32>
    %add3A_199 = arith.addf %mul3A_197, %mul3A_198 : vector<1000x128xf32>
    %tanh3A_200 = math.tanh %add3A_199 : vector<1000x128xf32>
    %mul3A_201 = arith.mulf %logistic3A_196, %tanh3A_200 : vector<1000x128xf32>
    %get3A_202 = arith.constant 0 : index
    %get3A_203 = arith.constant 0 : index
    %get3A_204 = vector.load %arg12[%get3A_202, %get3A_203] : memref<128x8xf32, #tpu.memory_space<vmem>>, vector<128x8xf32>
    %dot_general3A_205 = arith.constant dense<0.000000e+00> : vector<1000x8xf32>
    %dot_general3A_206 = tpu.matmul %mul3A_63, %get3A_204, %dot_general3A_205 {dimension_numbers = #tpu.dot_dimension_numbers<[1], [0], [0], [1], [0, 0, 1, 1], [], []>, transpose_lhs_hint = false} : vector<1000x128xf32>, vector<128x8xf32>, vector<1000x8xf32> -> vector<1000x8xf32>
    %get3A_207 = arith.constant 0 : index
    %get3A_208 = arith.constant 0 : index
    %get3A_209 = vector.load %arg13[%get3A_207, %get3A_208] : memref<128x8xf32, #tpu.memory_space<vmem>>, vector<128x8xf32>
    %dot_general3A_210 = arith.constant dense<0.000000e+00> : vector<1000x8xf32>
    %dot_general3A_211 = tpu.matmul %mul3A_201, %get3A_209, %dot_general3A_210 {dimension_numbers = #tpu.dot_dimension_numbers<[1], [0], [0], [1], [0, 0, 1, 1], [], []>, transpose_lhs_hint = false} : vector<1000x128xf32>, vector<128x8xf32>, vector<1000x8xf32> -> vector<1000x8xf32>
    %add3A_212 = arith.addf %dot_general3A_206, %dot_general3A_211 : vector<1000x8xf32>
    %get3A_213 = arith.constant 0 : index
    %get3A_214 = arith.constant 0 : index
    %get3A_215 = vector.load %arg12[%get3A_213, %get3A_214] : memref<128x8xf32, #tpu.memory_space<vmem>>, vector<128x8xf32>
    %dot_general3A_216 = arith.constant dense<0.000000e+00> : vector<1000x8xf32>
    %dot_general3A_217 = tpu.matmul %mul3A_111, %get3A_215, %dot_general3A_216 {dimension_numbers = #tpu.dot_dimension_numbers<[1], [0], [0], [1], [0, 0, 1, 1], [], []>, transpose_lhs_hint = false} : vector<1000x128xf32>, vector<128x8xf32>, vector<1000x8xf32> -> vector<1000x8xf32>
    %get3A_218 = arith.constant 0 : index
    %get3A_219 = arith.constant 0 : index
    %get3A_220 = vector.load %arg13[%get3A_218, %get3A_219] : memref<128x8xf32, #tpu.memory_space<vmem>>, vector<128x8xf32>
    %dot_general3A_221 = arith.constant dense<0.000000e+00> : vector<1000x8xf32>
    %dot_general3A_222 = tpu.matmul %mul3A_153, %get3A_220, %dot_general3A_221 {dimension_numbers = #tpu.dot_dimension_numbers<[1], [0], [0], [1], [0, 0, 1, 1], [], []>, transpose_lhs_hint = false} : vector<1000x128xf32>, vector<128x8xf32>, vector<1000x8xf32> -> vector<1000x8xf32>
    %add3A_223 = arith.addf %dot_general3A_217, %dot_general3A_222 : vector<1000x8xf32>
    %slice3A_224 = vector.extract_strided_slice %add3A_212 {offsets = [0, 0], sizes = [1000, 1], strides = [1, 1]} : vector<1000x8xf32> to vector<1000x1xf32>
    %slice3A_225 = vector.extract_strided_slice %add3A_223 {offsets = [0, 0], sizes = [1000, 1], strides = [1, 1]} : vector<1000x8xf32> to vector<1000x1xf32>
    %sub3A = arith.subf %slice3A_224, %slice3A_225 : vector<1000x1xf32>
    %logistic3A_226 = arith.negf %sub3A : vector<1000x1xf32>
    %logistic3A_227 = math.exp %logistic3A_226 : vector<1000x1xf32>
    %logistic3A_228 = arith.constant 1.000000e+00 : f32
    %logistic3A_229 = vector.broadcast %logistic3A_228 : f32 to vector<1000x1xf32>
    %logistic3A_230 = arith.addf %logistic3A_229, %logistic3A_227 : vector<1000x1xf32>
    %logistic3A_231 = arith.divf %logistic3A_229, %logistic3A_230 : vector<1000x1xf32>
    %mul3A_232 = vector.broadcast %logistic3A_231 : vector<1000x1xf32> to vector<1000x128xf32>
    %mul3A_233 = arith.mulf %mul3A_232, %get3A_26 : vector<1000x128xf32>
    %sub3A_234 = arith.constant 1.000000e+00 : f32
    %sub3A_235 = vector.broadcast %sub3A_234 : f32 to vector<1000x1xf32>
    %sub3A_236 = arith.subf %sub3A_235, %logistic3A_231 : vector<1000x1xf32>
    %mul3A_237 = vector.broadcast %sub3A_236 : vector<1000x1xf32> to vector<1000x128xf32>
    %mul3A_238 = arith.mulf %mul3A_237, %max3A_23 : vector<1000x128xf32>
    %add3A_239 = arith.addf %mul3A_233, %mul3A_238 : vector<1000x128xf32>
    %get3A_240 = arith.constant 0 : index
    %get3A_241 = arith.constant 0 : index
    %get3A_242 = vector.load %arg14[%get3A_240, %get3A_241] : memref<128x128xf32, #tpu.memory_space<vmem>>, vector<128x128xf32>
    %dot_general3A_243 = arith.constant dense<0.000000e+00> : vector<1000x128xf32>
    %dot_general3A_244 = tpu.matmul %add3A_239, %get3A_242, %dot_general3A_243 {dimension_numbers = #tpu.dot_dimension_numbers<[1], [0], [0], [1], [0, 0, 1, 1], [], []>, transpose_lhs_hint = false} : vector<1000x128xf32>, vector<128x128xf32>, vector<1000x128xf32> -> vector<1000x128xf32>
    %mul3A_245 = vector.broadcast %get3A_1 : vector<1000x1xf32> to vector<1000x128xf32>
    %mul3A_246 = arith.mulf %dot_general3A_244, %mul3A_245 : vector<1000x128xf32>
    %swap3A = arith.constant 0 : index
    %swap3A_247 = arith.constant 0 : index
    %swap3A_248 = vector.load %arg15[%swap3A, %swap3A_247] : memref<1000x128xf32, #tpu.memory_space<vmem>>, vector<1000x128xf32>
    tpu.vector_store %arg15[%swap3A, %swap3A_247], %mul3A_246 {strides = array<i32>} : memref<1000x128xf32, #tpu.memory_space<vmem>>, vector<1000x128xf32>,
    return
  }
  func.func @transform_0(%arg0: i32) -> (i32, i32, i32) {
    %c0_i32 = arith.constant 0 : i32
    %c0_i32_0 = arith.constant 0 : i32
    %c0_i32_1 = arith.constant 0 : i32
    return %c0_i32, %arg0, %c0_i32_0 : i32, i32, i32
  }
  func.func @transform_1(%arg0: i32) -> (i32, i32) {
    %c0_i32 = arith.constant 0 : i32
    %c0_i32_0 = arith.constant 0 : i32
    return %arg0, %c0_i32 : i32, i32
  }
  func.func @transform_2(%arg0: i32) -> (i32, i32) {
    %c0_i32 = arith.constant 0 : i32
    %c0_i32_0 = arith.constant 0 : i32
    return %arg0, %c0_i32 : i32, i32
  }
  func.func @transform_3(%arg0: i32) -> (i32, i32) {
    %c0_i32 = arith.constant 0 : i32
    %c0_i32_0 = arith.constant 0 : i32
    return %arg0, %c0_i32 : i32, i32
  }
  func.func @transform_4(%arg0: i32) -> (i32, i32) {
    %c0_i32 = arith.constant 0 : i32
    %c0_i32_0 = arith.constant 0 : i32
    %c0_i32_1 = arith.constant 0 : i32
    return %c0_i32, %c0_i32_0 : i32, i32
  }
  func.func @transform_5(%arg0: i32) -> (i32, i32) {
    %c0_i32 = arith.constant 0 : i32
    %c0_i32_0 = arith.constant 0 : i32
    %c0_i32_1 = arith.constant 0 : i32
    return %c0_i32, %c0_i32_0 : i32, i32
  }
  func.func @transform_6(%arg0: i32) -> (i32, i32) {
    %c0_i32 = arith.constant 0 : i32
    %c0_i32_0 = arith.constant 0 : i32
    %c0_i32_1 = arith.constant 0 : i32
    return %c0_i32, %c0_i32_0 : i32, i32
  }
  func.func @transform_7(%arg0: i32) -> (i32, i32) {
    %c0_i32 = arith.constant 0 : i32
    %c0_i32_0 = arith.constant 0 : i32
    %c0_i32_1 = arith.constant 0 : i32
    return %c0_i32, %c0_i32_0 : i32, i32
  }
  func.func @transform_8(%arg0: i32) -> (i32, i32) {
    %c0_i32 = arith.constant 0 : i32
    %c0_i32_0 = arith.constant 0 : i32
    %c0_i32_1 = arith.constant 0 : i32
    return %c0_i32, %c0_i32_0 : i32, i32
  }
  func.func @transform_9(%arg0: i32) -> (i32, i32) {
    %c0_i32 = arith.constant 0 : i32
    %c0_i32_0 = arith.constant 0 : i32
    %c0_i32_1 = arith.constant 0 : i32
    return %c0_i32, %c0_i32_0 : i32, i32
  }
  func.func @transform_10(%arg0: i32) -> (i32, i32) {
    %c0_i32 = arith.constant 0 : i32
    %c0_i32_0 = arith.constant 0 : i32
    %c0_i32_1 = arith.constant 0 : i32
    return %c0_i32, %c0_i32_0 : i32, i32
  }
  func.func @transform_11(%arg0: i32) -> (i32, i32) {
    %c0_i32 = arith.constant 0 : i32
    %c0_i32_0 = arith.constant 0 : i32
    %c0_i32_1 = arith.constant 0 : i32
    return %c0_i32, %c0_i32_0 : i32, i32
  }
  func.func @transform_12(%arg0: i32) -> (i32, i32) {
    %c0_i32 = arith.constant 0 : i32
    %c0_i32_0 = arith.constant 0 : i32
    %c0_i32_1 = arith.constant 0 : i32
    return %c0_i32, %c0_i32_0 : i32, i32
  }
  func.func @transform_13(%arg0: i32) -> (i32, i32) {
    %c0_i32 = arith.constant 0 : i32
    %c0_i32_0 = arith.constant 0 : i32
    %c0_i32_1 = arith.constant 0 : i32
    return %c0_i32, %c0_i32_0 : i32, i32
  }
  func.func @transform_14(%arg0: i32) -> (i32, i32) {
    %c0_i32 = arith.constant 0 : i32
    %c0_i32_0 = arith.constant 0 : i32
    return %arg0, %c0_i32 : i32, i32
  }
}

module attributes {stable_mosaic.version = 14 : i64} {
  func.func @body(%arg0: i32, %arg1: memref<2x1000x128xf32, #tpu.memory_space<vmem>>, %arg2: memref<1000x128xf32, #tpu.memory_space<vmem>>, %arg3: memref<1000x8xf32, #tpu.memory_space<vmem>>, %arg4: memref<1x40xf32, #tpu.memory_space<vmem>>, %arg5: memref<1000x40xf32, #tpu.memory_space<vmem>>) attributes {dimension_semantics = [#tpu.dimension_semantics<arbitrary>], iteration_bounds = array<i64: 10>, scalar_prefetch = 0 : i64, scratch_operands = 0 : i64, tpu.core_type = #tpu.core_type<tc>, window_params = [{transform_indices = @transform_0, window_bounds = array<i64: 2, 1000, 128>}, {transform_indices = @transform_1, window_bounds = array<i64: 1000, 128>}, {transform_indices = @transform_2, window_bounds = array<i64: 1000, 8>}, {pipeline_mode = #tpu.pipeline_mode<synchronous>, transform_indices = @transform_3, window_bounds = array<i64: 1, 40>}, {transform_indices = @transform_4, window_bounds = array<i64: 1000, 40>}]} {
    %get3A = arith.constant 0 : index
    %get3A_0 = arith.constant 0 : index
    %get3A_1 = vector.load %arg3[%get3A, %get3A_0] : memref<1000x8xf32, #tpu.memory_space<vmem>>, vector<1000x1xf32>
    %get3A_2 = arith.constant 0 : index
    %get3A_3 = arith.constant 0 : index
    %get3A_4 = arith.constant 0 : index
    %get3A_5 = vector.load %arg1[%get3A_2, %get3A_3, %get3A_4] : memref<2x1000x128xf32, #tpu.memory_space<vmem>>, vector<1x1000x128xf32>
    %get3A_6 = vector.shape_cast %get3A_5 : vector<1x1000x128xf32> to vector<1000x128xf32>
    %get3A_7 = arith.constant 1 : index
    %get3A_8 = arith.constant 0 : index
    %get3A_9 = arith.constant 0 : index
    %get3A_10 = vector.load %arg1[%get3A_7, %get3A_8, %get3A_9] : memref<2x1000x128xf32, #tpu.memory_space<vmem>>, vector<1x1000x128xf32>
    %get3A_11 = vector.shape_cast %get3A_10 : vector<1x1000x128xf32> to vector<1000x128xf32>
    %add3A = arith.addf %get3A_6, %get3A_11 : vector<1000x128xf32>
    %get3A_12 = arith.constant 0 : index
    %get3A_13 = arith.constant 0 : index
    %get3A_14 = vector.load %arg2[%get3A_12, %get3A_13] : memref<1000x128xf32, #tpu.memory_space<vmem>>, vector<1000x128xf32>
    %add3A_15 = arith.addf %add3A, %get3A_14 : vector<1000x128xf32>
    %mul3A = vector.broadcast %get3A_1 : vector<1000x1xf32> to vector<1000x128xf32>
    %mul3A_16 = arith.mulf %mul3A, %add3A_15 : vector<1000x128xf32>
    %slice3A = vector.extract_strided_slice %mul3A_16 {offsets = [0, 0], sizes = [1000, 40], strides = [1, 1]} : vector<1000x128xf32> to vector<1000x40xf32>
    %get3A_17 = arith.constant 0 : index
    %get3A_18 = arith.constant 0 : index
    %get3A_19 = vector.load %arg4[%get3A_17, %get3A_18] : memref<1x40xf32, #tpu.memory_space<vmem>>, vector<1x40xf32>
    %add3A_20 = vector.broadcast %get3A_19 : vector<1x40xf32> to vector<1000x40xf32>
    %add3A_21 = arith.addf %slice3A, %add3A_20 : vector<1000x40xf32>
    %swap3A = arith.constant 0 : index
    %swap3A_22 = arith.constant 0 : index
    %swap3A_23 = vector.load %arg5[%swap3A, %swap3A_22] : memref<1000x40xf32, #tpu.memory_space<vmem>>, vector<1000x40xf32>
    tpu.vector_store %arg5[%swap3A, %swap3A_22], %add3A_21 {strides = array<i32>} : memref<1000x40xf32, #tpu.memory_space<vmem>>, vector<1000x40xf32>,
    return
  }
  func.func @transform_0(%arg0: i32) -> (i32, i32, i32) {
    %c0_i32 = arith.constant 0 : i32
    %c0_i32_0 = arith.constant 0 : i32
    %c0_i32_1 = arith.constant 0 : i32
    return %c0_i32, %arg0, %c0_i32_0 : i32, i32, i32
  }
  func.func @transform_1(%arg0: i32) -> (i32, i32) {
    %c0_i32 = arith.constant 0 : i32
    %c0_i32_0 = arith.constant 0 : i32
    return %arg0, %c0_i32 : i32, i32
  }
  func.func @transform_2(%arg0: i32) -> (i32, i32) {
    %c0_i32 = arith.constant 0 : i32
    %c0_i32_0 = arith.constant 0 : i32
    return %arg0, %c0_i32 : i32, i32
  }
  func.func @transform_3(%arg0: i32) -> (i32, i32) {
    %c0_i32 = arith.constant 0 : i32
    %c0_i32_0 = arith.constant 0 : i32
    %c0_i32_1 = arith.constant 0 : i32
    return %c0_i32, %c0_i32_0 : i32, i32
  }
  func.func @transform_4(%arg0: i32) -> (i32, i32) {
    %c0_i32 = arith.constant 0 : i32
    %c0_i32_0 = arith.constant 0 : i32
    return %arg0, %c0_i32 : i32, i32
  }
}

</mosaic_0001>

<sc_bundles>
// kernel: kernel.11.cloned.1.call-start
scs
__scs_entry_jumppad:
0x0: {  	(pc) =	sbr.rel $0x88, $3  }
0x1: {  	(tag) =	ssettag $0x0;
	lr =	simm.s32 $0x1  }
0x2: {  	[smem:$0x3F90] =	sst lr;
	_ =	strace $0xD0000000  }
0x3: {  	_ = 	snop  }
0x4: {  	_ = 	snop  }
0x5: {  	_ = 	snop  }
0x6: {  	_ = 	snop  }
0x7: {  	_ = 	snop  }
__scs_overlays_trampoline_lowered:
0x8: {  	[smem:$0x3F9F] =	sst s0  }
0x9: {  	[smem:$0x3FA0] =	sst s1  }
0xa: {  	[smem:$0x3FA1] =	sst s2  }
0xb: {  	[smem:$0x3FA2] =	sst s3  }
0xc: {  	[smem:$0x3FA3] =	sst s4  }
0xd: {  	[smem:$0x3FA4] =	sst s5  }
0xe: {  	[smem:$0x3FA5] =	sst s6  }
0xf: {  	[smem:$0x3FA6] =	sst s7  }
0x10: {  	[smem:$0x3FA7] =	sst s8  }
0x11: {  	[smem:$0x3FA8] =	sst s9;
	s0 =	simm.s32 @!p0 $0x0  }
0x12: {  	s1 =	sld [smem:$0x3F8E];
	s0 =	simm.s32 @p0 $0x1  }
0x13: {  	[smem:$0x3FA9] =	sst s0;
	s0 =	simm.s32 @!p1 $0x0  }
0x14: {  	s2 =	sld [smem:$0x3F8D];
	s0 =	simm.s32 @p1 $0x1  }
0x15: {  	[smem:$0x3FAA] =	sst s0;
	s0 =	simm.s32 @!p2 $0x0  }
0x16: {  	s3 =	sld [smem:$0x3FDB];
	s0 =	simm.s32 @p2 $0x1  }
0x17: {  	s4 =	simm.s32 $0x1BF5;
	[smem:$0x3FAC] =	sst s0  }
0x18: {  	s0 =	sld [smem:$0x3F8F];
	_ =	swait.ge [sflag:s4], $0x0  }
0x19: {  	s7 =	sld [smem:$0x3F90]  }
0x1a: {  	s8 =	sadd.s32 $0xFFFFE003, lr  }
0x1b: {  	s9 =	sadd.s32 $0xFFFFFEF7, lr;
	s5 =	simm.s32 $0xFFFFFFFF;
	p2 =	slt.u32 s8, $0xFFFFF086  }
0x1c: {  	p1 =	slt.u32 s9, $0xF7A;
	s5 =	simm.s32 @!p2 $0x0  }
0x1d: {  	s5 =	simm.s32 @p1 $0x1;
	p0 =	seq.s32 s7, s2  }
0x1e: {  	s7 =	smul.u32 @!p0 $0xF7A, s2;
	p2 =	seq.s32 @!p0 s5, $0x0  }
0x1f: {  	s9 =	smul.u32 $0xF7A, s1;
	s8 =	simm.s32 @!p0 $0x1BF5;
	p2 =	por !p2, p0  }
0x20: {  	[sflag:s8] =	ssyncset.s32 @!p0 $0xFFFFF086;
	s6 =	sadd.s32 @!p0 s3, s7;
	s7 =	simm.s32 @!p0 $0x108  }
0x21: {  	s3 =	sadd.s32 s3, s9;
	s6 =	sadd.s32 @!p0 $0x88, s6;
	s7 =	simm.s32 @p2 $0x1082  }
0x22: {  	[simem:s7], [sflag:s8] =	dma.local @!p0 [hbm:s6], $0xF7A  }
0x23: {  	s9 =	sor.u32 $0xD0000000, s2;
	s6 =	simm.s32 $0x108;
	_ =	swait.ge @!p0 [sflag:s8], $0x0  }
0x24: {  	s3 =	sadd.s32 $0x88, s3;
	s6 =	simm.s32 @!p1 $0x1082;
	[sflag:s4] =	ssyncset.s32 $0xFFFFF086  }
0x25: {  	[simem:s6], [sflag:s4] =	dma.local [hbm:s3], $0xF7A  }
0x26: {  	[smem:$0x3F90] =	sst s1;
	(tag) =	ssettag s2;
	_ =	strace s9  }
0x27: {  	s1 =	sld [smem:$0x3FA0]  }
0x28: {  	s2 =	sld [smem:$0x3FA1]  }
0x29: {  	s4 =	sld [smem:$0x3FA3]  }
0x2a: {  	p0 =	seq.s32 s5, $0x0;
	s5 =	sld [smem:$0x3FA4]  }
0x2b: {  	s6 =	sld [smem:$0x3FA5]  }
0x2c: {  	s7 =	sld [smem:$0x3FA6]  }
0x2d: {  	s3 =	simm.s32 $0x108;
	s8 =	sld [smem:$0x3FA7]  }
0x2e: {  	s3 =	simm.s32 @!p0 $0x1082;
	s9 =	sld [smem:$0x3FA8]  }
0x2f: {  	lr =	sadd.s32 s0, s3;
	s0 =	sld [smem:$0x3F9F]  }
0x30: {  	s3 =	sld [smem:$0x3FA2]  }
0x31: {  	[smem:$0x3FAB] =	sst s10  }
0x32: {  	s10 =	sld [smem:$0x3FA9];
	_ =	sdelay $0x3  }
0x33: {  	p0 =	seq.s32 s10, $0x1;
	s10 =	sld [smem:$0x3FAB];
	_ =	sdelay $0x3  }
0x34: {  	[smem:$0x3FAB] =	sst s10  }
0x35: {  	s10 =	sld [smem:$0x3FAA];
	_ =	sdelay $0x3  }
0x36: {  	p1 =	seq.s32 s10, $0x1;
	s10 =	sld [smem:$0x3FAB];
	_ =	sdelay $0x3  }
0x37: {  	[smem:$0x3FAB] =	sst s10  }
0x38: {  	s10 =	sld [smem:$0x3FAC]  }
0x39: {  	_ = 	snop;
	(pc) =	sbr.ind lr, $3  }
0x3a: {  	_ = 	snop  }
0x3b: {  	_ = 	snop  }
0x3c: {  	p2 =	seq.s32 s10, $0x1;
	s10 =	sld [smem:$0x3FAB]  }
0x3d: {  	_ =	shalt  }
0x3e: {  	_ =	shalt  }
0x3f: {  	_ =	shalt  }
0x40: {  	_ =	shalt  }
0x41: {  	_ =	shalt  }
0x42: {  	_ =	shalt  }
0x43: {  	_ =	shalt  }
0x44: {  	_ =	shalt  }
0x45: {  	_ =	shalt  }
0x46: {  	_ =	shalt  }
0x47: {  	_ =	shalt  }
0x48: {  	_ =	shalt  }
0x49: {  	_ =	shalt  }
0x4a: {  	_ =	shalt  }
0x4b: {  	_ =	shalt  }
0x4c: {  	_ =	shalt  }
0x4d: {  	_ =	shalt  }
0x4e: {  	_ =	shalt  }
0x4f: {  	_ =	shalt  }
0x50: {  	_ =	shalt  }
0x51: {  	_ =	shalt  }
0x52: {  	_ =	shalt  }
0x53: {  	_ =	shalt  }
0x54: {  	_ =	shalt  }
0x55: {  	_ =	shalt  }
0x56: {  	_ =	shalt  }
0x57: {  	_ =	shalt  }
0x58: {  	_ =	shalt  }
0x59: {  	_ =	shalt  }
0x5a: {  	_ =	shalt  }
0x5b: {  	_ =	shalt  }
0x5c: {  	_ =	shalt  }
0x5d: {  	_ =	shalt  }
0x5e: {  	_ =	shalt  }
0x5f: {  	_ =	shalt  }
0x60: {  	_ =	shalt  }
0x61: {  	_ =	shalt  }
0x62: {  	_ =	shalt  }
0x63: {  	_ =	shalt  }
0x64: {  	_ =	shalt  }
0x65: {  	_ =	shalt  }
0x66: {  	_ =	shalt  }
0x67: {  	_ =	shalt  }
0x68: {  	_ =	shalt  }
0x69: {  	_ =	shalt  }
0x6a: {  	_ =	shalt  }
0x6b: {  	_ =	shalt  }
0x6c: {  	_ =	shalt  }
0x6d: {  	_ =	shalt  }
0x6e: {  	_ =	shalt  }
0x6f: {  	_ =	shalt  }
0x70: {  	_ =	shalt  }
0x71: {  	_ =	shalt  }
0x72: {  	_ =	shalt  }
0x73: {  	_ =	shalt  }
0x74: {  	_ =	shalt  }
0x75: {  	_ =	shalt  }
0x76: {  	_ =	shalt  }
0x77: {  	_ =	shalt  }
0x78: {  	_ =	shalt  }
0x79: {  	_ =	shalt  }
0x7a: {  	_ =	shalt  }
0x7b: {  	_ =	shalt  }
0x7c: {  	_ =	shalt  }
0x7d: {  	_ =	shalt  }
0x7e: {  	_ =	shalt  }
0x7f: {  	_ =	shalt  }
0x80: {  	_ =	shalt  }
0x81: {  	_ =	shalt  }
0x82: {  	_ =	shalt  }
0x83: {  	_ =	shalt  }
0x84: {  	_ =	shalt  }
0x85: {  	_ =	shalt  }
0x86: {  	_ =	shalt  }
0x87: {  	_ =	shalt  }
.Lfunc_end0:
.L_simem_size_0:
called_computation_lowered:
.L_overlay_start_0:
0x88: {  	s2 =	sld [smem:$0x3FD9]  }
0x89: {  	s3 =	sld [smem:$0x3FFE];
	_ =	sdelay $0x1  }
0x8a: {  	s1 =	srdreg.scid  }
0x8b: {  	s0 =	sand.u32 $0x1, s1  }
0x8c: {  	s16 =	sshll.u32 s0, $0xA;
	s2 =	sadd.s32 s3, s2  }
0x8d: {  	s2 =	sadd.s32 s2, s16  }
0x8e: {  	[smem:$0x3FB7] =	sst s2  }
0x8f: {  	_ = 	snop  }
0x90: {  	(tm) =	ssettm $0x1  }
0x91: {  	s17 =	sld [smem:$0x3FFB];
	_ =	sdelay $0x3  }
0x92: {  	_ =	strace s17  }
0x93: {  	s2 =	sld [smem:$0x3FFC];
	_ =	sdelay $0x3  }
0x94: {  	_ =	strace s2  }
0x95: {  	s2 =	sld [smem:$0x3FFD];
	_ =	sdelay $0x3  }
0x96: {  	_ =	strace s2  }
0x97: {  	_ =	strace $0x8FFFFFFF  }
0x98: {  	s18 =	sld [smem:$0x3FDB];
	_ =	sdelay $0x1  }
0x99: {  	s19 =	simm.s32 $_scs_section_size  }
0x9a: {  	s4 =	simm.s32 $_size__tile_overlayer_lowered;
	s5 =	simm.s32 $_tile_overlayer_lowered  }
0x9b: {  	s22 =	simm.s32 $0x1BFF;
	s21 =	sshll.u32 s5, $0x1;
	s2 =	sadd.s32 s19, s18  }
0x9c: {  	s6 =	simm.s32 $0x0;
	s20 =	sshll.u32 s4, $0x1;
	s4 =	sadd.s32 s21, s2  }
0x9d: {  	[timem:s6], [sflag:s22] =	dma.local [hbm:s4], s20  }
0x9e: {  	_ =	swait.ge [sflag:s22], s20  }
0x9f: {  	s3 =	ssub.s32 $0x0, s20;
	[sflag:s22] =	ssyncset.done $0x0  }
0xa0: {  	[sflag:s22] =	ssyncadd.s32 s3;
	_ =	sdelay $0x1  }
0xa1: {  	s23 =	simm.s32 $0x1B8B  }
0xa2: {  	_ =	swait.ge [sflag:s23], $0x1  }
0xa3: {  	[sflag:s23] =	ssyncset.done $0x0  }
0xa4: {  	s25 =	simm.s32 $0x1B8E;
	s24 =	sld [smem:$0x3FFE];
	[sflag:s23] =	ssyncadd.s32 $0xFFFFFFFF  }
0xa5: {  	s26 =	simm.s32 $execute0_lowered;
	[smem:$0x3FD2] =	sst s25  }
0xa6: {  	s4 =	sshll.u32 s26, $0x1;
	_ =	strace $0x80000046;
	[dreg:$0x1] =	wrdreg $0xFFFFFFFF  }
0xa7: {  	s28 =	simm.s32 $_size_execute0_lowered;
	s2 =	sadd.s32 s2, s4;
	[dreg:$0x0] =	wrdreg $0x0  }
0xa8: {  	s4 =	sshll.u32 s28, $0x1;
	[dreg:$0x2] =	wrdreg s2  }
0xa9: {  	[dreg:$0x3] =	wrdreg s4  }
0xaa: {  	[dreg:$0x4] =	wrdreg $0xC0  }
0xab: {  	_ =	task [dreg:s6], $0x5FFFF  }
0xac: {  	[dreg:$0x1] =	wrdreg $0xFFFFFFFF  }
0xad: {  	[dreg:$0x0] =	wrdreg $0x60  }
0xae: {  	[dreg:$0x2] =	wrdreg s24  }
0xaf: {  	[dreg:$0x3] =	wrdreg $0x29000  }
0xb0: {  	[dreg:$0x4] =	wrdreg $0x9  }
0xb1: {  	_ =	task.clear_ibuf [dreg:s6], $0x5FFFF;
	_ =	strace $0x90000046  }
0xb2: {  	s29 =	simm.s32 $0x9;
	_ =	strace $0x80000048  }
0xb3: {  	_ =	swait.ge [sflag:s29], $0x1  }
0xb4: {  	[sflag:s29] =	ssyncadd.s32 $0xFFFFFFFF  }
0xb5: {  	_ =	strace $0x90000048  }
0xb6: {  	_ =	sfence  }
0xb7: {  	s30 =	sld [smem:$0x0];
	_ =	sdelay $0x2  }
0xb8: {  	s31 =	sshll.u32 s1, $0xD;
	s1 =	sshrl.u32 s1, $0x2  }
0xb9: {  	s3 =	sand.u32 $0x4000, s31;
	s1 =	sadd.s32 s1, s30  }
0xba: {  	s0 =	sor.u32 s3, s0;
	s1 =	sshll.u32 s1, $0x11  }
0xbb: {  	s0 =	sor.u32 s1, s0  }
0xbc: {  	s0 =	sadd.s32 $0x8F2B, s0  }
0xbd: {  	[sflag:s0] =	ssyncadd.remote.s32 $0x1  }
0xbe: {  	_ =	sfence.sel $0xFFFF  }
0xbf: {  	[dreg:$0x0] =	wrdreg $0xFFFFFFFF;
	(pc) =	sbr.abs _section_cstart, $3  }
0xc0: {  	[dreg:$0x1] =	wrdreg $0xFFFFFFFF  }
0xc1: {  	_ =	task.clear_ibuf [dreg:s6], $0x2FFFF;
	_ =	strace $0x9FFFFFFF  }
0xc2: {  	(tm) =	ssettm $0x7FFFFFFF  }
0xc3: {  	_ =	shalt  }
tec
execute0_lowered:
.L_overlay_start_1:
0x0: {  	(tag) =	ssettag $0x1  }
0x1: {  	s7 =	rddreg [dreg:$0x0]  }
0x2: {  	s1 =	rddreg [dreg:$0x1]  }
0x3: {  	s0 =	rddreg [dreg:$0x2];
	s2 =	srdreg.scid  }
0x4: {  	s3 =	simm.s32 $0x0;
	s16 =	simm.s32 $0x100;
	s8 =	sand.u32 $0x1, s2  }
0x5: {  	s19 =	simm.s32 $0x50;
	s2 =	stileid.u32;
	s9 =	smul.u32 $0x140000, s8  }
0x6: {  	s20 =	simm.s32 $0x1;
	s21 =	simm.s32 $0x2;
	s10 =	smul.u32 $0x14000, s2  }
0x7: {  	s22 =	simm.s32 $0x0;
	[smem:$0x7FF] =	sst s3;
	s28 =	smul.u32 $0x50000, s2  }
0x8: {  	s5 =	sadd.s32 $0xE400, s7;
	s4 =	sshll.u32 s8, $0x4;
	s13 =	smul.u32 $0x27100, s8  }
0x9: {  	_ =	strace $0x80000047;
	s12 =	ssub.s32 $0x2, s8;
	s14 =	smul.u32 $0x2710, s2  }
0xa: {  	s17 =	sshll.u32 s2, $0x6;
	s6 =	sor.u32 s2, s4;
	s4 =	sadd.s32 $0x4600, s7  }
0xb: {  	s29 =	sshrl.u32 s12, $0x1;
	s17 =	sor.u32 $0x1C03, s17;
	s11 =	smul.u32 $0x2710, s6  }
0xc: {  	s6 =	sadd.s32 $0x10C00, s7;
	s9 =	sadd.s32 s10, s9;
	s12 =	ssub.s32 s12, s29  }
0xd: {  	s30 =	sshrl.u32 s28, $0x2;
	s13 =	sadd.s32 s14, s13;
	s9 =	sshrl.u32 s9, $0x3  }
0xe: {  	s18 =	sadd.s32 s30, s1;
	s14 =	sadd.s32 $0xF0, s13;
	s13 =	sadd.s32 $0xA0, s13  }
0xf: {  	s11 =	sshrl.u32 s11, $0x3;
	s15 =	sadd.s32 s9, s7;
	s31 =	sshrl.u32 s14, $0x3  }
0x10: {  	s14 =	simm.s32 $0x3;
	s18 =	sshrl.u32 s18, $0x3;
	s7 =	sadd.s32 s4, s11  }
0x11: {  	s10 =	sadd.s32 $0x11200, s15;
	s11 =	smax.u32 s12, $0x1;
	s12 =	sadd.s32 s31, s4  }
0x12: {  	s15 =	simm.s32 $0x80;
	s8 =	sadd.s32 $0xA, s7;
	s9 =	sadd.s32 $0x4D8, s7  }
.LBB2_1:
0x13: {  	[tilespmem:s3], [sflag:$0x3] =	stream.linear.gather [hbm4b:s7+s3], $0x50, $0x38;
	[tilespmem:$0x16900] =	vst v63  }
0x14: {  	_ =	swait.ge [sflag:s14], $0x50  }
0x15: {  	[sflag:s14] =	ssyncset.done $0x0  }
0x16: {  	[sflag:s14] =	ssyncadd.s32 $0xFFFFFFB0  }
0x17: {  	[tilespmem:s15], [sflag:$0x3] =	stream.linear.gather [hbm4b:s8+s3], $0x50, $0x38;
	[tilespmem:$0x16900] =	vst v63  }
0x18: {  	_ =	swait.ge [sflag:s14], $0x50  }
0x19: {  	[sflag:s14] =	ssyncset.done $0x0  }
0x1a: {  	[sflag:s14] =	ssyncadd.s32 $0xFFFFFFB0  }
0x1b: {  	[tilespmem:s16], [sflag:$0x3] =	stream.linear.gather [hbm4b:s6+s3], $0x2800, $0x38;
	[tilespmem:$0x16900] =	vst v63  }
0x1c: {  	_ =	swait.ge [sflag:s14], $0x2800  }
0x1d: {  	[sflag:s14] =	ssyncset.done $0x0  }
0x1e: {  	[sflag:s14] =	ssyncadd.s32 $0xFFFFD800  }
0x1f: {  	[spmem:s18], [sflag:s17] =	dma.local [hbm:s5], $0x2800  }
0x20: {  	_ =	swait.ge [sflag:s14], $0x2800  }
0x21: {  	[sflag:s14] =	ssyncset.done $0x0  }
0x22: {  	[sflag:s14] =	ssyncadd.s32 $0xFFFFD800  }
0x23: {  	[bflag:$0x0] =	sbarrier.arrive $0xFFFF  }
0x24: {  	[spmem:s1] =	stream.indirect.scatter.add.f32 [tilespmem:s16], [sflag:$0x1], $0x80, s3, s19, $0xb8;
	[tilespmem:$0x16900] =	vst v63  }
0x25: {  	_ = 	snop  }
0x26: {  	[spmem:s1] =	stream.indirect.scatter.add.f32 [tilespmem:s16], [sflag:$0x2], $0x80, s15, s19, $0xb8;
	[tilespmem:$0x16900] =	vst v63  }
0x27: {  	_ =	swait.ge [sflag:s20], $0x2800  }
0x28: {  	s23 =	sshrl.u32 s13, $0x3;
	[sflag:s20] =	ssyncset.done $0x0  }
0x29: {  	s23 =	sadd.s32 s4, s23;
	[sflag:s20] =	ssyncadd.s32 $0xFFFFD800  }
0x2a: {  	[tilespmem:s3], [sflag:$0x3] =	stream.linear.gather [hbm4b:s23+s3], $0x50, $0x38;
	[tilespmem:$0x16900] =	vst v63  }
0x2b: {  	_ =	swait.ge [sflag:s14], $0x50  }
0x2c: {  	[sflag:s14] =	ssyncset.done $0x0  }
0x2d: {  	[sflag:s14] =	ssyncadd.s32 $0xFFFFFFB0  }
0x2e: {  	[spmem:s1] =	stream.indirect.scatter.add.f32 [tilespmem:s16], [sflag:$0x1], $0x80, s3, s19, $0xb8;
	[tilespmem:$0x16900] =	vst v63  }
0x2f: {  	_ =	swait.ge [sflag:s21], $0x2800  }
0x30: {  	[sflag:s21] =	ssyncset.done $0x0  }
0x31: {  	s31 =	sadd.s32 $0x0, s12;
	[sflag:s21] =	ssyncadd.s32 $0xFFFFD800  }
0x32: {  	[tilespmem:s15], [sflag:$0x3] =	stream.linear.gather [hbm4b:s31+s3], $0x50, $0x38;
	[tilespmem:$0x16900] =	vst v63  }
0x33: {  	_ =	swait.ge [sflag:s14], $0x50  }
0x34: {  	[sflag:s14] =	ssyncset.done $0x0  }
0x35: {  	s24 =	sadd.s32 $0xA0, s13;
	s23 =	simm.s32 $0x14;
	[sflag:s14] =	ssyncadd.s32 $0xFFFFFFB0  }
.LBB2_2:
0x36: {  	[spmem:s1] =	stream.indirect.scatter.add.f32 [tilespmem:s16], [sflag:$0x2], $0x80, s15, s19, $0xb8;
	[tilespmem:$0x16900] =	vst v63  }
0x37: {  	s25 =	smov.u32 s23  }
0x38: {  	p0 =	sne.s32 s23, $0x4B0;
	s23 =	sadd.s32 $0x14, s23;
	_ =	swait.ge [sflag:s20], $0x2800  }
0x39: {  	s26 =	sshrl.u32 s24, $0x3;
	[sflag:s20] =	ssyncset.done $0x0  }
0x3a: {  	s26 =	sadd.s32 s4, s26;
	[sflag:s20] =	ssyncadd.s32 $0xFFFFD800  }
0x3b: {  	[tilespmem:s3], [sflag:$0x3] =	stream.linear.gather [hbm4b:s26+s3], $0x50, $0x38;
	[tilespmem:$0x16900] =	vst v63  }
0x3c: {  	_ =	swait.ge [sflag:s14], $0x50  }
0x3d: {  	[sflag:s14] =	ssyncset.done $0x0  }
0x3e: {  	[sflag:s14] =	ssyncadd.s32 $0xFFFFFFB0  }
0x3f: {  	[spmem:s1] =	stream.indirect.scatter.add.f32 [tilespmem:s16], [sflag:$0x1], $0x80, s3, s19, $0xb8;
	[tilespmem:$0x16900] =	vst v63  }
0x40: {  	_ =	swait.ge [sflag:s21], $0x2800  }
0x41: {  	[sflag:s21] =	ssyncset.done $0x0  }
.Ltmp0:
0x42: {  	s25 =	sadd.s32 s25, s12;
	[sflag:s21] =	ssyncadd.s32 $0xFFFFD800;
	(pc) =	sbr.rel @p0 .LBB2_2-.Ltmp0, $4  }
0x43: {  	[tilespmem:s15], [sflag:$0x3] =	stream.linear.gather [hbm4b:s25+s3], $0x50, $0x38;
	[tilespmem:$0x16900] =	vst v63  }
0x44: {  	_ =	swait.ge [sflag:s14], $0x50  }
0x45: {  	[sflag:s14] =	ssyncset.done $0x0  }
0x46: {  	s24 =	sadd.s32 $0xA0, s24;
	[sflag:s14] =	ssyncadd.s32 $0xFFFFFFB0  }
0x47: {  	[spmem:s1] =	stream.indirect.scatter.add.f32 [tilespmem:s16], [sflag:$0x2], $0x80, s15, s19, $0xb8;
	[tilespmem:$0x16900] =	vst v63  }
0x48: {  	_ =	swait.ge [sflag:s20], $0x2800  }
0x49: {  	[sflag:s20] =	ssyncset.done $0x0  }
0x4a: {  	[sflag:s20] =	ssyncadd.s32 $0xFFFFD800  }
0x4b: {  	[tilespmem:s3], [sflag:$0x3] =	stream.linear.gather [hbm4b:s9+s3], $0x50, $0x38;
	[tilespmem:$0x16900] =	vst v63  }
0x4c: {  	_ =	swait.ge [sflag:s14], $0x50  }
0x4d: {  	[sflag:s14] =	ssyncset.done $0x0  }
0x4e: {  	[sflag:s14] =	ssyncadd.s32 $0xFFFFFFB0  }
0x4f: {  	[spmem:s1] =	stream.indirect.scatter.add.f32 [tilespmem:s16], [sflag:$0x1], $0x80, s3, s19, $0xb8;
	[tilespmem:$0x16900] =	vst v63  }
0x50: {  	_ =	swait.ge [sflag:s20], $0x2800  }
0x51: {  	[sflag:s20] =	ssyncset.done $0x0  }
0x52: {  	[sflag:s20] =	ssyncadd.s32 $0xFFFFD800  }
0x53: {  	_ =	swait.ge [sflag:s21], $0x2800  }
0x54: {  	s22 =	sadd.s32 $0x1, s22;
	[sflag:s21] =	ssyncset.done $0x0  }
0x55: {  	p0 =	sne.s32 s22, s11;
	[sflag:s21] =	ssyncadd.s32 $0xFFFFD800  }
.Ltmp1:
0x56: {  	[bflag:$0x0] =	sbarrier.arrive $0xFFFF;
	(pc) =	sbr.rel @p0 .LBB2_1-.Ltmp1, $4  }
0x57: {  	[hbm:s10], [sflag:s17] =	dma.local [spmem:s18], $0x2800  }
0x58: {  	_ =	swait.ge [sflag:s14], $0x2800  }
0x59: {  	[sflag:s14] =	ssyncset.done $0x0  }
0x5a: {  	[sflag:s14] =	ssyncadd.s32 $0xFFFFD800  }
0x5b: {  	_ =	sfence.sel $0x180000  }
0x5c: {  	[bflag:$0x0] =	sbarrier.arrive $0xFFFF  }
0x5d: {  	p0 =	sne.s32 s2, $0x0;
	_ =	strace $0x90000047  }
0x5e: {  	s0 =	sadd.s32 @!p0 $0x100000, s0;
	[bflag:$0x2] =	sbarrier.arrive $0xFFFF  }
0x5f: {  	[sflag:s0] =	ssyncadd.tile.s32 @!p0 $0x1;
	_ =	shalt  }
.Lfunc_end2:
_tile_overlayer_lowered:
.L_overlay_start_2:
0x60: {  	(tag) =	ssettag $0x2  }
0x61: {  	s0 =	rddreg [dreg:$0x0];
	s2 =	stileid.u32  }
0x62: {  	s1 =	rddreg [dreg:$0x1];
	p0 =	sne.s32 s2, $0x0  }
0x63: {  	s3 =	rddreg [dreg:$0x2];
	[bflag:$0x3] =	sbarrier.arrive $0xFFFF;
	s2 =	simm.s32 @!p0 $0x1C03  }
0x64: {  	[timem:s3], [sflag:s2] =	dma.local @!p0 [hbm:s0], s1  }
0x65: {  	s0 =	simm.s32 @!p0 $0x3  }
0x66: {  	_ =	swait.ge @!p0 [sflag:s0], s1  }
0x67: {  	s1 =	ssub.s32 @!p0 $0x0, s1;
	[sflag:s0] =	ssyncset.done @!p0 $0x0  }
0x68: {  	[sflag:s0] =	ssyncadd.s32 @!p0 s1  }
0x69: {  	[bflag:$0x3] =	sbarrier.arrive $0xFFFF  }
0x6a: {  	_ =	shalt  }

// kernel: kernel.14.cloned.1.call-start
scs
__scs_entry_jumppad:
0x0: {  	(pc) =	sbr.rel $0x88, $3  }
0x1: {  	(tag) =	ssettag $0x0;
	lr =	simm.s32 $0x1  }
0x2: {  	[smem:$0x3F90] =	sst lr;
	_ =	strace $0xD0000000  }
0x3: {  	_ = 	snop  }
0x4: {  	_ = 	snop  }
0x5: {  	_ = 	snop  }
0x6: {  	_ = 	snop  }
0x7: {  	_ = 	snop  }
__scs_overlays_trampoline_lowered:
0x8: {  	[smem:$0x3F9F] =	sst s0  }
0x9: {  	[smem:$0x3FA0] =	sst s1  }
0xa: {  	[smem:$0x3FA1] =	sst s2  }
0xb: {  	[smem:$0x3FA2] =	sst s3  }
0xc: {  	[smem:$0x3FA3] =	sst s4  }
0xd: {  	[smem:$0x3FA4] =	sst s5  }
0xe: {  	[smem:$0x3FA5] =	sst s6  }
0xf: {  	[smem:$0x3FA6] =	sst s7  }
0x10: {  	[smem:$0x3FA7] =	sst s8  }
0x11: {  	[smem:$0x3FA8] =	sst s9;
	s0 =	simm.s32 @!p0 $0x0  }
0x12: {  	s1 =	sld [smem:$0x3F8E];
	s0 =	simm.s32 @p0 $0x1  }
0x13: {  	[smem:$0x3FA9] =	sst s0;
	s0 =	simm.s32 @!p1 $0x0  }
0x14: {  	s2 =	sld [smem:$0x3F8D];
	s0 =	simm.s32 @p1 $0x1  }
0x15: {  	[smem:$0x3FAA] =	sst s0;
	s0 =	simm.s32 @!p2 $0x0  }
0x16: {  	s3 =	sld [smem:$0x3FDB];
	s0 =	simm.s32 @p2 $0x1  }
0x17: {  	s4 =	simm.s32 $0x1BF5;
	[smem:$0x3FAC] =	sst s0  }
0x18: {  	s0 =	sld [smem:$0x3F8F];
	_ =	swait.ge [sflag:s4], $0x0  }
0x19: {  	s7 =	sld [smem:$0x3F90]  }
0x1a: {  	s8 =	sadd.s32 $0xFFFFE003, lr  }
0x1b: {  	s9 =	sadd.s32 $0xFFFFFEF7, lr;
	s5 =	simm.s32 $0xFFFFFFFF;
	p2 =	slt.u32 s8, $0xFFFFF086  }
0x1c: {  	p1 =	slt.u32 s9, $0xF7A;
	s5 =	simm.s32 @!p2 $0x0  }
0x1d: {  	s5 =	simm.s32 @p1 $0x1;
	p0 =	seq.s32 s7, s2  }
0x1e: {  	s7 =	smul.u32 @!p0 $0xF7A, s2;
	p2 =	seq.s32 @!p0 s5, $0x0  }
0x1f: {  	s9 =	smul.u32 $0xF7A, s1;
	s8 =	simm.s32 @!p0 $0x1BF5;
	p2 =	por !p2, p0  }
0x20: {  	[sflag:s8] =	ssyncset.s32 @!p0 $0xFFFFF086;
	s6 =	sadd.s32 @!p0 s3, s7;
	s7 =	simm.s32 @!p0 $0x108  }
0x21: {  	s3 =	sadd.s32 s3, s9;
	s6 =	sadd.s32 @!p0 $0x88, s6;
	s7 =	simm.s32 @p2 $0x1082  }
0x22: {  	[simem:s7], [sflag:s8] =	dma.local @!p0 [hbm:s6], $0xF7A  }
0x23: {  	s9 =	sor.u32 $0xD0000000, s2;
	s6 =	simm.s32 $0x108;
	_ =	swait.ge @!p0 [sflag:s8], $0x0  }
0x24: {  	s3 =	sadd.s32 $0x88, s3;
	s6 =	simm.s32 @!p1 $0x1082;
	[sflag:s4] =	ssyncset.s32 $0xFFFFF086  }
0x25: {  	[simem:s6], [sflag:s4] =	dma.local [hbm:s3], $0xF7A  }
0x26: {  	[smem:$0x3F90] =	sst s1;
	(tag) =	ssettag s2;
	_ =	strace s9  }
0x27: {  	s1 =	sld [smem:$0x3FA0]  }
0x28: {  	s2 =	sld [smem:$0x3FA1]  }
0x29: {  	s4 =	sld [smem:$0x3FA3]  }
0x2a: {  	p0 =	seq.s32 s5, $0x0;
	s5 =	sld [smem:$0x3FA4]  }
0x2b: {  	s6 =	sld [smem:$0x3FA5]  }
0x2c: {  	s7 =	sld [smem:$0x3FA6]  }
0x2d: {  	s3 =	simm.s32 $0x108;
	s8 =	sld [smem:$0x3FA7]  }
0x2e: {  	s3 =	simm.s32 @!p0 $0x1082;
	s9 =	sld [smem:$0x3FA8]  }
0x2f: {  	lr =	sadd.s32 s0, s3;
	s0 =	sld [smem:$0x3F9F]  }
0x30: {  	s3 =	sld [smem:$0x3FA2]  }
0x31: {  	[smem:$0x3FAB] =	sst s10  }
0x32: {  	s10 =	sld [smem:$0x3FA9];
	_ =	sdelay $0x3  }
0x33: {  	p0 =	seq.s32 s10, $0x1;
	s10 =	sld [smem:$0x3FAB];
	_ =	sdelay $0x3  }
0x34: {  	[smem:$0x3FAB] =	sst s10  }
0x35: {  	s10 =	sld [smem:$0x3FAA];
	_ =	sdelay $0x3  }
0x36: {  	p1 =	seq.s32 s10, $0x1;
	s10 =	sld [smem:$0x3FAB];
	_ =	sdelay $0x3  }
0x37: {  	[smem:$0x3FAB] =	sst s10  }
0x38: {  	s10 =	sld [smem:$0x3FAC]  }
0x39: {  	_ = 	snop;
	(pc) =	sbr.ind lr, $3  }
0x3a: {  	_ = 	snop  }
0x3b: {  	_ = 	snop  }
0x3c: {  	p2 =	seq.s32 s10, $0x1;
	s10 =	sld [smem:$0x3FAB]  }
0x3d: {  	_ =	shalt  }
0x3e: {  	_ =	shalt  }
0x3f: {  	_ =	shalt  }
0x40: {  	_ =	shalt  }
0x41: {  	_ =	shalt  }
0x42: {  	_ =	shalt  }
0x43: {  	_ =	shalt  }
0x44: {  	_ =	shalt  }
0x45: {  	_ =	shalt  }
0x46: {  	_ =	shalt  }
0x47: {  	_ =	shalt  }
0x48: {  	_ =	shalt  }
0x49: {  	_ =	shalt  }
0x4a: {  	_ =	shalt  }
0x4b: {  	_ =	shalt  }
0x4c: {  	_ =	shalt  }
0x4d: {  	_ =	shalt  }
0x4e: {  	_ =	shalt  }
0x4f: {  	_ =	shalt  }
0x50: {  	_ =	shalt  }
0x51: {  	_ =	shalt  }
0x52: {  	_ =	shalt  }
0x53: {  	_ =	shalt  }
0x54: {  	_ =	shalt  }
0x55: {  	_ =	shalt  }
0x56: {  	_ =	shalt  }
0x57: {  	_ =	shalt  }
0x58: {  	_ =	shalt  }
0x59: {  	_ =	shalt  }
0x5a: {  	_ =	shalt  }
0x5b: {  	_ =	shalt  }
0x5c: {  	_ =	shalt  }
0x5d: {  	_ =	shalt  }
0x5e: {  	_ =	shalt  }
0x5f: {  	_ =	shalt  }
0x60: {  	_ =	shalt  }
0x61: {  	_ =	shalt  }
0x62: {  	_ =	shalt  }
0x63: {  	_ =	shalt  }
0x64: {  	_ =	shalt  }
0x65: {  	_ =	shalt  }
0x66: {  	_ =	shalt  }
0x67: {  	_ =	shalt  }
0x68: {  	_ =	shalt  }
0x69: {  	_ =	shalt  }
0x6a: {  	_ =	shalt  }
0x6b: {  	_ =	shalt  }
0x6c: {  	_ =	shalt  }
0x6d: {  	_ =	shalt  }
0x6e: {  	_ =	shalt  }
0x6f: {  	_ =	shalt  }
0x70: {  	_ =	shalt  }
0x71: {  	_ =	shalt  }
0x72: {  	_ =	shalt  }
0x73: {  	_ =	shalt  }
0x74: {  	_ =	shalt  }
0x75: {  	_ =	shalt  }
0x76: {  	_ =	shalt  }
0x77: {  	_ =	shalt  }
0x78: {  	_ =	shalt  }
0x79: {  	_ =	shalt  }
0x7a: {  	_ =	shalt  }
0x7b: {  	_ =	shalt  }
0x7c: {  	_ =	shalt  }
0x7d: {  	_ =	shalt  }
0x7e: {  	_ =	shalt  }
0x7f: {  	_ =	shalt  }
0x80: {  	_ =	shalt  }
0x81: {  	_ =	shalt  }
0x82: {  	_ =	shalt  }
0x83: {  	_ =	shalt  }
0x84: {  	_ =	shalt  }
0x85: {  	_ =	shalt  }
0x86: {  	_ =	shalt  }
0x87: {  	_ =	shalt  }
.Lfunc_end0:
.L_simem_size_0:
called_computation.1_lowered:
.L_overlay_start_0:
0x88: {  	s2 =	sld [smem:$0x3FD9]  }
0x89: {  	s3 =	sld [smem:$0x3FFE];
	_ =	sdelay $0x1  }
0x8a: {  	s1 =	srdreg.scid  }
0x8b: {  	s0 =	sand.u32 $0x1, s1  }
0x8c: {  	s17 =	sshll.u32 s0, $0xA;
	s2 =	sadd.s32 s3, s2  }
0x8d: {  	s2 =	sadd.s32 s2, s17  }
0x8e: {  	[smem:$0x3FB7] =	sst s2  }
0x8f: {  	_ = 	snop  }
0x90: {  	s2 =	sld [smem:$0x3FD0];
	(tm) =	ssettm $0x1  }
0x91: {  	s18 =	sld [smem:$0x3FFB];
	_ =	sdelay $0x3  }
0x92: {  	_ =	strace s18  }
0x93: {  	s3 =	sld [smem:$0x3FFC];
	_ =	sdelay $0x3  }
0x94: {  	_ =	strace s3  }
0x95: {  	s3 =	sld [smem:$0x3FFD];
	_ =	sdelay $0x3  }
0x96: {  	_ =	strace s3  }
0x97: {  	_ =	strace $0x8FFFFFFF  }
0x98: {  	s19 =	sld [smem:$0x3FDB];
	_ =	sdelay $0x1  }
0x99: {  	s4 =	simm.s32 $_scs_section_size  }
0x9a: {  	s5 =	simm.s32 $_size__tile_overlayer_lowered;
	s6 =	simm.s32 $_tile_overlayer_lowered  }
0x9b: {  	s22 =	simm.s32 $0x1BFF;
	s21 =	sshll.u32 s6, $0x1;
	s3 =	sadd.s32 s4, s19  }
0x9c: {  	s7 =	simm.s32 $0x0;
	s20 =	sshll.u32 s5, $0x1;
	s5 =	sadd.s32 s21, s3  }
0x9d: {  	[timem:s7], [sflag:s22] =	dma.local [hbm:s5], s20  }
0x9e: {  	_ =	swait.ge [sflag:s22], s20  }
0x9f: {  	s4 =	ssub.s32 $0x0, s20;
	[sflag:s22] =	ssyncset.done $0x0  }
0xa0: {  	[sflag:s22] =	ssyncadd.s32 s4;
	_ =	sdelay $0x1  }
0xa1: {  	s23 =	simm.s32 $0x1B8B  }
0xa2: {  	_ =	swait.ge [sflag:s23], $0x1  }
0xa3: {  	[sflag:s23] =	ssyncset.done $0x0  }
0xa4: {  	s25 =	simm.s32 $0x1B8E;
	s24 =	sld [smem:$0x3FFE];
	[sflag:s23] =	ssyncadd.s32 $0xFFFFFFFF  }
0xa5: {  	s26 =	simm.s32 $execute0_lowered;
	[smem:$0x3FD2] =	sst s25  }
0xa6: {  	s5 =	sshll.u32 s26, $0x1;
	_ =	strace $0x80000049;
	[dreg:$0x1] =	wrdreg $0xFFFFFFFF  }
0xa7: {  	s28 =	simm.s32 $_size_execute0_lowered;
	s3 =	sadd.s32 s3, s5;
	[dreg:$0x0] =	wrdreg $0x0  }
0xa8: {  	s5 =	sshll.u32 s28, $0x1;
	[dreg:$0x2] =	wrdreg s3  }
0xa9: {  	[dreg:$0x3] =	wrdreg s5  }
0xaa: {  	[dreg:$0x4] =	wrdreg $0xC0  }
0xab: {  	_ =	task [dreg:s7], $0x5FFFF  }
0xac: {  	[dreg:$0x1] =	wrdreg $0xFFFFFFFF  }
0xad: {  	[dreg:$0x0] =	wrdreg $0x60  }
0xae: {  	[dreg:$0x2] =	wrdreg s24  }
0xaf: {  	[dreg:$0x3] =	wrdreg s2  }
0xb0: {  	[dreg:$0x4] =	wrdreg $0xA4000  }
0xb1: {  	[dreg:$0x5] =	wrdreg $0x9  }
0xb2: {  	_ =	task.clear_ibuf [dreg:s7], $0x6FFFF;
	_ =	strace $0x90000049  }
0xb3: {  	s29 =	simm.s32 $0x9;
	_ =	strace $0x8000004B  }
0xb4: {  	_ =	swait.ge [sflag:s29], $0x1  }
0xb5: {  	[sflag:s29] =	ssyncadd.s32 $0xFFFFFFFF  }
0xb6: {  	_ =	strace $0x9000004B  }
0xb7: {  	_ =	sfence  }
0xb8: {  	s30 =	sld [smem:$0x0];
	_ =	sdelay $0x2  }
0xb9: {  	s31 =	sshll.u32 s1, $0xD;
	s1 =	sshrl.u32 s1, $0x2  }
0xba: {  	s3 =	sand.u32 $0x4000, s31;
	s1 =	sadd.s32 s1, s30  }
0xbb: {  	s0 =	sor.u32 s3, s0;
	s1 =	sshll.u32 s1, $0x11  }
0xbc: {  	s0 =	sor.u32 s1, s0  }
0xbd: {  	s0 =	sadd.s32 $0x8F2B, s0  }
0xbe: {  	[sflag:s0] =	ssyncadd.remote.s32 $0x1  }
0xbf: {  	_ =	sfence.sel $0xFFFF  }
0xc0: {  	[dreg:$0x0] =	wrdreg $0xFFFFFFFF;
	(pc) =	sbr.abs _section_cstart, $3  }
0xc1: {  	[dreg:$0x1] =	wrdreg $0xFFFFFFFF  }
0xc2: {  	_ =	task.clear_ibuf [dreg:s7], $0x2FFFF;
	_ =	strace $0x9FFFFFFF  }
0xc3: {  	(tm) =	ssettm $0x7FFFFFFF  }
tec
execute0_lowered:
.L_overlay_start_1:
0x0: {  	(tag) =	ssettag $0x1  }
0x1: {  	s0 =	rddreg [dreg:$0x0]  }
0x2: {  	s19 =	rddreg [dreg:$0x1]  }
0x3: {  	s2 =	rddreg [dreg:$0x2];
	s3 =	srdreg.scid  }
0x4: {  	s4 =	simm.s32 $0x0;
	s1 =	stileid.u32;
	s28 =	simm.s32 $0xA  }
0x5: {  	s29 =	simm.s32 $0x2C00;
	s30 =	simm.s32 $0x2;
	s7 =	smul.u32 $0x14000, s1  }
0x6: {  	s31 =	simm.s32 $0x180;
	s3 =	sand.u32 $0x1, s3;
	s22 =	smul.u32 $0x2710, s1  }
0x7: {  	[smem:$0x7FF] =	sst s4;
	s5 =	sadd.s32 $0x10C00, s0;
	s23 =	smul.u32 $0x50000, s1  }
0x8: {  	s9 =	sadd.s32 $0xE400, s0;
	s25 =	sshll.u32 s1, $0x6;
	s6 =	smul.u32 $0x140000, s3  }
0x9: {  	_ =	strace $0x8000004A;
	s8 =	sshll.u32 s3, $0x4;
	[dreg:$0xa] =	wrdreg s9  }
0xa: {  	s18 =	ssub.s32 $0x2, s3;
	s3 =	smul.u32 $0x27100, s3;
	s13 =	sor.u32 $0x1C0D, s25  }
0xb: {  	s9 =	simm.s32 $0x5;
	s8 =	sor.u32 s1, s8;
	s20 =	sshrl.u32 s18, $0x1  }
0xc: {  	s24 =	sshrl.u32 s23, $0x2;
	[dreg:$0x10] =	wrdreg s13;
	s7 =	sadd.s32 s7, s6  }
0xd: {  	s6 =	sadd.s32 $0x4600, s0;
	s8 =	smul.u32 $0x2710, s8;
	s3 =	sadd.s32 s22, s3  }
0xe: {  	s7 =	sshrl.u32 s7, $0x3;
	s26 =	sadd.s32 $0x190, s3;
	s15 =	sadd.s32 $0xF0, s3  }
0xf: {  	s25 =	sadd.s32 $0x140, s3;
	s0 =	sadd.s32 s7, s0;
	s8 =	sshrl.u32 s8, $0x3  }
0x10: {  	s7 =	ssub.s32 s18, s20;
	s12 =	sshrl.u32 s26, $0x3;
	s17 =	sshrl.u32 s15, $0x3  }
0x11: {  	s20 =	sadd.s32 $0xA0, s3;
	[dreg:$0x13] =	wrdreg s25;
	s25 =	simm.s32 $0x100  }
0x12: {  	s3 =	simm.s32 $0xB;
	s15 =	simm.s32 $0x0;
	s21 =	sadd.s32 s19, s8  }
0x13: {  	s10 =	sadd.s32 s6, s8;
	s8 =	sadd.s32 $0xA, s8;
	[dreg:$0xb] =	wrdreg s21  }
0x14: {  	s0 =	sadd.s32 $0x37E00, s0;
	s14 =	sadd.s32 s12, s6;
	[dreg:$0xc] =	wrdreg s10  }
0x15: {  	s16 =	sadd.s32 s12, s19;
	s18 =	sadd.s32 s17, s6;
	[dreg:$0x11] =	wrdreg s0  }
0x16: {  	s22 =	sshrl.u32 s20, $0x3;
	s23 =	smax.u32 s7, $0x1;
	[dreg:$0x4] =	wrdreg s14  }
0x17: {  	s7 =	simm.s32 $0x5400;
	s12 =	simm.s32 $0x4;
	[dreg:$0x5] =	wrdreg s16  }
0x18: {  	s11 =	sadd.s32 s19, s8;
	s8 =	sadd.s32 s6, s8;
	[dreg:$0x6] =	wrdreg s18  }
0x19: {  	s21 =	sadd.s32 s17, s19;
	[dreg:$0x12] =	wrdreg s23;
	s26 =	sadd.s32 s22, s19  }
0x1a: {  	s18 =	simm.s32 $0x80;
	s17 =	simm.s32 $0x280;
	s16 =	simm.s32 $0xD  }
0x1b: {  	s0 =	simm.s32 $0x380;
	s10 =	simm.s32 $0xC;
	[dreg:$0xd] =	wrdreg s11  }
0x1c: {  	s14 =	simm.s32 $0x6;
	s23 =	simm.s32 $0x200;
	[dreg:$0xe] =	wrdreg s8  }
0x1d: {  	s11 =	sadd.s32 s24, s2;
	[dreg:$0x7] =	wrdreg s21;
	s24 =	sadd.s32 s22, s6  }
0x1e: {  	[dreg:$0x9] =	wrdreg s26;
	s21 =	simm.s32 $0x9;
	s22 =	simm.s32 $0x50  }
0x1f: {  	s26 =	simm.s32 $0x300;
	s8 =	simm.s32 $0x3;
	[dreg:$0xf] =	wrdreg s11  }
0x20: {  	[dreg:$0x8] =	wrdreg s24;
	s24 =	simm.s32 $0x1;
	s11 =	simm.s32 $0x7C00  }
.LBB2_1:
0x21: {  	[dreg:$0x14] =	wrdreg s15  }
0x22: {  	s1 =	rddreg [dreg:$0xb]  }
0x23: {  	[tilespmem:s4], [sflag:$0x9] =	stream.linear.gather [hbm4b:s1+s4], $0x50, $0x38;
	[tilespmem:$0x1E400] =	vst v63  }
0x24: {  	s20 =	rddreg [dreg:$0xc];
	s15 =	simm.s32 $0x200  }
0x25: {  	[tilespmem:s15], [sflag:$0x9] =	stream.linear.gather [hbm4b:s20+s4], $0x50, $0x38;
	[tilespmem:$0x1E400] =	vst v63  }
0x26: {  	s20 =	rddreg [dreg:$0xd]  }
0x27: {  	[tilespmem:s18], [sflag:$0xA] =	stream.linear.gather [hbm4b:s20+s4], $0x50, $0x38;
	[tilespmem:$0x1E400] =	vst v63  }
0x28: {  	s20 =	rddreg [dreg:$0xe]  }
0x29: {  	[tilespmem:s17], [sflag:$0xA] =	stream.linear.gather [hbm4b:s20+s4], $0x50, $0x38;
	[tilespmem:$0x1E400] =	vst v63  }
0x2a: {  	s20 =	rddreg [dreg:$0xf]  }
0x2b: {  	s1 =	rddreg [dreg:$0xa];
	s20 =	sshrl.u32 s20, $0x3  }
0x2c: {  	[dreg:$0x15] =	wrdreg s20  }
0x2d: {  	[spmem:s20], [sflag:s13] =	dma.local [hbm:s1], $0x2800  }
0x2e: {  	_ =	swait.ge [sflag:s16], $0x2800  }
0x2f: {  	[sflag:s16] =	ssyncset.done $0x0  }
0x30: {  	[sflag:s16] =	ssyncadd.s32 $0xFFFFD800  }
0x31: {  	_ =	swait.ge [sflag:s21], $0x50  }
0x32: {  	[sflag:s21] =	ssyncset.done $0x0  }
0x33: {  	[sflag:s21] =	ssyncadd.s32 $0xFFFFFFB0  }
0x34: {  	_ =	swait.ge [sflag:s21], $0x50  }
0x35: {  	[sflag:s21] =	ssyncset.done $0x0  }
0x36: {  	s16 =	simm.s32 $0x400;
	[sflag:s21] =	ssyncadd.s32 $0xFFFFFFB0  }
0x37: {  	[tilespmem:s16], [sflag:$0x1] =	stream.indirect.gather [hbm4b:s5+s22], $0x80, s4, s22, $0xb8;
	[tilespmem:$0x1E400] =	vst v63  }
0x38: {  	[bflag:$0x0] =	sbarrier.arrive $0xFFFF  }
0x39: {  	_ =	swait.ge [sflag:s24], $0x2800  }
0x3a: {  	p0 =	por $0x1, $0x1;
	[sflag:s24] =	ssyncset.done $0x0  }
0x3b: {  	s13 =	simm.s32 @!p0 $0x7;
	[sflag:s24] =	ssyncadd.s32 $0xFFFFD800  }
0x3c: {  	[spmem:s2] =	stream.indirect.scatter.add.f32 [tilespmem:s16], [sflag:$0x5], $0x80, s15, s22, $0xb8;
	[tilespmem:$0x1E400] =	vst v63  }
0x3d: {  	_ =	swait.ge @!p0 [sflag:s13], $0x2800  }
0x3e: {  	s20 =	rddreg [dreg:$0x9];
	[sflag:s13] =	ssyncset.done @!p0 $0x0  }
0x3f: {  	s1 =	rddreg [dreg:$0x8];
	[sflag:s13] =	ssyncadd.s32 @!p0 $0xFFFFD800;
	s16 =	sadd.s32 $0x0, s20  }
0x40: {  	[tilespmem:s25], [sflag:$0xB] =	stream.linear.gather [hbm4b:s16+s4], $0x50, $0x38;
	[tilespmem:$0x1E400] =	vst v63  }
0x41: {  	s20 =	sadd.s32 $0x0, s1  }
0x42: {  	[tilespmem:s26], [sflag:$0xB] =	stream.linear.gather [hbm4b:s20+s4], $0x50, $0x38;
	[tilespmem:$0x1E400] =	vst v63  }
0x43: {  	_ =	swait.ge [sflag:s28], $0x50  }
0x44: {  	[sflag:s28] =	ssyncset.done $0x0  }
0x45: {  	[sflag:s28] =	ssyncadd.s32 $0xFFFFFFB0  }
0x46: {  	_ =	swait.ge [sflag:s28], $0x50  }
0x47: {  	[sflag:s28] =	ssyncset.done $0x0  }
0x48: {  	[sflag:s28] =	ssyncadd.s32 $0xFFFFFFB0  }
0x49: {  	[tilespmem:s29], [sflag:$0x2] =	stream.indirect.gather [hbm4b:s5+s22], $0x80, s18, s22, $0xb8;
	[tilespmem:$0x1E400] =	vst v63  }
0x4a: {  	_ =	swait.ge [sflag:s30], $0x2800  }
0x4b: {  	[sflag:s30] =	ssyncset.done $0x0  }
0x4c: {  	s13 =	simm.s32 @!p0 $0x8;
	[sflag:s30] =	ssyncadd.s32 $0xFFFFD800  }
0x4d: {  	[spmem:s2] =	stream.indirect.scatter.add.f32 [tilespmem:s29], [sflag:$0x6], $0x80, s17, s22, $0xb8;
	[tilespmem:$0x1E400] =	vst v63  }
0x4e: {  	_ =	swait.ge @!p0 [sflag:s13], $0x2800  }
0x4f: {  	s1 =	rddreg [dreg:$0x7];
	[sflag:s13] =	ssyncset.done @!p0 $0x0  }
0x50: {  	s17 =	rddreg [dreg:$0x6];
	[sflag:s13] =	ssyncadd.s32 @!p0 $0xFFFFD800;
	s1 =	sadd.s32 $0x0, s1  }
0x51: {  	[tilespmem:s31], [sflag:$0xC] =	stream.linear.gather [hbm4b:s1+s4], $0x50, $0x38;
	[tilespmem:$0x1E400] =	vst v63  }
0x52: {  	s16 =	sadd.s32 $0x0, s17  }
0x53: {  	[tilespmem:s0], [sflag:$0xC] =	stream.linear.gather [hbm4b:s16+s4], $0x50, $0x38;
	[tilespmem:$0x1E400] =	vst v63  }
0x54: {  	_ =	swait.ge [sflag:s3], $0x50  }
0x55: {  	[sflag:s3] =	ssyncset.done $0x0  }
0x56: {  	[sflag:s3] =	ssyncadd.s32 $0xFFFFFFB0  }
0x57: {  	_ =	swait.ge [sflag:s3], $0x50  }
0x58: {  	[sflag:s3] =	ssyncset.done $0x0  }
0x59: {  	[sflag:s3] =	ssyncadd.s32 $0xFFFFFFB0  }
0x5a: {  	[tilespmem:s7], [sflag:$0x3] =	stream.indirect.gather [hbm4b:s5+s22], $0x80, s25, s22, $0xb8;
	[tilespmem:$0x1E400] =	vst v63  }
0x5b: {  	_ =	swait.ge [sflag:s8], $0x2800  }
0x5c: {  	[sflag:s8] =	ssyncset.done $0x0  }
0x5d: {  	[sflag:s8] =	ssyncadd.s32 $0xFFFFD800  }
0x5e: {  	[spmem:s2] =	stream.indirect.scatter.add.f32 [tilespmem:s7], [sflag:$0x7], $0x80, s26, s22, $0xb8;
	[tilespmem:$0x1E400] =	vst v63  }
0x5f: {  	_ =	swait.ge [sflag:s9], $0x2800  }
0x60: {  	s1 =	rddreg [dreg:$0x13]  }
0x61: {  	[sflag:s9] =	ssyncset.done $0x0;
	s17 =	sshrl.u32 s1, $0x3  }
0x62: {  	[sflag:s9] =	ssyncadd.s32 $0xFFFFD800;
	s20 =	sadd.s32 s19, s17  }
0x63: {  	[tilespmem:s4], [sflag:$0x9] =	stream.linear.gather [hbm4b:s20+s4], $0x50, $0x38;
	[tilespmem:$0x1E400] =	vst v63  }
0x64: {  	s13 =	sadd.s32 s6, s17  }
0x65: {  	[tilespmem:s15], [sflag:$0x9] =	stream.linear.gather [hbm4b:s13+s4], $0x50, $0x38;
	[tilespmem:$0x1E400] =	vst v63  }
0x66: {  	_ =	swait.ge [sflag:s10], $0x50  }
0x67: {  	[sflag:s10] =	ssyncset.done $0x0  }
0x68: {  	[sflag:s10] =	ssyncadd.s32 $0xFFFFFFB0  }
0x69: {  	_ =	swait.ge [sflag:s10], $0x50  }
0x6a: {  	[sflag:s10] =	ssyncset.done $0x0  }
0x6b: {  	[sflag:s10] =	ssyncadd.s32 $0xFFFFFFB0  }
0x6c: {  	[tilespmem:s11], [sflag:$0x4] =	stream.indirect.gather [hbm4b:s5+s22], $0x80, s31, s22, $0xb8;
	[tilespmem:$0x1E400] =	vst v63  }
0x6d: {  	_ =	swait.ge [sflag:s12], $0x2800  }
0x6e: {  	[sflag:s12] =	ssyncset.done $0x0  }
0x6f: {  	p0 =	por $0x0, $0x0;
	[sflag:s12] =	ssyncadd.s32 $0xFFFFD800  }
0x70: {  	[spmem:s2] =	stream.indirect.scatter.add.f32 [tilespmem:s11], [sflag:$0x8], $0x80, s0, s22, $0xb8;
	[tilespmem:$0x1E400] =	vst v63  }
0x71: {  	s20 =	simm.s32 @!p0 $0x0;
	_ =	swait.ge [sflag:s14], $0x2800  }
0x72: {  	s15 =	simm.s32 @!p0 $0x80;
	s13 =	rddreg [dreg:$0x5];
	[sflag:s14] =	ssyncset.done $0x0  }
0x73: {  	s16 =	rddreg [dreg:$0x4];
	[sflag:s14] =	ssyncadd.s32 $0xFFFFD800;
	s13 =	sadd.s32 @!p0 $0x0, s13  }
0x74: {  	[tilespmem:s15], [sflag:$0xA] =	stream.linear.gather @!p0 [hbm4b:s13+s20], $0x50, $0x38;
	[tilespmem:$0x1E400] =	vst v63  }
0x75: {  	s13 =	sadd.s32 @!p0 $0x0, s16;
	s15 =	simm.s32 @!p0 $0x280  }
0x76: {  	[tilespmem:s15], [sflag:$0xA] =	stream.linear.gather @!p0 [hbm4b:s13+s20], $0x50, $0x38;
	[tilespmem:$0x1E400] =	vst v63  }
0x77: {  	_ =	swait.ge [sflag:s21], $0x50  }
0x78: {  	[sflag:s21] =	ssyncset.done $0x0  }
0x79: {  	[sflag:s21] =	ssyncadd.s32 $0xFFFFFFB0  }
0x7a: {  	_ =	swait.ge [sflag:s21], $0x50  }
0x7b: {  	s16 =	simm.s32 $0x28;
	s20 =	smov.u32 s1;
	[sflag:s21] =	ssyncset.done $0x0  }
.LBB2_2:
0x7c: {  	[sflag:s21] =	ssyncadd.s32 $0xFFFFFFB0;
	s1 =	simm.s32 $0x400  }
0x7d: {  	[tilespmem:s1], [sflag:$0x1] =	stream.indirect.gather [hbm4b:s5+s22], $0x80, s4, s22, $0xb8;
	[tilespmem:$0x1E400] =	vst v63  }
0x7e: {  	s13 =	smov.u32 s16;
	_ =	swait.ge [sflag:s24], $0x2800  }
0x7f: {  	p1 =	seq.s32 s13, $0x0;
	[sflag:s24] =	ssyncset.done $0x0  }
0x80: {  	s17 =	simm.s32 $0x200;
	s15 =	simm.s32 @!p1 $0x7;
	[sflag:s24] =	ssyncadd.s32 $0xFFFFD800  }
0x81: {  	[spmem:s2] =	stream.indirect.scatter.add.f32 [tilespmem:s1], [sflag:$0x5], $0x80, s17, s22, $0xb8;
	[tilespmem:$0x1E400] =	vst v63  }
0x82: {  	_ =	swait.ge @!p1 [sflag:s15], $0x2800  }
0x83: {  	[sflag:s15] =	ssyncset.done @!p1 $0x0;
	s1 =	rddreg [dreg:$0x9]  }
0x84: {  	[sflag:s15] =	ssyncadd.s32 @!p1 $0xFFFFD800;
	s15 =	rddreg [dreg:$0x8];
	s1 =	sadd.s32 s13, s1  }
0x85: {  	[tilespmem:s25], [sflag:$0xB] =	stream.linear.gather [hbm4b:s1+s4], $0x50, $0x38;
	[tilespmem:$0x1E400] =	vst v63  }
0x86: {  	s15 =	sadd.s32 s13, s15  }
0x87: {  	[tilespmem:s26], [sflag:$0xB] =	stream.linear.gather [hbm4b:s15+s4], $0x50, $0x38;
	[tilespmem:$0x1E400] =	vst v63  }
0x88: {  	_ =	swait.ge [sflag:s28], $0x50  }
0x89: {  	[sflag:s28] =	ssyncset.done $0x0  }
0x8a: {  	[sflag:s28] =	ssyncadd.s32 $0xFFFFFFB0  }
0x8b: {  	_ =	swait.ge [sflag:s28], $0x50  }
0x8c: {  	[sflag:s28] =	ssyncset.done $0x0  }
0x8d: {  	[sflag:s28] =	ssyncadd.s32 $0xFFFFFFB0  }
0x8e: {  	[tilespmem:s29], [sflag:$0x2] =	stream.indirect.gather [hbm4b:s5+s22], $0x80, s18, s22, $0xb8;
	[tilespmem:$0x1E400] =	vst v63  }
0x8f: {  	_ =	swait.ge [sflag:s30], $0x2800  }
0x90: {  	[sflag:s30] =	ssyncset.done $0x0  }
0x91: {  	s1 =	simm.s32 @!p1 $0x8;
	s18 =	simm.s32 $0x280;
	[sflag:s30] =	ssyncadd.s32 $0xFFFFD800  }
0x92: {  	[spmem:s2] =	stream.indirect.scatter.add.f32 [tilespmem:s29], [sflag:$0x6], $0x80, s18, s22, $0xb8;
	[tilespmem:$0x1E400] =	vst v63  }
0x93: {  	_ =	swait.ge @!p1 [sflag:s1], $0x2800  }
0x94: {  	s15 =	rddreg [dreg:$0x7];
	[sflag:s1] =	ssyncset.done @!p1 $0x0  }
0x95: {  	s18 =	rddreg [dreg:$0x6];
	[sflag:s1] =	ssyncadd.s32 @!p1 $0xFFFFD800;
	s15 =	sadd.s32 s13, s15  }
0x96: {  	[tilespmem:s31], [sflag:$0xC] =	stream.linear.gather [hbm4b:s15+s4], $0x50, $0x38;
	[tilespmem:$0x1E400] =	vst v63  }
0x97: {  	s18 =	sadd.s32 s13, s18  }
0x98: {  	[tilespmem:s0], [sflag:$0xC] =	stream.linear.gather [hbm4b:s18+s4], $0x50, $0x38;
	[tilespmem:$0x1E400] =	vst v63  }
0x99: {  	_ =	swait.ge [sflag:s3], $0x50  }
0x9a: {  	[sflag:s3] =	ssyncset.done $0x0  }
0x9b: {  	[sflag:s3] =	ssyncadd.s32 $0xFFFFFFB0  }
0x9c: {  	_ =	swait.ge [sflag:s3], $0x50  }
0x9d: {  	[sflag:s3] =	ssyncset.done $0x0  }
0x9e: {  	[sflag:s3] =	ssyncadd.s32 $0xFFFFFFB0  }
0x9f: {  	[tilespmem:s7], [sflag:$0x3] =	stream.indirect.gather [hbm4b:s5+s22], $0x80, s25, s22, $0xb8;
	[tilespmem:$0x1E400] =	vst v63  }
0xa0: {  	_ =	swait.ge [sflag:s8], $0x2800  }
0xa1: {  	[sflag:s8] =	ssyncset.done $0x0  }
0xa2: {  	[sflag:s8] =	ssyncadd.s32 $0xFFFFD800  }
0xa3: {  	[spmem:s2] =	stream.indirect.scatter.add.f32 [tilespmem:s7], [sflag:$0x7], $0x80, s26, s22, $0xb8;
	[tilespmem:$0x1E400] =	vst v63  }
0xa4: {  	s20 =	sadd.s32 $0x140, s20;
	_ =	swait.ge [sflag:s9], $0x2800  }
0xa5: {  	s15 =	sshrl.u32 s20, $0x3;
	[sflag:s9] =	ssyncset.done $0x0  }
0xa6: {  	s18 =	sadd.s32 s19, s15;
	[sflag:s9] =	ssyncadd.s32 $0xFFFFD800  }
0xa7: {  	[tilespmem:s4], [sflag:$0x9] =	stream.linear.gather [hbm4b:s18+s4], $0x50, $0x38;
	[tilespmem:$0x1E400] =	vst v63  }
0xa8: {  	s1 =	sadd.s32 s6, s15  }
0xa9: {  	[tilespmem:s17], [sflag:$0x9] =	stream.linear.gather [hbm4b:s1+s4], $0x50, $0x38;
	[tilespmem:$0x1E400] =	vst v63  }
0xaa: {  	_ =	swait.ge [sflag:s10], $0x50  }
0xab: {  	[sflag:s10] =	ssyncset.done $0x0  }
0xac: {  	[sflag:s10] =	ssyncadd.s32 $0xFFFFFFB0  }
0xad: {  	_ =	swait.ge [sflag:s10], $0x50  }
0xae: {  	[sflag:s10] =	ssyncset.done $0x0  }
0xaf: {  	[sflag:s10] =	ssyncadd.s32 $0xFFFFFFB0  }
0xb0: {  	[tilespmem:s11], [sflag:$0x4] =	stream.indirect.gather [hbm4b:s5+s22], $0x80, s31, s22, $0xb8;
	[tilespmem:$0x1E400] =	vst v63  }
0xb1: {  	_ =	swait.ge [sflag:s12], $0x2800  }
0xb2: {  	[sflag:s12] =	ssyncset.done $0x0  }
0xb3: {  	p1 =	seq.s32 s13, $0x4B0;
	[sflag:s12] =	ssyncadd.s32 $0xFFFFD800  }
0xb4: {  	[spmem:s2] =	stream.indirect.scatter.add.f32 [tilespmem:s11], [sflag:$0x8], $0x80, s0, s22, $0xb8;
	[tilespmem:$0x1E400] =	vst v63  }
0xb5: {  	s16 =	sadd.s32 $0x28, s16;
	s18 =	simm.s32 @!p1 $0x0;
	_ =	swait.ge [sflag:s14], $0x2800  }
0xb6: {  	s17 =	simm.s32 @!p1 $0x80;
	s1 =	rddreg [dreg:$0x5];
	[sflag:s14] =	ssyncset.done $0x0  }
0xb7: {  	s15 =	rddreg [dreg:$0x4];
	[sflag:s14] =	ssyncadd.s32 $0xFFFFD800;
	s1 =	sadd.s32 @!p1 s13, s1  }
0xb8: {  	[tilespmem:s17], [sflag:$0xA] =	stream.linear.gather @!p1 [hbm4b:s1+s18], $0x50, $0x38;
	[tilespmem:$0x1E400] =	vst v63  }
0xb9: {  	p0 =	sne.s32 s16, $0x4D8;
	s1 =	sadd.s32 @!p1 s13, s15;
	s13 =	simm.s32 @!p1 $0x280  }
0xba: {  	[tilespmem:s13], [sflag:$0xA] =	stream.linear.gather @!p1 [hbm4b:s1+s18], $0x50, $0x38;
	[tilespmem:$0x1E400] =	vst v63  }
.Ltmp0:
0xbb: {  	_ =	swait.ge [sflag:s21], $0x50;
	(pc) =	sbr.rel @p0 .LBB2_2-.Ltmp0, $4  }
0xbc: {  	[sflag:s21] =	ssyncset.done $0x0  }
0xbd: {  	[sflag:s21] =	ssyncadd.s32 $0xFFFFFFB0  }
0xbe: {  	_ =	swait.ge [sflag:s21], $0x50  }
0xbf: {  	s18 =	simm.s32 $0x80;
	[sflag:s21] =	ssyncset.done $0x0  }
0xc0: {  	[sflag:s21] =	ssyncadd.s32 $0xFFFFFFB0;
	s1 =	simm.s32 $0x400  }
0xc1: {  	[tilespmem:s1], [sflag:$0x1] =	stream.indirect.gather [hbm4b:s5+s22], $0x80, s4, s22, $0xb8;
	[tilespmem:$0x1E400] =	vst v63  }
0xc2: {  	_ =	swait.ge [sflag:s24], $0x2800  }
0xc3: {  	[sflag:s24] =	ssyncset.done $0x0  }
0xc4: {  	[sflag:s24] =	ssyncadd.s32 $0xFFFFD800  }
0xc5: {  	[spmem:s2] =	stream.indirect.scatter.add.f32 [tilespmem:s1], [sflag:$0x5], $0x80, s23, s22, $0xb8;
	[tilespmem:$0x1E400] =	vst v63  }
0xc6: {  	_ =	swait.ge [sflag:s9], $0x2800  }
0xc7: {  	[sflag:s9] =	ssyncset.done $0x0  }
0xc8: {  	s13 =	simm.s32 $0x7;
	[sflag:s9] =	ssyncadd.s32 $0xFFFFD800  }
0xc9: {  	_ =	swait.ge [sflag:s13], $0x2800  }
0xca: {  	[sflag:s13] =	ssyncset.done $0x0  }
0xcb: {  	s15 =	simm.s32 $0x8;
	[sflag:s13] =	ssyncadd.s32 $0xFFFFD800  }
0xcc: {  	_ =	swait.ge [sflag:s15], $0x2800  }
0xcd: {  	[sflag:s15] =	ssyncset.done $0x0  }
0xce: {  	[sflag:s15] =	ssyncadd.s32 $0xFFFFD800  }
0xcf: {  	[bflag:$0x0] =	sbarrier.arrive $0xFFFF  }
0xd0: {  	s13 =	rddreg [dreg:$0x10]  }
0xd1: {  	s16 =	rddreg [dreg:$0x11]  }
0xd2: {  	s15 =	rddreg [dreg:$0x15]  }
0xd3: {  	[hbm:s16], [sflag:s13] =	dma.local [spmem:s15], $0x2800  }
0xd4: {  	s16 =	simm.s32 $0xD  }
0xd5: {  	_ =	swait.ge [sflag:s16], $0x2800  }
0xd6: {  	s17 =	rddreg [dreg:$0x14]  }
0xd7: {  	s20 =	rddreg [dreg:$0x12];
	s15 =	sadd.s32 $0x1, s17  }
0xd8: {  	p0 =	sne.s32 s15, s20  }
.Ltmp1:
0xd9: {  	_ = 	snop;
	(pc) =	sbr.rel @p0 .LBB2_1-.Ltmp1, $3  }
0xda: {  	_ =	sdelay $0x1  }
0xdb: {  	[sflag:s16] =	ssyncset.done $0x0  }
0xdc: {  	[sflag:s16] =	ssyncadd.s32 $0xFFFFD800;
	s17 =	simm.s32 $0x280  }
0xdd: {  	_ =	sfence.sel $0x180000  }
0xde: {  	[bflag:$0x0] =	sbarrier.arrive $0xFFFF  }
0xdf: {  	_ =	strace $0x9000004A  }
0xe0: {  	s0 =	stileid.u32;
	[bflag:$0x2] =	sbarrier.arrive $0xFFFF  }
0xe1: {  	p0 =	sne.s32 s0, $0x0;
	s0 =	rddreg [dreg:$0x3]  }
0xe2: {  	s0 =	sadd.s32 @!p0 $0x100000, s0  }
0xe3: {  	[sflag:s0] =	ssyncadd.tile.s32 @!p0 $0x1;
	_ =	shalt  }
.Lfunc_end2:
_tile_overlayer_lowered:
.L_overlay_start_2:
0xe4: {  	(tag) =	ssettag $0x2  }
0xe5: {  	s0 =	rddreg [dreg:$0x0];
	s2 =	stileid.u32  }
0xe6: {  	s1 =	rddreg [dreg:$0x1];
	p0 =	sne.s32 s2, $0x0  }
0xe7: {  	s3 =	rddreg [dreg:$0x2];
	[bflag:$0x3] =	sbarrier.arrive $0xFFFF;
	s2 =	simm.s32 @!p0 $0x1C0D  }
0xe8: {  	[timem:s3], [sflag:s2] =	dma.local @!p0 [hbm:s0], s1  }
0xe9: {  	s0 =	simm.s32 @!p0 $0xD  }
0xea: {  	_ =	swait.ge @!p0 [sflag:s0], s1  }
0xeb: {  	s1 =	ssub.s32 @!p0 $0x0, s1;
	[sflag:s0] =	ssyncset.done @!p0 $0x0  }
0xec: {  	[sflag:s0] =	ssyncadd.s32 @!p0 s1  }
0xed: {  	[bflag:$0x3] =	sbarrier.arrive $0xFFFF  }
0xee: {  	_ =	shalt  }

// kernel: kernel.17.cloned.1.call-start
scs
__scs_entry_jumppad:
0x0: {  	(pc) =	sbr.rel $0x88, $3  }
0x1: {  	(tag) =	ssettag $0x0;
	lr =	simm.s32 $0x1  }
0x2: {  	[smem:$0x3F90] =	sst lr;
	_ =	strace $0xD0000000  }
0x3: {  	_ = 	snop  }
0x4: {  	_ = 	snop  }
0x5: {  	_ = 	snop  }
0x6: {  	_ = 	snop  }
0x7: {  	_ = 	snop  }
__scs_overlays_trampoline_lowered:
0x8: {  	[smem:$0x3F9F] =	sst s0  }
0x9: {  	[smem:$0x3FA0] =	sst s1  }
0xa: {  	[smem:$0x3FA1] =	sst s2  }
0xb: {  	[smem:$0x3FA2] =	sst s3  }
0xc: {  	[smem:$0x3FA3] =	sst s4  }
0xd: {  	[smem:$0x3FA4] =	sst s5  }
0xe: {  	[smem:$0x3FA5] =	sst s6  }
0xf: {  	[smem:$0x3FA6] =	sst s7  }
0x10: {  	[smem:$0x3FA7] =	sst s8  }
0x11: {  	[smem:$0x3FA8] =	sst s9;
	s0 =	simm.s32 @!p0 $0x0  }
0x12: {  	s1 =	sld [smem:$0x3F8E];
	s0 =	simm.s32 @p0 $0x1  }
0x13: {  	[smem:$0x3FA9] =	sst s0;
	s0 =	simm.s32 @!p1 $0x0  }
0x14: {  	s2 =	sld [smem:$0x3F8D];
	s0 =	simm.s32 @p1 $0x1  }
0x15: {  	[smem:$0x3FAA] =	sst s0;
	s0 =	simm.s32 @!p2 $0x0  }
0x16: {  	s3 =	sld [smem:$0x3FDB];
	s0 =	simm.s32 @p2 $0x1  }
0x17: {  	s4 =	simm.s32 $0x1BF5;
	[smem:$0x3FAC] =	sst s0  }
0x18: {  	s0 =	sld [smem:$0x3F8F];
	_ =	swait.ge [sflag:s4], $0x0  }
0x19: {  	s7 =	sld [smem:$0x3F90]  }
0x1a: {  	s8 =	sadd.s32 $0xFFFFE003, lr  }
0x1b: {  	s9 =	sadd.s32 $0xFFFFFEF7, lr;
	s5 =	simm.s32 $0xFFFFFFFF;
	p2 =	slt.u32 s8, $0xFFFFF086  }
0x1c: {  	p1 =	slt.u32 s9, $0xF7A;
	s5 =	simm.s32 @!p2 $0x0  }
0x1d: {  	s5 =	simm.s32 @p1 $0x1;
	p0 =	seq.s32 s7, s2  }
0x1e: {  	s7 =	smul.u32 @!p0 $0xF7A, s2;
	p2 =	seq.s32 @!p0 s5, $0x0  }
0x1f: {  	s9 =	smul.u32 $0xF7A, s1;
	s8 =	simm.s32 @!p0 $0x1BF5;
	p2 =	por !p2, p0  }
0x20: {  	[sflag:s8] =	ssyncset.s32 @!p0 $0xFFFFF086;
	s6 =	sadd.s32 @!p0 s3, s7;
	s7 =	simm.s32 @!p0 $0x108  }
0x21: {  	s3 =	sadd.s32 s3, s9;
	s6 =	sadd.s32 @!p0 $0x88, s6;
	s7 =	simm.s32 @p2 $0x1082  }
0x22: {  	[simem:s7], [sflag:s8] =	dma.local @!p0 [hbm:s6], $0xF7A  }
0x23: {  	s9 =	sor.u32 $0xD0000000, s2;
	s6 =	simm.s32 $0x108;
	_ =	swait.ge @!p0 [sflag:s8], $0x0  }
0x24: {  	s3 =	sadd.s32 $0x88, s3;
	s6 =	simm.s32 @!p1 $0x1082;
	[sflag:s4] =	ssyncset.s32 $0xFFFFF086  }
0x25: {  	[simem:s6], [sflag:s4] =	dma.local [hbm:s3], $0xF7A  }
0x26: {  	[smem:$0x3F90] =	sst s1;
	(tag) =	ssettag s2;
	_ =	strace s9  }
0x27: {  	s1 =	sld [smem:$0x3FA0]  }
0x28: {  	s2 =	sld [smem:$0x3FA1]  }
0x29: {  	s4 =	sld [smem:$0x3FA3]  }
0x2a: {  	p0 =	seq.s32 s5, $0x0;
	s5 =	sld [smem:$0x3FA4]  }
0x2b: {  	s6 =	sld [smem:$0x3FA5]  }
0x2c: {  	s7 =	sld [smem:$0x3FA6]  }
0x2d: {  	s3 =	simm.s32 $0x108;
	s8 =	sld [smem:$0x3FA7]  }
0x2e: {  	s3 =	simm.s32 @!p0 $0x1082;
	s9 =	sld [smem:$0x3FA8]  }
0x2f: {  	lr =	sadd.s32 s0, s3;
	s0 =	sld [smem:$0x3F9F]  }
0x30: {  	s3 =	sld [smem:$0x3FA2]  }
0x31: {  	[smem:$0x3FAB] =	sst s10  }
0x32: {  	s10 =	sld [smem:$0x3FA9];
	_ =	sdelay $0x3  }
0x33: {  	p0 =	seq.s32 s10, $0x1;
	s10 =	sld [smem:$0x3FAB];
	_ =	sdelay $0x3  }
0x34: {  	[smem:$0x3FAB] =	sst s10  }
0x35: {  	s10 =	sld [smem:$0x3FAA];
	_ =	sdelay $0x3  }
0x36: {  	p1 =	seq.s32 s10, $0x1;
	s10 =	sld [smem:$0x3FAB];
	_ =	sdelay $0x3  }
0x37: {  	[smem:$0x3FAB] =	sst s10  }
0x38: {  	s10 =	sld [smem:$0x3FAC]  }
0x39: {  	_ = 	snop;
	(pc) =	sbr.ind lr, $3  }
0x3a: {  	_ = 	snop  }
0x3b: {  	_ = 	snop  }
0x3c: {  	p2 =	seq.s32 s10, $0x1;
	s10 =	sld [smem:$0x3FAB]  }
0x3d: {  	_ =	shalt  }
0x3e: {  	_ =	shalt  }
0x3f: {  	_ =	shalt  }
0x40: {  	_ =	shalt  }
0x41: {  	_ =	shalt  }
0x42: {  	_ =	shalt  }
0x43: {  	_ =	shalt  }
0x44: {  	_ =	shalt  }
0x45: {  	_ =	shalt  }
0x46: {  	_ =	shalt  }
0x47: {  	_ =	shalt  }
0x48: {  	_ =	shalt  }
0x49: {  	_ =	shalt  }
0x4a: {  	_ =	shalt  }
0x4b: {  	_ =	shalt  }
0x4c: {  	_ =	shalt  }
0x4d: {  	_ =	shalt  }
0x4e: {  	_ =	shalt  }
0x4f: {  	_ =	shalt  }
0x50: {  	_ =	shalt  }
0x51: {  	_ =	shalt  }
0x52: {  	_ =	shalt  }
0x53: {  	_ =	shalt  }
0x54: {  	_ =	shalt  }
0x55: {  	_ =	shalt  }
0x56: {  	_ =	shalt  }
0x57: {  	_ =	shalt  }
0x58: {  	_ =	shalt  }
0x59: {  	_ =	shalt  }
0x5a: {  	_ =	shalt  }
0x5b: {  	_ =	shalt  }
0x5c: {  	_ =	shalt  }
0x5d: {  	_ =	shalt  }
0x5e: {  	_ =	shalt  }
0x5f: {  	_ =	shalt  }
0x60: {  	_ =	shalt  }
0x61: {  	_ =	shalt  }
0x62: {  	_ =	shalt  }
0x63: {  	_ =	shalt  }
0x64: {  	_ =	shalt  }
0x65: {  	_ =	shalt  }
0x66: {  	_ =	shalt  }
0x67: {  	_ =	shalt  }
0x68: {  	_ =	shalt  }
0x69: {  	_ =	shalt  }
0x6a: {  	_ =	shalt  }
0x6b: {  	_ =	shalt  }
0x6c: {  	_ =	shalt  }
0x6d: {  	_ =	shalt  }
0x6e: {  	_ =	shalt  }
0x6f: {  	_ =	shalt  }
0x70: {  	_ =	shalt  }
0x71: {  	_ =	shalt  }
0x72: {  	_ =	shalt  }
0x73: {  	_ =	shalt  }
0x74: {  	_ =	shalt  }
0x75: {  	_ =	shalt  }
0x76: {  	_ =	shalt  }
0x77: {  	_ =	shalt  }
0x78: {  	_ =	shalt  }
0x79: {  	_ =	shalt  }
0x7a: {  	_ =	shalt  }
0x7b: {  	_ =	shalt  }
0x7c: {  	_ =	shalt  }
0x7d: {  	_ =	shalt  }
0x7e: {  	_ =	shalt  }
0x7f: {  	_ =	shalt  }
0x80: {  	_ =	shalt  }
0x81: {  	_ =	shalt  }
0x82: {  	_ =	shalt  }
0x83: {  	_ =	shalt  }
0x84: {  	_ =	shalt  }
0x85: {  	_ =	shalt  }
0x86: {  	_ =	shalt  }
0x87: {  	_ =	shalt  }
.Lfunc_end0:
.L_simem_size_0:
called_computation.2_lowered:
.L_overlay_start_0:
0x88: {  	s2 =	sld [smem:$0x3FD9]  }
0x89: {  	s3 =	sld [smem:$0x3FFE];
	_ =	sdelay $0x1  }
0x8a: {  	s1 =	srdreg.scid  }
0x8b: {  	s0 =	sand.u32 $0x1, s1  }
0x8c: {  	s17 =	sshll.u32 s0, $0xA;
	s2 =	sadd.s32 s3, s2  }
0x8d: {  	s2 =	sadd.s32 s2, s17  }
0x8e: {  	[smem:$0x3FB7] =	sst s2  }
0x8f: {  	_ = 	snop  }
0x90: {  	s2 =	sld [smem:$0x3FD0];
	(tm) =	ssettm $0x1  }
0x91: {  	s18 =	sld [smem:$0x3FFB];
	_ =	sdelay $0x3  }
0x92: {  	_ =	strace s18  }
0x93: {  	s3 =	sld [smem:$0x3FFC];
	_ =	sdelay $0x3  }
0x94: {  	_ =	strace s3  }
0x95: {  	s3 =	sld [smem:$0x3FFD];
	_ =	sdelay $0x3  }
0x96: {  	_ =	strace s3  }
0x97: {  	_ =	strace $0x8FFFFFFF  }
0x98: {  	s19 =	sld [smem:$0x3FDB];
	_ =	sdelay $0x1  }
0x99: {  	s4 =	simm.s32 $_scs_section_size  }
0x9a: {  	s5 =	simm.s32 $_size__tile_overlayer_lowered;
	s6 =	simm.s32 $_tile_overlayer_lowered  }
0x9b: {  	s22 =	simm.s32 $0x1BFF;
	s21 =	sshll.u32 s6, $0x1;
	s3 =	sadd.s32 s4, s19  }
0x9c: {  	s7 =	simm.s32 $0x0;
	s20 =	sshll.u32 s5, $0x1;
	s5 =	sadd.s32 s21, s3  }
0x9d: {  	[timem:s7], [sflag:s22] =	dma.local [hbm:s5], s20  }
0x9e: {  	_ =	swait.ge [sflag:s22], s20  }
0x9f: {  	s4 =	ssub.s32 $0x0, s20;
	[sflag:s22] =	ssyncset.done $0x0  }
0xa0: {  	[sflag:s22] =	ssyncadd.s32 s4;
	_ =	sdelay $0x1  }
0xa1: {  	s23 =	simm.s32 $0x1B8B  }
0xa2: {  	_ =	swait.ge [sflag:s23], $0x1  }
0xa3: {  	[sflag:s23] =	ssyncset.done $0x0  }
0xa4: {  	s25 =	simm.s32 $0x1B8E;
	s24 =	sld [smem:$0x3FFE];
	[sflag:s23] =	ssyncadd.s32 $0xFFFFFFFF  }
0xa5: {  	s26 =	simm.s32 $execute0_lowered;
	[smem:$0x3FD2] =	sst s25  }
0xa6: {  	s5 =	sshll.u32 s26, $0x1;
	_ =	strace $0x8000004C;
	[dreg:$0x1] =	wrdreg $0xFFFFFFFF  }
0xa7: {  	s28 =	simm.s32 $_size_execute0_lowered;
	s3 =	sadd.s32 s3, s5;
	[dreg:$0x0] =	wrdreg $0x0  }
0xa8: {  	s5 =	sshll.u32 s28, $0x1;
	[dreg:$0x2] =	wrdreg s3  }
0xa9: {  	[dreg:$0x3] =	wrdreg s5  }
0xaa: {  	[dreg:$0x4] =	wrdreg $0xC0  }
0xab: {  	_ =	task [dreg:s7], $0x5FFFF  }
0xac: {  	[dreg:$0x1] =	wrdreg $0xFFFFFFFF  }
0xad: {  	[dreg:$0x0] =	wrdreg $0x60  }
0xae: {  	[dreg:$0x2] =	wrdreg s24  }
0xaf: {  	[dreg:$0x3] =	wrdreg s2  }
0xb0: {  	[dreg:$0x4] =	wrdreg $0xA4000  }
0xb1: {  	[dreg:$0x5] =	wrdreg $0x9  }
0xb2: {  	_ =	task.clear_ibuf [dreg:s7], $0x6FFFF;
	_ =	strace $0x9000004C  }
0xb3: {  	s29 =	simm.s32 $0x9;
	_ =	strace $0x8000004E  }
0xb4: {  	_ =	swait.ge [sflag:s29], $0x1  }
0xb5: {  	[sflag:s29] =	ssyncadd.s32 $0xFFFFFFFF  }
0xb6: {  	_ =	strace $0x9000004E  }
0xb7: {  	_ =	sfence  }
0xb8: {  	s30 =	sld [smem:$0x0];
	_ =	sdelay $0x2  }
0xb9: {  	s31 =	sshll.u32 s1, $0xD;
	s1 =	sshrl.u32 s1, $0x2  }
0xba: {  	s3 =	sand.u32 $0x4000, s31;
	s1 =	sadd.s32 s1, s30  }
0xbb: {  	s0 =	sor.u32 s3, s0;
	s1 =	sshll.u32 s1, $0x11  }
0xbc: {  	s0 =	sor.u32 s1, s0  }
0xbd: {  	s0 =	sadd.s32 $0x8F2B, s0  }
0xbe: {  	[sflag:s0] =	ssyncadd.remote.s32 $0x1  }
0xbf: {  	_ =	sfence.sel $0xFFFF  }
0xc0: {  	[dreg:$0x0] =	wrdreg $0xFFFFFFFF;
	(pc) =	sbr.abs _section_cstart, $3  }
0xc1: {  	[dreg:$0x1] =	wrdreg $0xFFFFFFFF  }
0xc2: {  	_ =	task.clear_ibuf [dreg:s7], $0x2FFFF;
	_ =	strace $0x9FFFFFFF  }
0xc3: {  	(tm) =	ssettm $0x7FFFFFFF  }
tec
execute0_lowered:
.L_overlay_start_1:
0x0: {  	(tag) =	ssettag $0x1  }
0x1: {  	s0 =	rddreg [dreg:$0x0]  }
0x2: {  	s19 =	rddreg [dreg:$0x1]  }
0x3: {  	s2 =	rddreg [dreg:$0x2];
	s3 =	srdreg.scid  }
0x4: {  	s4 =	simm.s32 $0x0;
	s1 =	stileid.u32;
	s28 =	simm.s32 $0xA  }
0x5: {  	s29 =	simm.s32 $0x2C00;
	s30 =	simm.s32 $0x2;
	s7 =	smul.u32 $0x14000, s1  }
0x6: {  	s31 =	simm.s32 $0x180;
	s3 =	sand.u32 $0x1, s3;
	s22 =	smul.u32 $0x2710, s1  }
0x7: {  	[smem:$0x7FF] =	sst s4;
	s5 =	sadd.s32 $0x10C00, s0;
	s23 =	smul.u32 $0x50000, s1  }
0x8: {  	s9 =	sadd.s32 $0xE400, s0;
	s25 =	sshll.u32 s1, $0x6;
	s6 =	smul.u32 $0x140000, s3  }
0x9: {  	_ =	strace $0x8000004D;
	s8 =	sshll.u32 s3, $0x4;
	[dreg:$0xa] =	wrdreg s9  }
0xa: {  	s18 =	ssub.s32 $0x2, s3;
	s3 =	smul.u32 $0x27100, s3;
	s13 =	sor.u32 $0x1C0D, s25  }
0xb: {  	s9 =	simm.s32 $0x5;
	s8 =	sor.u32 s1, s8;
	s20 =	sshrl.u32 s18, $0x1  }
0xc: {  	s24 =	sshrl.u32 s23, $0x2;
	[dreg:$0x10] =	wrdreg s13;
	s7 =	sadd.s32 s7, s6  }
0xd: {  	s6 =	sadd.s32 $0x4600, s0;
	s8 =	smul.u32 $0x2710, s8;
	s3 =	sadd.s32 s22, s3  }
0xe: {  	s7 =	sshrl.u32 s7, $0x3;
	s26 =	sadd.s32 $0x190, s3;
	s15 =	sadd.s32 $0xF0, s3  }
0xf: {  	s25 =	sadd.s32 $0x140, s3;
	s0 =	sadd.s32 s7, s0;
	s8 =	sshrl.u32 s8, $0x3  }
0x10: {  	s7 =	ssub.s32 s18, s20;
	s12 =	sshrl.u32 s26, $0x3;
	s17 =	sshrl.u32 s15, $0x3  }
0x11: {  	s20 =	sadd.s32 $0xA0, s3;
	[dreg:$0x13] =	wrdreg s25;
	s25 =	simm.s32 $0x100  }
0x12: {  	s3 =	simm.s32 $0xB;
	s15 =	simm.s32 $0x0;
	s21 =	sadd.s32 s19, s8  }
0x13: {  	s10 =	sadd.s32 s6, s8;
	s8 =	sadd.s32 $0xA, s8;
	[dreg:$0xb] =	wrdreg s21  }
0x14: {  	s0 =	sadd.s32 $0x37E00, s0;
	s14 =	sadd.s32 s12, s6;
	[dreg:$0xc] =	wrdreg s10  }
0x15: {  	s16 =	sadd.s32 s12, s19;
	s18 =	sadd.s32 s17, s6;
	[dreg:$0x11] =	wrdreg s0  }
0x16: {  	s22 =	sshrl.u32 s20, $0x3;
	s23 =	smax.u32 s7, $0x1;
	[dreg:$0x4] =	wrdreg s14  }
0x17: {  	s7 =	simm.s32 $0x5400;
	s12 =	simm.s32 $0x4;
	[dreg:$0x5] =	wrdreg s16  }
0x18: {  	s11 =	sadd.s32 s19, s8;
	s8 =	sadd.s32 s6, s8;
	[dreg:$0x6] =	wrdreg s18  }
0x19: {  	s21 =	sadd.s32 s17, s19;
	[dreg:$0x12] =	wrdreg s23;
	s26 =	sadd.s32 s22, s19  }
0x1a: {  	s18 =	simm.s32 $0x80;
	s17 =	simm.s32 $0x280;
	s16 =	simm.s32 $0xD  }
0x1b: {  	s0 =	simm.s32 $0x380;
	s10 =	simm.s32 $0xC;
	[dreg:$0xd] =	wrdreg s11  }
0x1c: {  	s14 =	simm.s32 $0x6;
	s23 =	simm.s32 $0x200;
	[dreg:$0xe] =	wrdreg s8  }
0x1d: {  	s11 =	sadd.s32 s24, s2;
	[dreg:$0x7] =	wrdreg s21;
	s24 =	sadd.s32 s22, s6  }
0x1e: {  	[dreg:$0x9] =	wrdreg s26;
	s21 =	simm.s32 $0x9;
	s22 =	simm.s32 $0x50  }
0x1f: {  	s26 =	simm.s32 $0x300;
	s8 =	simm.s32 $0x3;
	[dreg:$0xf] =	wrdreg s11  }
0x20: {  	[dreg:$0x8] =	wrdreg s24;
	s24 =	simm.s32 $0x1;
	s11 =	simm.s32 $0x7C00  }
.LBB2_1:
0x21: {  	[dreg:$0x14] =	wrdreg s15  }
0x22: {  	s1 =	rddreg [dreg:$0xb]  }
0x23: {  	[tilespmem:s4], [sflag:$0x9] =	stream.linear.gather [hbm4b:s1+s4], $0x50, $0x38;
	[tilespmem:$0x1E400] =	vst v63  }
0x24: {  	s20 =	rddreg [dreg:$0xc];
	s15 =	simm.s32 $0x200  }
0x25: {  	[tilespmem:s15], [sflag:$0x9] =	stream.linear.gather [hbm4b:s20+s4], $0x50, $0x38;
	[tilespmem:$0x1E400] =	vst v63  }
0x26: {  	s20 =	rddreg [dreg:$0xd]  }
0x27: {  	[tilespmem:s18], [sflag:$0xA] =	stream.linear.gather [hbm4b:s20+s4], $0x50, $0x38;
	[tilespmem:$0x1E400] =	vst v63  }
0x28: {  	s20 =	rddreg [dreg:$0xe]  }
0x29: {  	[tilespmem:s17], [sflag:$0xA] =	stream.linear.gather [hbm4b:s20+s4], $0x50, $0x38;
	[tilespmem:$0x1E400] =	vst v63  }
0x2a: {  	s20 =	rddreg [dreg:$0xf]  }
0x2b: {  	s1 =	rddreg [dreg:$0xa];
	s20 =	sshrl.u32 s20, $0x3  }
0x2c: {  	[dreg:$0x15] =	wrdreg s20  }
0x2d: {  	[spmem:s20], [sflag:s13] =	dma.local [hbm:s1], $0x2800  }
0x2e: {  	_ =	swait.ge [sflag:s16], $0x2800  }
0x2f: {  	[sflag:s16] =	ssyncset.done $0x0  }
0x30: {  	[sflag:s16] =	ssyncadd.s32 $0xFFFFD800  }
0x31: {  	_ =	swait.ge [sflag:s21], $0x50  }
0x32: {  	[sflag:s21] =	ssyncset.done $0x0  }
0x33: {  	[sflag:s21] =	ssyncadd.s32 $0xFFFFFFB0  }
0x34: {  	_ =	swait.ge [sflag:s21], $0x50  }
0x35: {  	[sflag:s21] =	ssyncset.done $0x0  }
0x36: {  	s16 =	simm.s32 $0x400;
	[sflag:s21] =	ssyncadd.s32 $0xFFFFFFB0  }
0x37: {  	[tilespmem:s16], [sflag:$0x1] =	stream.indirect.gather [hbm4b:s5+s22], $0x80, s4, s22, $0xb8;
	[tilespmem:$0x1E400] =	vst v63  }
0x38: {  	[bflag:$0x0] =	sbarrier.arrive $0xFFFF  }
0x39: {  	_ =	swait.ge [sflag:s24], $0x2800  }
0x3a: {  	p0 =	por $0x1, $0x1;
	[sflag:s24] =	ssyncset.done $0x0  }
0x3b: {  	s13 =	simm.s32 @!p0 $0x7;
	[sflag:s24] =	ssyncadd.s32 $0xFFFFD800  }
0x3c: {  	[spmem:s2] =	stream.indirect.scatter.add.f32 [tilespmem:s16], [sflag:$0x5], $0x80, s15, s22, $0xb8;
	[tilespmem:$0x1E400] =	vst v63  }
0x3d: {  	_ =	swait.ge @!p0 [sflag:s13], $0x2800  }
0x3e: {  	s20 =	rddreg [dreg:$0x9];
	[sflag:s13] =	ssyncset.done @!p0 $0x0  }
0x3f: {  	s1 =	rddreg [dreg:$0x8];
	[sflag:s13] =	ssyncadd.s32 @!p0 $0xFFFFD800;
	s16 =	sadd.s32 $0x0, s20  }
0x40: {  	[tilespmem:s25], [sflag:$0xB] =	stream.linear.gather [hbm4b:s16+s4], $0x50, $0x38;
	[tilespmem:$0x1E400] =	vst v63  }
0x41: {  	s20 =	sadd.s32 $0x0, s1  }
0x42: {  	[tilespmem:s26], [sflag:$0xB] =	stream.linear.gather [hbm4b:s20+s4], $0x50, $0x38;
	[tilespmem:$0x1E400] =	vst v63  }
0x43: {  	_ =	swait.ge [sflag:s28], $0x50  }
0x44: {  	[sflag:s28] =	ssyncset.done $0x0  }
0x45: {  	[sflag:s28] =	ssyncadd.s32 $0xFFFFFFB0  }
0x46: {  	_ =	swait.ge [sflag:s28], $0x50  }
0x47: {  	[sflag:s28] =	ssyncset.done $0x0  }
0x48: {  	[sflag:s28] =	ssyncadd.s32 $0xFFFFFFB0  }
0x49: {  	[tilespmem:s29], [sflag:$0x2] =	stream.indirect.gather [hbm4b:s5+s22], $0x80, s18, s22, $0xb8;
	[tilespmem:$0x1E400] =	vst v63  }
0x4a: {  	_ =	swait.ge [sflag:s30], $0x2800  }
0x4b: {  	[sflag:s30] =	ssyncset.done $0x0  }
0x4c: {  	s13 =	simm.s32 @!p0 $0x8;
	[sflag:s30] =	ssyncadd.s32 $0xFFFFD800  }
0x4d: {  	[spmem:s2] =	stream.indirect.scatter.add.f32 [tilespmem:s29], [sflag:$0x6], $0x80, s17, s22, $0xb8;
	[tilespmem:$0x1E400] =	vst v63  }
0x4e: {  	_ =	swait.ge @!p0 [sflag:s13], $0x2800  }
0x4f: {  	s1 =	rddreg [dreg:$0x7];
	[sflag:s13] =	ssyncset.done @!p0 $0x0  }
0x50: {  	s17 =	rddreg [dreg:$0x6];
	[sflag:s13] =	ssyncadd.s32 @!p0 $0xFFFFD800;
	s1 =	sadd.s32 $0x0, s1  }
0x51: {  	[tilespmem:s31], [sflag:$0xC] =	stream.linear.gather [hbm4b:s1+s4], $0x50, $0x38;
	[tilespmem:$0x1E400] =	vst v63  }
0x52: {  	s16 =	sadd.s32 $0x0, s17  }
0x53: {  	[tilespmem:s0], [sflag:$0xC] =	stream.linear.gather [hbm4b:s16+s4], $0x50, $0x38;
	[tilespmem:$0x1E400] =	vst v63  }
0x54: {  	_ =	swait.ge [sflag:s3], $0x50  }
0x55: {  	[sflag:s3] =	ssyncset.done $0x0  }
0x56: {  	[sflag:s3] =	ssyncadd.s32 $0xFFFFFFB0  }
0x57: {  	_ =	swait.ge [sflag:s3], $0x50  }
0x58: {  	[sflag:s3] =	ssyncset.done $0x0  }
0x59: {  	[sflag:s3] =	ssyncadd.s32 $0xFFFFFFB0  }
0x5a: {  	[tilespmem:s7], [sflag:$0x3] =	stream.indirect.gather [hbm4b:s5+s22], $0x80, s25, s22, $0xb8;
	[tilespmem:$0x1E400] =	vst v63  }
0x5b: {  	_ =	swait.ge [sflag:s8], $0x2800  }
0x5c: {  	[sflag:s8] =	ssyncset.done $0x0  }
0x5d: {  	[sflag:s8] =	ssyncadd.s32 $0xFFFFD800  }
0x5e: {  	[spmem:s2] =	stream.indirect.scatter.add.f32 [tilespmem:s7], [sflag:$0x7], $0x80, s26, s22, $0xb8;
	[tilespmem:$0x1E400] =	vst v63  }
0x5f: {  	_ =	swait.ge [sflag:s9], $0x2800  }
0x60: {  	s1 =	rddreg [dreg:$0x13]  }
0x61: {  	[sflag:s9] =	ssyncset.done $0x0;
	s17 =	sshrl.u32 s1, $0x3  }
0x62: {  	[sflag:s9] =	ssyncadd.s32 $0xFFFFD800;
	s20 =	sadd.s32 s19, s17  }
0x63: {  	[tilespmem:s4], [sflag:$0x9] =	stream.linear.gather [hbm4b:s20+s4], $0x50, $0x38;
	[tilespmem:$0x1E400] =	vst v63  }
0x64: {  	s13 =	sadd.s32 s6, s17  }
0x65: {  	[tilespmem:s15], [sflag:$0x9] =	stream.linear.gather [hbm4b:s13+s4], $0x50, $0x38;
	[tilespmem:$0x1E400] =	vst v63  }
0x66: {  	_ =	swait.ge [sflag:s10], $0x50  }
0x67: {  	[sflag:s10] =	ssyncset.done $0x0  }
0x68: {  	[sflag:s10] =	ssyncadd.s32 $0xFFFFFFB0  }
0x69: {  	_ =	swait.ge [sflag:s10], $0x50  }
0x6a: {  	[sflag:s10] =	ssyncset.done $0x0  }
0x6b: {  	[sflag:s10] =	ssyncadd.s32 $0xFFFFFFB0  }
0x6c: {  	[tilespmem:s11], [sflag:$0x4] =	stream.indirect.gather [hbm4b:s5+s22], $0x80, s31, s22, $0xb8;
	[tilespmem:$0x1E400] =	vst v63  }
0x6d: {  	_ =	swait.ge [sflag:s12], $0x2800  }
0x6e: {  	[sflag:s12] =	ssyncset.done $0x0  }
0x6f: {  	p0 =	por $0x0, $0x0;
	[sflag:s12] =	ssyncadd.s32 $0xFFFFD800  }
0x70: {  	[spmem:s2] =	stream.indirect.scatter.add.f32 [tilespmem:s11], [sflag:$0x8], $0x80, s0, s22, $0xb8;
	[tilespmem:$0x1E400] =	vst v63  }
0x71: {  	s20 =	simm.s32 @!p0 $0x0;
	_ =	swait.ge [sflag:s14], $0x2800  }
0x72: {  	s15 =	simm.s32 @!p0 $0x80;
	s13 =	rddreg [dreg:$0x5];
	[sflag:s14] =	ssyncset.done $0x0  }
0x73: {  	s16 =	rddreg [dreg:$0x4];
	[sflag:s14] =	ssyncadd.s32 $0xFFFFD800;
	s13 =	sadd.s32 @!p0 $0x0, s13  }
0x74: {  	[tilespmem:s15], [sflag:$0xA] =	stream.linear.gather @!p0 [hbm4b:s13+s20], $0x50, $0x38;
	[tilespmem:$0x1E400] =	vst v63  }
0x75: {  	s13 =	sadd.s32 @!p0 $0x0, s16;
	s15 =	simm.s32 @!p0 $0x280  }
0x76: {  	[tilespmem:s15], [sflag:$0xA] =	stream.linear.gather @!p0 [hbm4b:s13+s20], $0x50, $0x38;
	[tilespmem:$0x1E400] =	vst v63  }
0x77: {  	_ =	swait.ge [sflag:s21], $0x50  }
0x78: {  	[sflag:s21] =	ssyncset.done $0x0  }
0x79: {  	[sflag:s21] =	ssyncadd.s32 $0xFFFFFFB0  }
0x7a: {  	_ =	swait.ge [sflag:s21], $0x50  }
0x7b: {  	s16 =	simm.s32 $0x28;
	s20 =	smov.u32 s1;
	[sflag:s21] =	ssyncset.done $0x0  }
.LBB2_2:
0x7c: {  	[sflag:s21] =	ssyncadd.s32 $0xFFFFFFB0;
	s1 =	simm.s32 $0x400  }
0x7d: {  	[tilespmem:s1], [sflag:$0x1] =	stream.indirect.gather [hbm4b:s5+s22], $0x80, s4, s22, $0xb8;
	[tilespmem:$0x1E400] =	vst v63  }
0x7e: {  	s13 =	smov.u32 s16;
	_ =	swait.ge [sflag:s24], $0x2800  }
0x7f: {  	p1 =	seq.s32 s13, $0x0;
	[sflag:s24] =	ssyncset.done $0x0  }
0x80: {  	s17 =	simm.s32 $0x200;
	s15 =	simm.s32 @!p1 $0x7;
	[sflag:s24] =	ssyncadd.s32 $0xFFFFD800  }
0x81: {  	[spmem:s2] =	stream.indirect.scatter.add.f32 [tilespmem:s1], [sflag:$0x5], $0x80, s17, s22, $0xb8;
	[tilespmem:$0x1E400] =	vst v63  }
0x82: {  	_ =	swait.ge @!p1 [sflag:s15], $0x2800  }
0x83: {  	[sflag:s15] =	ssyncset.done @!p1 $0x0;
	s1 =	rddreg [dreg:$0x9]  }
0x84: {  	[sflag:s15] =	ssyncadd.s32 @!p1 $0xFFFFD800;
	s15 =	rddreg [dreg:$0x8];
	s1 =	sadd.s32 s13, s1  }
0x85: {  	[tilespmem:s25], [sflag:$0xB] =	stream.linear.gather [hbm4b:s1+s4], $0x50, $0x38;
	[tilespmem:$0x1E400] =	vst v63  }
0x86: {  	s15 =	sadd.s32 s13, s15  }
0x87: {  	[tilespmem:s26], [sflag:$0xB] =	stream.linear.gather [hbm4b:s15+s4], $0x50, $0x38;
	[tilespmem:$0x1E400] =	vst v63  }
0x88: {  	_ =	swait.ge [sflag:s28], $0x50  }
0x89: {  	[sflag:s28] =	ssyncset.done $0x0  }
0x8a: {  	[sflag:s28] =	ssyncadd.s32 $0xFFFFFFB0  }
0x8b: {  	_ =	swait.ge [sflag:s28], $0x50  }
0x8c: {  	[sflag:s28] =	ssyncset.done $0x0  }
0x8d: {  	[sflag:s28] =	ssyncadd.s32 $0xFFFFFFB0  }
0x8e: {  	[tilespmem:s29], [sflag:$0x2] =	stream.indirect.gather [hbm4b:s5+s22], $0x80, s18, s22, $0xb8;
	[tilespmem:$0x1E400] =	vst v63  }
0x8f: {  	_ =	swait.ge [sflag:s30], $0x2800  }
0x90: {  	[sflag:s30] =	ssyncset.done $0x0  }
0x91: {  	s1 =	simm.s32 @!p1 $0x8;
	s18 =	simm.s32 $0x280;
	[sflag:s30] =	ssyncadd.s32 $0xFFFFD800  }
0x92: {  	[spmem:s2] =	stream.indirect.scatter.add.f32 [tilespmem:s29], [sflag:$0x6], $0x80, s18, s22, $0xb8;
	[tilespmem:$0x1E400] =	vst v63  }
0x93: {  	_ =	swait.ge @!p1 [sflag:s1], $0x2800  }
0x94: {  	s15 =	rddreg [dreg:$0x7];
	[sflag:s1] =	ssyncset.done @!p1 $0x0  }
0x95: {  	s18 =	rddreg [dreg:$0x6];
	[sflag:s1] =	ssyncadd.s32 @!p1 $0xFFFFD800;
	s15 =	sadd.s32 s13, s15  }
0x96: {  	[tilespmem:s31], [sflag:$0xC] =	stream.linear.gather [hbm4b:s15+s4], $0x50, $0x38;
	[tilespmem:$0x1E400] =	vst v63  }
0x97: {  	s18 =	sadd.s32 s13, s18  }
0x98: {  	[tilespmem:s0], [sflag:$0xC] =	stream.linear.gather [hbm4b:s18+s4], $0x50, $0x38;
	[tilespmem:$0x1E400] =	vst v63  }
0x99: {  	_ =	swait.ge [sflag:s3], $0x50  }
0x9a: {  	[sflag:s3] =	ssyncset.done $0x0  }
0x9b: {  	[sflag:s3] =	ssyncadd.s32 $0xFFFFFFB0  }
0x9c: {  	_ =	swait.ge [sflag:s3], $0x50  }
0x9d: {  	[sflag:s3] =	ssyncset.done $0x0  }
0x9e: {  	[sflag:s3] =	ssyncadd.s32 $0xFFFFFFB0  }
0x9f: {  	[tilespmem:s7], [sflag:$0x3] =	stream.indirect.gather [hbm4b:s5+s22], $0x80, s25, s22, $0xb8;
	[tilespmem:$0x1E400] =	vst v63  }
0xa0: {  	_ =	swait.ge [sflag:s8], $0x2800  }
0xa1: {  	[sflag:s8] =	ssyncset.done $0x0  }
0xa2: {  	[sflag:s8] =	ssyncadd.s32 $0xFFFFD800  }
0xa3: {  	[spmem:s2] =	stream.indirect.scatter.add.f32 [tilespmem:s7], [sflag:$0x7], $0x80, s26, s22, $0xb8;
	[tilespmem:$0x1E400] =	vst v63  }
0xa4: {  	s20 =	sadd.s32 $0x140, s20;
	_ =	swait.ge [sflag:s9], $0x2800  }
0xa5: {  	s15 =	sshrl.u32 s20, $0x3;
	[sflag:s9] =	ssyncset.done $0x0  }
0xa6: {  	s18 =	sadd.s32 s19, s15;
	[sflag:s9] =	ssyncadd.s32 $0xFFFFD800  }
0xa7: {  	[tilespmem:s4], [sflag:$0x9] =	stream.linear.gather [hbm4b:s18+s4], $0x50, $0x38;
	[tilespmem:$0x1E400] =	vst v63  }
0xa8: {  	s1 =	sadd.s32 s6, s15  }
0xa9: {  	[tilespmem:s17], [sflag:$0x9] =	stream.linear.gather [hbm4b:s1+s4], $0x50, $0x38;
	[tilespmem:$0x1E400] =	vst v63  }
0xaa: {  	_ =	swait.ge [sflag:s10], $0x50  }
0xab: {  	[sflag:s10] =	ssyncset.done $0x0  }
0xac: {  	[sflag:s10] =	ssyncadd.s32 $0xFFFFFFB0  }
0xad: {  	_ =	swait.ge [sflag:s10], $0x50  }
0xae: {  	[sflag:s10] =	ssyncset.done $0x0  }
0xaf: {  	[sflag:s10] =	ssyncadd.s32 $0xFFFFFFB0  }
0xb0: {  	[tilespmem:s11], [sflag:$0x4] =	stream.indirect.gather [hbm4b:s5+s22], $0x80, s31, s22, $0xb8;
	[tilespmem:$0x1E400] =	vst v63  }
0xb1: {  	_ =	swait.ge [sflag:s12], $0x2800  }
0xb2: {  	[sflag:s12] =	ssyncset.done $0x0  }
0xb3: {  	p1 =	seq.s32 s13, $0x4B0;
	[sflag:s12] =	ssyncadd.s32 $0xFFFFD800  }
0xb4: {  	[spmem:s2] =	stream.indirect.scatter.add.f32 [tilespmem:s11], [sflag:$0x8], $0x80, s0, s22, $0xb8;
	[tilespmem:$0x1E400] =	vst v63  }
0xb5: {  	s16 =	sadd.s32 $0x28, s16;
	s18 =	simm.s32 @!p1 $0x0;
	_ =	swait.ge [sflag:s14], $0x2800  }
0xb6: {  	s17 =	simm.s32 @!p1 $0x80;
	s1 =	rddreg [dreg:$0x5];
	[sflag:s14] =	ssyncset.done $0x0  }
0xb7: {  	s15 =	rddreg [dreg:$0x4];
	[sflag:s14] =	ssyncadd.s32 $0xFFFFD800;
	s1 =	sadd.s32 @!p1 s13, s1  }
0xb8: {  	[tilespmem:s17], [sflag:$0xA] =	stream.linear.gather @!p1 [hbm4b:s1+s18], $0x50, $0x38;
	[tilespmem:$0x1E400] =	vst v63  }
0xb9: {  	p0 =	sne.s32 s16, $0x4D8;
	s1 =	sadd.s32 @!p1 s13, s15;
	s13 =	simm.s32 @!p1 $0x280  }
0xba: {  	[tilespmem:s13], [sflag:$0xA] =	stream.linear.gather @!p1 [hbm4b:s1+s18], $0x50, $0x38;
	[tilespmem:$0x1E400] =	vst v63  }
.Ltmp0:
0xbb: {  	_ =	swait.ge [sflag:s21], $0x50;
	(pc) =	sbr.rel @p0 .LBB2_2-.Ltmp0, $4  }
0xbc: {  	[sflag:s21] =	ssyncset.done $0x0  }
0xbd: {  	[sflag:s21] =	ssyncadd.s32 $0xFFFFFFB0  }
0xbe: {  	_ =	swait.ge [sflag:s21], $0x50  }
0xbf: {  	s18 =	simm.s32 $0x80;
	[sflag:s21] =	ssyncset.done $0x0  }
0xc0: {  	[sflag:s21] =	ssyncadd.s32 $0xFFFFFFB0;
	s1 =	simm.s32 $0x400  }
0xc1: {  	[tilespmem:s1], [sflag:$0x1] =	stream.indirect.gather [hbm4b:s5+s22], $0x80, s4, s22, $0xb8;
	[tilespmem:$0x1E400] =	vst v63  }
0xc2: {  	_ =	swait.ge [sflag:s24], $0x2800  }
0xc3: {  	[sflag:s24] =	ssyncset.done $0x0  }
0xc4: {  	[sflag:s24] =	ssyncadd.s32 $0xFFFFD800  }
0xc5: {  	[spmem:s2] =	stream.indirect.scatter.add.f32 [tilespmem:s1], [sflag:$0x5], $0x80, s23, s22, $0xb8;
	[tilespmem:$0x1E400] =	vst v63  }
0xc6: {  	_ =	swait.ge [sflag:s9], $0x2800  }
0xc7: {  	[sflag:s9] =	ssyncset.done $0x0  }
0xc8: {  	s13 =	simm.s32 $0x7;
	[sflag:s9] =	ssyncadd.s32 $0xFFFFD800  }
0xc9: {  	_ =	swait.ge [sflag:s13], $0x2800  }
0xca: {  	[sflag:s13] =	ssyncset.done $0x0  }
0xcb: {  	s15 =	simm.s32 $0x8;
	[sflag:s13] =	ssyncadd.s32 $0xFFFFD800  }
0xcc: {  	_ =	swait.ge [sflag:s15], $0x2800  }
0xcd: {  	[sflag:s15] =	ssyncset.done $0x0  }
0xce: {  	[sflag:s15] =	ssyncadd.s32 $0xFFFFD800  }
0xcf: {  	[bflag:$0x0] =	sbarrier.arrive $0xFFFF  }
0xd0: {  	s13 =	rddreg [dreg:$0x10]  }
0xd1: {  	s16 =	rddreg [dreg:$0x11]  }
0xd2: {  	s15 =	rddreg [dreg:$0x15]  }
0xd3: {  	[hbm:s16], [sflag:s13] =	dma.local [spmem:s15], $0x2800  }
0xd4: {  	s16 =	simm.s32 $0xD  }
0xd5: {  	_ =	swait.ge [sflag:s16], $0x2800  }
0xd6: {  	s17 =	rddreg [dreg:$0x14]  }
0xd7: {  	s20 =	rddreg [dreg:$0x12];
	s15 =	sadd.s32 $0x1, s17  }
0xd8: {  	p0 =	sne.s32 s15, s20  }
.Ltmp1:
0xd9: {  	_ = 	snop;
	(pc) =	sbr.rel @p0 .LBB2_1-.Ltmp1, $3  }
0xda: {  	_ =	sdelay $0x1  }
0xdb: {  	[sflag:s16] =	ssyncset.done $0x0  }
0xdc: {  	[sflag:s16] =	ssyncadd.s32 $0xFFFFD800;
	s17 =	simm.s32 $0x280  }
0xdd: {  	_ =	sfence.sel $0x180000  }
0xde: {  	[bflag:$0x0] =	sbarrier.arrive $0xFFFF  }
0xdf: {  	_ =	strace $0x9000004D  }
0xe0: {  	s0 =	stileid.u32;
	[bflag:$0x2] =	sbarrier.arrive $0xFFFF  }
0xe1: {  	p0 =	sne.s32 s0, $0x0;
	s0 =	rddreg [dreg:$0x3]  }
0xe2: {  	s0 =	sadd.s32 @!p0 $0x100000, s0  }
0xe3: {  	[sflag:s0] =	ssyncadd.tile.s32 @!p0 $0x1;
	_ =	shalt  }
.Lfunc_end2:
_tile_overlayer_lowered:
.L_overlay_start_2:
0xe4: {  	(tag) =	ssettag $0x2  }
0xe5: {  	s0 =	rddreg [dreg:$0x0];
	s2 =	stileid.u32  }
0xe6: {  	s1 =	rddreg [dreg:$0x1];
	p0 =	sne.s32 s2, $0x0  }
0xe7: {  	s3 =	rddreg [dreg:$0x2];
	[bflag:$0x3] =	sbarrier.arrive $0xFFFF;
	s2 =	simm.s32 @!p0 $0x1C0D  }
0xe8: {  	[timem:s3], [sflag:s2] =	dma.local @!p0 [hbm:s0], s1  }
0xe9: {  	s0 =	simm.s32 @!p0 $0xD  }
0xea: {  	_ =	swait.ge @!p0 [sflag:s0], s1  }
0xeb: {  	s1 =	ssub.s32 @!p0 $0x0, s1;
	[sflag:s0] =	ssyncset.done @!p0 $0x0  }
0xec: {  	[sflag:s0] =	ssyncadd.s32 @!p0 s1  }
0xed: {  	[bflag:$0x3] =	sbarrier.arrive $0xFFFF  }
0xee: {  	_ =	shalt  }

// kernel: kernel.20.cloned.1.call-start
scs
__scs_entry_jumppad:
0x0: {  	(pc) =	sbr.rel $0x88, $3  }
0x1: {  	(tag) =	ssettag $0x0;
	lr =	simm.s32 $0x1  }
0x2: {  	[smem:$0x3F90] =	sst lr;
	_ =	strace $0xD0000000  }
0x3: {  	_ = 	snop  }
0x4: {  	_ = 	snop  }
0x5: {  	_ = 	snop  }
0x6: {  	_ = 	snop  }
0x7: {  	_ = 	snop  }
__scs_overlays_trampoline_lowered:
0x8: {  	[smem:$0x3F9F] =	sst s0  }
0x9: {  	[smem:$0x3FA0] =	sst s1  }
0xa: {  	[smem:$0x3FA1] =	sst s2  }
0xb: {  	[smem:$0x3FA2] =	sst s3  }
0xc: {  	[smem:$0x3FA3] =	sst s4  }
0xd: {  	[smem:$0x3FA4] =	sst s5  }
0xe: {  	[smem:$0x3FA5] =	sst s6  }
0xf: {  	[smem:$0x3FA6] =	sst s7  }
0x10: {  	[smem:$0x3FA7] =	sst s8  }
0x11: {  	[smem:$0x3FA8] =	sst s9;
	s0 =	simm.s32 @!p0 $0x0  }
0x12: {  	s1 =	sld [smem:$0x3F8E];
	s0 =	simm.s32 @p0 $0x1  }
0x13: {  	[smem:$0x3FA9] =	sst s0;
	s0 =	simm.s32 @!p1 $0x0  }
0x14: {  	s2 =	sld [smem:$0x3F8D];
	s0 =	simm.s32 @p1 $0x1  }
0x15: {  	[smem:$0x3FAA] =	sst s0;
	s0 =	simm.s32 @!p2 $0x0  }
0x16: {  	s3 =	sld [smem:$0x3FDB];
	s0 =	simm.s32 @p2 $0x1  }
0x17: {  	s4 =	simm.s32 $0x1BF5;
	[smem:$0x3FAC] =	sst s0  }
0x18: {  	s0 =	sld [smem:$0x3F8F];
	_ =	swait.ge [sflag:s4], $0x0  }
0x19: {  	s7 =	sld [smem:$0x3F90]  }
0x1a: {  	s8 =	sadd.s32 $0xFFFFE003, lr  }
0x1b: {  	s9 =	sadd.s32 $0xFFFFFEF7, lr;
	s5 =	simm.s32 $0xFFFFFFFF;
	p2 =	slt.u32 s8, $0xFFFFF086  }
0x1c: {  	p1 =	slt.u32 s9, $0xF7A;
	s5 =	simm.s32 @!p2 $0x0  }
0x1d: {  	s5 =	simm.s32 @p1 $0x1;
	p0 =	seq.s32 s7, s2  }
0x1e: {  	s7 =	smul.u32 @!p0 $0xF7A, s2;
	p2 =	seq.s32 @!p0 s5, $0x0  }
0x1f: {  	s9 =	smul.u32 $0xF7A, s1;
	s8 =	simm.s32 @!p0 $0x1BF5;
	p2 =	por !p2, p0  }
0x20: {  	[sflag:s8] =	ssyncset.s32 @!p0 $0xFFFFF086;
	s6 =	sadd.s32 @!p0 s3, s7;
	s7 =	simm.s32 @!p0 $0x108  }
0x21: {  	s3 =	sadd.s32 s3, s9;
	s6 =	sadd.s32 @!p0 $0x88, s6;
	s7 =	simm.s32 @p2 $0x1082  }
0x22: {  	[simem:s7], [sflag:s8] =	dma.local @!p0 [hbm:s6], $0xF7A  }
0x23: {  	s9 =	sor.u32 $0xD0000000, s2;
	s6 =	simm.s32 $0x108;
	_ =	swait.ge @!p0 [sflag:s8], $0x0  }
0x24: {  	s3 =	sadd.s32 $0x88, s3;
	s6 =	simm.s32 @!p1 $0x1082;
	[sflag:s4] =	ssyncset.s32 $0xFFFFF086  }
0x25: {  	[simem:s6], [sflag:s4] =	dma.local [hbm:s3], $0xF7A  }
0x26: {  	[smem:$0x3F90] =	sst s1;
	(tag) =	ssettag s2;
	_ =	strace s9  }
0x27: {  	s1 =	sld [smem:$0x3FA0]  }
0x28: {  	s2 =	sld [smem:$0x3FA1]  }
0x29: {  	s4 =	sld [smem:$0x3FA3]  }
0x2a: {  	p0 =	seq.s32 s5, $0x0;
	s5 =	sld [smem:$0x3FA4]  }
0x2b: {  	s6 =	sld [smem:$0x3FA5]  }
0x2c: {  	s7 =	sld [smem:$0x3FA6]  }
0x2d: {  	s3 =	simm.s32 $0x108;
	s8 =	sld [smem:$0x3FA7]  }
0x2e: {  	s3 =	simm.s32 @!p0 $0x1082;
	s9 =	sld [smem:$0x3FA8]  }
0x2f: {  	lr =	sadd.s32 s0, s3;
	s0 =	sld [smem:$0x3F9F]  }
0x30: {  	s3 =	sld [smem:$0x3FA2]  }
0x31: {  	[smem:$0x3FAB] =	sst s10  }
0x32: {  	s10 =	sld [smem:$0x3FA9];
	_ =	sdelay $0x3  }
0x33: {  	p0 =	seq.s32 s10, $0x1;
	s10 =	sld [smem:$0x3FAB];
	_ =	sdelay $0x3  }
0x34: {  	[smem:$0x3FAB] =	sst s10  }
0x35: {  	s10 =	sld [smem:$0x3FAA];
	_ =	sdelay $0x3  }
0x36: {  	p1 =	seq.s32 s10, $0x1;
	s10 =	sld [smem:$0x3FAB];
	_ =	sdelay $0x3  }
0x37: {  	[smem:$0x3FAB] =	sst s10  }
0x38: {  	s10 =	sld [smem:$0x3FAC]  }
0x39: {  	_ = 	snop;
	(pc) =	sbr.ind lr, $3  }
0x3a: {  	_ = 	snop  }
0x3b: {  	_ = 	snop  }
0x3c: {  	p2 =	seq.s32 s10, $0x1;
	s10 =	sld [smem:$0x3FAB]  }
0x3d: {  	_ =	shalt  }
0x3e: {  	_ =	shalt  }
0x3f: {  	_ =	shalt  }
0x40: {  	_ =	shalt  }
0x41: {  	_ =	shalt  }
0x42: {  	_ =	shalt  }
0x43: {  	_ =	shalt  }
0x44: {  	_ =	shalt  }
0x45: {  	_ =	shalt  }
0x46: {  	_ =	shalt  }
0x47: {  	_ =	shalt  }
0x48: {  	_ =	shalt  }
0x49: {  	_ =	shalt  }
0x4a: {  	_ =	shalt  }
0x4b: {  	_ =	shalt  }
0x4c: {  	_ =	shalt  }
0x4d: {  	_ =	shalt  }
0x4e: {  	_ =	shalt  }
0x4f: {  	_ =	shalt  }
0x50: {  	_ =	shalt  }
0x51: {  	_ =	shalt  }
0x52: {  	_ =	shalt  }
0x53: {  	_ =	shalt  }
0x54: {  	_ =	shalt  }
0x55: {  	_ =	shalt  }
0x56: {  	_ =	shalt  }
0x57: {  	_ =	shalt  }
0x58: {  	_ =	shalt  }
0x59: {  	_ =	shalt  }
0x5a: {  	_ =	shalt  }
0x5b: {  	_ =	shalt  }
0x5c: {  	_ =	shalt  }
0x5d: {  	_ =	shalt  }
0x5e: {  	_ =	shalt  }
0x5f: {  	_ =	shalt  }
0x60: {  	_ =	shalt  }
0x61: {  	_ =	shalt  }
0x62: {  	_ =	shalt  }
0x63: {  	_ =	shalt  }
0x64: {  	_ =	shalt  }
0x65: {  	_ =	shalt  }
0x66: {  	_ =	shalt  }
0x67: {  	_ =	shalt  }
0x68: {  	_ =	shalt  }
0x69: {  	_ =	shalt  }
0x6a: {  	_ =	shalt  }
0x6b: {  	_ =	shalt  }
0x6c: {  	_ =	shalt  }
0x6d: {  	_ =	shalt  }
0x6e: {  	_ =	shalt  }
0x6f: {  	_ =	shalt  }
0x70: {  	_ =	shalt  }
0x71: {  	_ =	shalt  }
0x72: {  	_ =	shalt  }
0x73: {  	_ =	shalt  }
0x74: {  	_ =	shalt  }
0x75: {  	_ =	shalt  }
0x76: {  	_ =	shalt  }
0x77: {  	_ =	shalt  }
0x78: {  	_ =	shalt  }
0x79: {  	_ =	shalt  }
0x7a: {  	_ =	shalt  }
0x7b: {  	_ =	shalt  }
0x7c: {  	_ =	shalt  }
0x7d: {  	_ =	shalt  }
0x7e: {  	_ =	shalt  }
0x7f: {  	_ =	shalt  }
0x80: {  	_ =	shalt  }
0x81: {  	_ =	shalt  }
0x82: {  	_ =	shalt  }
0x83: {  	_ =	shalt  }
0x84: {  	_ =	shalt  }
0x85: {  	_ =	shalt  }
0x86: {  	_ =	shalt  }
0x87: {  	_ =	shalt  }
.Lfunc_end0:
.L_simem_size_0:
called_computation.3_lowered:
.L_overlay_start_0:
0x88: {  	s2 =	sld [smem:$0x3FD9]  }
0x89: {  	s3 =	sld [smem:$0x3FFE];
	_ =	sdelay $0x1  }
0x8a: {  	s1 =	srdreg.scid  }
0x8b: {  	s0 =	sand.u32 $0x1, s1  }
0x8c: {  	s17 =	sshll.u32 s0, $0xA;
	s2 =	sadd.s32 s3, s2  }
0x8d: {  	s2 =	sadd.s32 s2, s17  }
0x8e: {  	[smem:$0x3FB7] =	sst s2  }
0x8f: {  	_ = 	snop  }
0x90: {  	s2 =	sld [smem:$0x3FD0];
	(tm) =	ssettm $0x1  }
0x91: {  	s18 =	sld [smem:$0x3FFB];
	_ =	sdelay $0x3  }
0x92: {  	_ =	strace s18  }
0x93: {  	s3 =	sld [smem:$0x3FFC];
	_ =	sdelay $0x3  }
0x94: {  	_ =	strace s3  }
0x95: {  	s3 =	sld [smem:$0x3FFD];
	_ =	sdelay $0x3  }
0x96: {  	_ =	strace s3  }
0x97: {  	_ =	strace $0x8FFFFFFF  }
0x98: {  	s19 =	sld [smem:$0x3FDB];
	_ =	sdelay $0x1  }
0x99: {  	s4 =	simm.s32 $_scs_section_size  }
0x9a: {  	s5 =	simm.s32 $_size__tile_overlayer_lowered;
	s6 =	simm.s32 $_tile_overlayer_lowered  }
0x9b: {  	s22 =	simm.s32 $0x1BFF;
	s21 =	sshll.u32 s6, $0x1;
	s3 =	sadd.s32 s4, s19  }
0x9c: {  	s7 =	simm.s32 $0x0;
	s20 =	sshll.u32 s5, $0x1;
	s5 =	sadd.s32 s21, s3  }
0x9d: {  	[timem:s7], [sflag:s22] =	dma.local [hbm:s5], s20  }
0x9e: {  	_ =	swait.ge [sflag:s22], s20  }
0x9f: {  	s4 =	ssub.s32 $0x0, s20;
	[sflag:s22] =	ssyncset.done $0x0  }
0xa0: {  	[sflag:s22] =	ssyncadd.s32 s4;
	_ =	sdelay $0x1  }
0xa1: {  	s23 =	simm.s32 $0x1B8B  }
0xa2: {  	_ =	swait.ge [sflag:s23], $0x1  }
0xa3: {  	[sflag:s23] =	ssyncset.done $0x0  }
0xa4: {  	s25 =	simm.s32 $0x1B8E;
	s24 =	sld [smem:$0x3FFE];
	[sflag:s23] =	ssyncadd.s32 $0xFFFFFFFF  }
0xa5: {  	s26 =	simm.s32 $execute0_lowered;
	[smem:$0x3FD2] =	sst s25  }
0xa6: {  	s5 =	sshll.u32 s26, $0x1;
	_ =	strace $0x8000004F;
	[dreg:$0x1] =	wrdreg $0xFFFFFFFF  }
0xa7: {  	s28 =	simm.s32 $_size_execute0_lowered;
	s3 =	sadd.s32 s3, s5;
	[dreg:$0x0] =	wrdreg $0x0  }
0xa8: {  	s5 =	sshll.u32 s28, $0x1;
	[dreg:$0x2] =	wrdreg s3  }
0xa9: {  	[dreg:$0x3] =	wrdreg s5  }
0xaa: {  	[dreg:$0x4] =	wrdreg $0xC0  }
0xab: {  	_ =	task [dreg:s7], $0x5FFFF  }
0xac: {  	[dreg:$0x1] =	wrdreg $0xFFFFFFFF  }
0xad: {  	[dreg:$0x0] =	wrdreg $0x60  }
0xae: {  	[dreg:$0x2] =	wrdreg s24  }
0xaf: {  	[dreg:$0x3] =	wrdreg s2  }
0xb0: {  	[dreg:$0x4] =	wrdreg $0xA4000  }
0xb1: {  	[dreg:$0x5] =	wrdreg $0x9  }
0xb2: {  	_ =	task.clear_ibuf [dreg:s7], $0x6FFFF;
	_ =	strace $0x9000004F  }
0xb3: {  	s29 =	simm.s32 $0x9;
	_ =	strace $0x80000051  }
0xb4: {  	_ =	swait.ge [sflag:s29], $0x1  }
0xb5: {  	[sflag:s29] =	ssyncadd.s32 $0xFFFFFFFF  }
0xb6: {  	_ =	strace $0x90000051  }
0xb7: {  	_ =	sfence  }
0xb8: {  	s30 =	sld [smem:$0x0];
	_ =	sdelay $0x2  }
0xb9: {  	s31 =	sshll.u32 s1, $0xD;
	s1 =	sshrl.u32 s1, $0x2  }
0xba: {  	s3 =	sand.u32 $0x4000, s31;
	s1 =	sadd.s32 s1, s30  }
0xbb: {  	s0 =	sor.u32 s3, s0;
	s1 =	sshll.u32 s1, $0x11  }
0xbc: {  	s0 =	sor.u32 s1, s0  }
0xbd: {  	s0 =	sadd.s32 $0x8F2B, s0  }
0xbe: {  	[sflag:s0] =	ssyncadd.remote.s32 $0x1  }
0xbf: {  	_ =	sfence.sel $0xFFFF  }
0xc0: {  	[dreg:$0x0] =	wrdreg $0xFFFFFFFF;
	(pc) =	sbr.abs _section_cstart, $3  }
0xc1: {  	[dreg:$0x1] =	wrdreg $0xFFFFFFFF  }
0xc2: {  	_ =	task.clear_ibuf [dreg:s7], $0x2FFFF;
	_ =	strace $0x9FFFFFFF  }
0xc3: {  	(tm) =	ssettm $0x7FFFFFFF  }
tec
execute0_lowered:
.L_overlay_start_1:
0x0: {  	(tag) =	ssettag $0x1  }
0x1: {  	s0 =	rddreg [dreg:$0x0]  }
0x2: {  	s19 =	rddreg [dreg:$0x1]  }
0x3: {  	s2 =	rddreg [dreg:$0x2];
	s3 =	srdreg.scid  }
0x4: {  	s4 =	simm.s32 $0x0;
	s1 =	stileid.u32;
	s28 =	simm.s32 $0xA  }
0x5: {  	s29 =	simm.s32 $0x2C00;
	s30 =	simm.s32 $0x2;
	s7 =	smul.u32 $0x14000, s1  }
0x6: {  	s31 =	simm.s32 $0x180;
	s3 =	sand.u32 $0x1, s3;
	s22 =	smul.u32 $0x2710, s1  }
0x7: {  	[smem:$0x7FF] =	sst s4;
	s5 =	sadd.s32 $0x10C00, s0;
	s23 =	smul.u32 $0x50000, s1  }
0x8: {  	s9 =	sadd.s32 $0xE400, s0;
	s25 =	sshll.u32 s1, $0x6;
	s6 =	smul.u32 $0x140000, s3  }
0x9: {  	_ =	strace $0x80000050;
	s8 =	sshll.u32 s3, $0x4;
	[dreg:$0xa] =	wrdreg s9  }
0xa: {  	s18 =	ssub.s32 $0x2, s3;
	s3 =	smul.u32 $0x27100, s3;
	s13 =	sor.u32 $0x1C0D, s25  }
0xb: {  	s9 =	simm.s32 $0x5;
	s8 =	sor.u32 s1, s8;
	s20 =	sshrl.u32 s18, $0x1  }
0xc: {  	s24 =	sshrl.u32 s23, $0x2;
	[dreg:$0x10] =	wrdreg s13;
	s7 =	sadd.s32 s7, s6  }
0xd: {  	s6 =	sadd.s32 $0x4600, s0;
	s8 =	smul.u32 $0x2710, s8;
	s3 =	sadd.s32 s22, s3  }
0xe: {  	s7 =	sshrl.u32 s7, $0x3;
	s26 =	sadd.s32 $0x190, s3;
	s15 =	sadd.s32 $0xF0, s3  }
0xf: {  	s25 =	sadd.s32 $0x140, s3;
	s0 =	sadd.s32 s7, s0;
	s8 =	sshrl.u32 s8, $0x3  }
0x10: {  	s7 =	ssub.s32 s18, s20;
	s12 =	sshrl.u32 s26, $0x3;
	s17 =	sshrl.u32 s15, $0x3  }
0x11: {  	s20 =	sadd.s32 $0xA0, s3;
	[dreg:$0x13] =	wrdreg s25;
	s25 =	simm.s32 $0x100  }
0x12: {  	s3 =	simm.s32 $0xB;
	s15 =	simm.s32 $0x0;
	s21 =	sadd.s32 s19, s8  }
0x13: {  	s10 =	sadd.s32 s6, s8;
	s8 =	sadd.s32 $0xA, s8;
	[dreg:$0xb] =	wrdreg s21  }
0x14: {  	s0 =	sadd.s32 $0x37E00, s0;
	s14 =	sadd.s32 s12, s6;
	[dreg:$0xc] =	wrdreg s10  }
0x15: {  	s16 =	sadd.s32 s12, s19;
	s18 =	sadd.s32 s17, s6;
	[dreg:$0x11] =	wrdreg s0  }
0x16: {  	s22 =	sshrl.u32 s20, $0x3;
	s23 =	smax.u32 s7, $0x1;
	[dreg:$0x4] =	wrdreg s14  }
0x17: {  	s7 =	simm.s32 $0x5400;
	s12 =	simm.s32 $0x4;
	[dreg:$0x5] =	wrdreg s16  }
0x18: {  	s11 =	sadd.s32 s19, s8;
	s8 =	sadd.s32 s6, s8;
	[dreg:$0x6] =	wrdreg s18  }
0x19: {  	s21 =	sadd.s32 s17, s19;
	[dreg:$0x12] =	wrdreg s23;
	s26 =	sadd.s32 s22, s19  }
0x1a: {  	s18 =	simm.s32 $0x80;
	s17 =	simm.s32 $0x280;
	s16 =	simm.s32 $0xD  }
0x1b: {  	s0 =	simm.s32 $0x380;
	s10 =	simm.s32 $0xC;
	[dreg:$0xd] =	wrdreg s11  }
0x1c: {  	s14 =	simm.s32 $0x6;
	s23 =	simm.s32 $0x200;
	[dreg:$0xe] =	wrdreg s8  }
0x1d: {  	s11 =	sadd.s32 s24, s2;
	[dreg:$0x7] =	wrdreg s21;
	s24 =	sadd.s32 s22, s6  }
0x1e: {  	[dreg:$0x9] =	wrdreg s26;
	s21 =	simm.s32 $0x9;
	s22 =	simm.s32 $0x50  }
0x1f: {  	s26 =	simm.s32 $0x300;
	s8 =	simm.s32 $0x3;
	[dreg:$0xf] =	wrdreg s11  }
0x20: {  	[dreg:$0x8] =	wrdreg s24;
	s24 =	simm.s32 $0x1;
	s11 =	simm.s32 $0x7C00  }
.LBB2_1:
0x21: {  	[dreg:$0x14] =	wrdreg s15  }
0x22: {  	s1 =	rddreg [dreg:$0xb]  }
0x23: {  	[tilespmem:s4], [sflag:$0x9] =	stream.linear.gather [hbm4b:s1+s4], $0x50, $0x38;
	[tilespmem:$0x1E400] =	vst v63  }
0x24: {  	s20 =	rddreg [dreg:$0xc];
	s15 =	simm.s32 $0x200  }
0x25: {  	[tilespmem:s15], [sflag:$0x9] =	stream.linear.gather [hbm4b:s20+s4], $0x50, $0x38;
	[tilespmem:$0x1E400] =	vst v63  }
0x26: {  	s20 =	rddreg [dreg:$0xd]  }
0x27: {  	[tilespmem:s18], [sflag:$0xA] =	stream.linear.gather [hbm4b:s20+s4], $0x50, $0x38;
	[tilespmem:$0x1E400] =	vst v63  }
0x28: {  	s20 =	rddreg [dreg:$0xe]  }
0x29: {  	[tilespmem:s17], [sflag:$0xA] =	stream.linear.gather [hbm4b:s20+s4], $0x50, $0x38;
	[tilespmem:$0x1E400] =	vst v63  }
0x2a: {  	s20 =	rddreg [dreg:$0xf]  }
0x2b: {  	s1 =	rddreg [dreg:$0xa];
	s20 =	sshrl.u32 s20, $0x3  }
0x2c: {  	[dreg:$0x15] =	wrdreg s20  }
0x2d: {  	[spmem:s20], [sflag:s13] =	dma.local [hbm:s1], $0x2800  }
0x2e: {  	_ =	swait.ge [sflag:s16], $0x2800  }
0x2f: {  	[sflag:s16] =	ssyncset.done $0x0  }
0x30: {  	[sflag:s16] =	ssyncadd.s32 $0xFFFFD800  }
0x31: {  	_ =	swait.ge [sflag:s21], $0x50  }
0x32: {  	[sflag:s21] =	ssyncset.done $0x0  }
0x33: {  	[sflag:s21] =	ssyncadd.s32 $0xFFFFFFB0  }
0x34: {  	_ =	swait.ge [sflag:s21], $0x50  }
0x35: {  	[sflag:s21] =	ssyncset.done $0x0  }
0x36: {  	s16 =	simm.s32 $0x400;
	[sflag:s21] =	ssyncadd.s32 $0xFFFFFFB0  }
0x37: {  	[tilespmem:s16], [sflag:$0x1] =	stream.indirect.gather [hbm4b:s5+s22], $0x80, s4, s22, $0xb8;
	[tilespmem:$0x1E400] =	vst v63  }
0x38: {  	[bflag:$0x0] =	sbarrier.arrive $0xFFFF  }
0x39: {  	_ =	swait.ge [sflag:s24], $0x2800  }
0x3a: {  	p0 =	por $0x1, $0x1;
	[sflag:s24] =	ssyncset.done $0x0  }
0x3b: {  	s13 =	simm.s32 @!p0 $0x7;
	[sflag:s24] =	ssyncadd.s32 $0xFFFFD800  }
0x3c: {  	[spmem:s2] =	stream.indirect.scatter.add.f32 [tilespmem:s16], [sflag:$0x5], $0x80, s15, s22, $0xb8;
	[tilespmem:$0x1E400] =	vst v63  }
0x3d: {  	_ =	swait.ge @!p0 [sflag:s13], $0x2800  }
0x3e: {  	s20 =	rddreg [dreg:$0x9];
	[sflag:s13] =	ssyncset.done @!p0 $0x0  }
0x3f: {  	s1 =	rddreg [dreg:$0x8];
	[sflag:s13] =	ssyncadd.s32 @!p0 $0xFFFFD800;
	s16 =	sadd.s32 $0x0, s20  }
0x40: {  	[tilespmem:s25], [sflag:$0xB] =	stream.linear.gather [hbm4b:s16+s4], $0x50, $0x38;
	[tilespmem:$0x1E400] =	vst v63  }
0x41: {  	s20 =	sadd.s32 $0x0, s1  }
0x42: {  	[tilespmem:s26], [sflag:$0xB] =	stream.linear.gather [hbm4b:s20+s4], $0x50, $0x38;
	[tilespmem:$0x1E400] =	vst v63  }
0x43: {  	_ =	swait.ge [sflag:s28], $0x50  }
0x44: {  	[sflag:s28] =	ssyncset.done $0x0  }
0x45: {  	[sflag:s28] =	ssyncadd.s32 $0xFFFFFFB0  }
0x46: {  	_ =	swait.ge [sflag:s28], $0x50  }
0x47: {  	[sflag:s28] =	ssyncset.done $0x0  }
0x48: {  	[sflag:s28] =	ssyncadd.s32 $0xFFFFFFB0  }
0x49: {  	[tilespmem:s29], [sflag:$0x2] =	stream.indirect.gather [hbm4b:s5+s22], $0x80, s18, s22, $0xb8;
	[tilespmem:$0x1E400] =	vst v63  }
0x4a: {  	_ =	swait.ge [sflag:s30], $0x2800  }
0x4b: {  	[sflag:s30] =	ssyncset.done $0x0  }
0x4c: {  	s13 =	simm.s32 @!p0 $0x8;
	[sflag:s30] =	ssyncadd.s32 $0xFFFFD800  }
0x4d: {  	[spmem:s2] =	stream.indirect.scatter.add.f32 [tilespmem:s29], [sflag:$0x6], $0x80, s17, s22, $0xb8;
	[tilespmem:$0x1E400] =	vst v63  }
0x4e: {  	_ =	swait.ge @!p0 [sflag:s13], $0x2800  }
0x4f: {  	s1 =	rddreg [dreg:$0x7];
	[sflag:s13] =	ssyncset.done @!p0 $0x0  }
0x50: {  	s17 =	rddreg [dreg:$0x6];
	[sflag:s13] =	ssyncadd.s32 @!p0 $0xFFFFD800;
	s1 =	sadd.s32 $0x0, s1  }
0x51: {  	[tilespmem:s31], [sflag:$0xC] =	stream.linear.gather [hbm4b:s1+s4], $0x50, $0x38;
	[tilespmem:$0x1E400] =	vst v63  }
0x52: {  	s16 =	sadd.s32 $0x0, s17  }
0x53: {  	[tilespmem:s0], [sflag:$0xC] =	stream.linear.gather [hbm4b:s16+s4], $0x50, $0x38;
	[tilespmem:$0x1E400] =	vst v63  }
0x54: {  	_ =	swait.ge [sflag:s3], $0x50  }
0x55: {  	[sflag:s3] =	ssyncset.done $0x0  }
0x56: {  	[sflag:s3] =	ssyncadd.s32 $0xFFFFFFB0  }
0x57: {  	_ =	swait.ge [sflag:s3], $0x50  }
0x58: {  	[sflag:s3] =	ssyncset.done $0x0  }
0x59: {  	[sflag:s3] =	ssyncadd.s32 $0xFFFFFFB0  }
0x5a: {  	[tilespmem:s7], [sflag:$0x3] =	stream.indirect.gather [hbm4b:s5+s22], $0x80, s25, s22, $0xb8;
	[tilespmem:$0x1E400] =	vst v63  }
0x5b: {  	_ =	swait.ge [sflag:s8], $0x2800  }
0x5c: {  	[sflag:s8] =	ssyncset.done $0x0  }
0x5d: {  	[sflag:s8] =	ssyncadd.s32 $0xFFFFD800  }
0x5e: {  	[spmem:s2] =	stream.indirect.scatter.add.f32 [tilespmem:s7], [sflag:$0x7], $0x80, s26, s22, $0xb8;
	[tilespmem:$0x1E400] =	vst v63  }
0x5f: {  	_ =	swait.ge [sflag:s9], $0x2800  }
0x60: {  	s1 =	rddreg [dreg:$0x13]  }
0x61: {  	[sflag:s9] =	ssyncset.done $0x0;
	s17 =	sshrl.u32 s1, $0x3  }
0x62: {  	[sflag:s9] =	ssyncadd.s32 $0xFFFFD800;
	s20 =	sadd.s32 s19, s17  }
0x63: {  	[tilespmem:s4], [sflag:$0x9] =	stream.linear.gather [hbm4b:s20+s4], $0x50, $0x38;
	[tilespmem:$0x1E400] =	vst v63  }
0x64: {  	s13 =	sadd.s32 s6, s17  }
0x65: {  	[tilespmem:s15], [sflag:$0x9] =	stream.linear.gather [hbm4b:s13+s4], $0x50, $0x38;
	[tilespmem:$0x1E400] =	vst v63  }
0x66: {  	_ =	swait.ge [sflag:s10], $0x50  }
0x67: {  	[sflag:s10] =	ssyncset.done $0x0  }
0x68: {  	[sflag:s10] =	ssyncadd.s32 $0xFFFFFFB0  }
0x69: {  	_ =	swait.ge [sflag:s10], $0x50  }
0x6a: {  	[sflag:s10] =	ssyncset.done $0x0  }
0x6b: {  	[sflag:s10] =	ssyncadd.s32 $0xFFFFFFB0  }
0x6c: {  	[tilespmem:s11], [sflag:$0x4] =	stream.indirect.gather [hbm4b:s5+s22], $0x80, s31, s22, $0xb8;
	[tilespmem:$0x1E400] =	vst v63  }
0x6d: {  	_ =	swait.ge [sflag:s12], $0x2800  }
0x6e: {  	[sflag:s12] =	ssyncset.done $0x0  }
0x6f: {  	p0 =	por $0x0, $0x0;
	[sflag:s12] =	ssyncadd.s32 $0xFFFFD800  }
0x70: {  	[spmem:s2] =	stream.indirect.scatter.add.f32 [tilespmem:s11], [sflag:$0x8], $0x80, s0, s22, $0xb8;
	[tilespmem:$0x1E400] =	vst v63  }
0x71: {  	s20 =	simm.s32 @!p0 $0x0;
	_ =	swait.ge [sflag:s14], $0x2800  }
0x72: {  	s15 =	simm.s32 @!p0 $0x80;
	s13 =	rddreg [dreg:$0x5];
	[sflag:s14] =	ssyncset.done $0x0  }
0x73: {  	s16 =	rddreg [dreg:$0x4];
	[sflag:s14] =	ssyncadd.s32 $0xFFFFD800;
	s13 =	sadd.s32 @!p0 $0x0, s13  }
0x74: {  	[tilespmem:s15], [sflag:$0xA] =	stream.linear.gather @!p0 [hbm4b:s13+s20], $0x50, $0x38;
	[tilespmem:$0x1E400] =	vst v63  }
0x75: {  	s13 =	sadd.s32 @!p0 $0x0, s16;
	s15 =	simm.s32 @!p0 $0x280  }
0x76: {  	[tilespmem:s15], [sflag:$0xA] =	stream.linear.gather @!p0 [hbm4b:s13+s20], $0x50, $0x38;
	[tilespmem:$0x1E400] =	vst v63  }
0x77: {  	_ =	swait.ge [sflag:s21], $0x50  }
0x78: {  	[sflag:s21] =	ssyncset.done $0x0  }
0x79: {  	[sflag:s21] =	ssyncadd.s32 $0xFFFFFFB0  }
0x7a: {  	_ =	swait.ge [sflag:s21], $0x50  }
0x7b: {  	s16 =	simm.s32 $0x28;
	s20 =	smov.u32 s1;
	[sflag:s21] =	ssyncset.done $0x0  }
.LBB2_2:
0x7c: {  	[sflag:s21] =	ssyncadd.s32 $0xFFFFFFB0;
	s1 =	simm.s32 $0x400  }
0x7d: {  	[tilespmem:s1], [sflag:$0x1] =	stream.indirect.gather [hbm4b:s5+s22], $0x80, s4, s22, $0xb8;
	[tilespmem:$0x1E400] =	vst v63  }
0x7e: {  	s13 =	smov.u32 s16;
	_ =	swait.ge [sflag:s24], $0x2800  }
0x7f: {  	p1 =	seq.s32 s13, $0x0;
	[sflag:s24] =	ssyncset.done $0x0  }
0x80: {  	s17 =	simm.s32 $0x200;
	s15 =	simm.s32 @!p1 $0x7;
	[sflag:s24] =	ssyncadd.s32 $0xFFFFD800  }
0x81: {  	[spmem:s2] =	stream.indirect.scatter.add.f32 [tilespmem:s1], [sflag:$0x5], $0x80, s17, s22, $0xb8;
	[tilespmem:$0x1E400] =	vst v63  }
0x82: {  	_ =	swait.ge @!p1 [sflag:s15], $0x2800  }
0x83: {  	[sflag:s15] =	ssyncset.done @!p1 $0x0;
	s1 =	rddreg [dreg:$0x9]  }
0x84: {  	[sflag:s15] =	ssyncadd.s32 @!p1 $0xFFFFD800;
	s15 =	rddreg [dreg:$0x8];
	s1 =	sadd.s32 s13, s1  }
0x85: {  	[tilespmem:s25], [sflag:$0xB] =	stream.linear.gather [hbm4b:s1+s4], $0x50, $0x38;
	[tilespmem:$0x1E400] =	vst v63  }
0x86: {  	s15 =	sadd.s32 s13, s15  }
0x87: {  	[tilespmem:s26], [sflag:$0xB] =	stream.linear.gather [hbm4b:s15+s4], $0x50, $0x38;
	[tilespmem:$0x1E400] =	vst v63  }
0x88: {  	_ =	swait.ge [sflag:s28], $0x50  }
0x89: {  	[sflag:s28] =	ssyncset.done $0x0  }
0x8a: {  	[sflag:s28] =	ssyncadd.s32 $0xFFFFFFB0  }
0x8b: {  	_ =	swait.ge [sflag:s28], $0x50  }
0x8c: {  	[sflag:s28] =	ssyncset.done $0x0  }
0x8d: {  	[sflag:s28] =	ssyncadd.s32 $0xFFFFFFB0  }
0x8e: {  	[tilespmem:s29], [sflag:$0x2] =	stream.indirect.gather [hbm4b:s5+s22], $0x80, s18, s22, $0xb8;
	[tilespmem:$0x1E400] =	vst v63  }
0x8f: {  	_ =	swait.ge [sflag:s30], $0x2800  }
0x90: {  	[sflag:s30] =	ssyncset.done $0x0  }
0x91: {  	s1 =	simm.s32 @!p1 $0x8;
	s18 =	simm.s32 $0x280;
	[sflag:s30] =	ssyncadd.s32 $0xFFFFD800  }
0x92: {  	[spmem:s2] =	stream.indirect.scatter.add.f32 [tilespmem:s29], [sflag:$0x6], $0x80, s18, s22, $0xb8;
	[tilespmem:$0x1E400] =	vst v63  }
0x93: {  	_ =	swait.ge @!p1 [sflag:s1], $0x2800  }
0x94: {  	s15 =	rddreg [dreg:$0x7];
	[sflag:s1] =	ssyncset.done @!p1 $0x0  }
0x95: {  	s18 =	rddreg [dreg:$0x6];
	[sflag:s1] =	ssyncadd.s32 @!p1 $0xFFFFD800;
	s15 =	sadd.s32 s13, s15  }
0x96: {  	[tilespmem:s31], [sflag:$0xC] =	stream.linear.gather [hbm4b:s15+s4], $0x50, $0x38;
	[tilespmem:$0x1E400] =	vst v63  }
0x97: {  	s18 =	sadd.s32 s13, s18  }
0x98: {  	[tilespmem:s0], [sflag:$0xC] =	stream.linear.gather [hbm4b:s18+s4], $0x50, $0x38;
	[tilespmem:$0x1E400] =	vst v63  }
0x99: {  	_ =	swait.ge [sflag:s3], $0x50  }
0x9a: {  	[sflag:s3] =	ssyncset.done $0x0  }
0x9b: {  	[sflag:s3] =	ssyncadd.s32 $0xFFFFFFB0  }
0x9c: {  	_ =	swait.ge [sflag:s3], $0x50  }
0x9d: {  	[sflag:s3] =	ssyncset.done $0x0  }
0x9e: {  	[sflag:s3] =	ssyncadd.s32 $0xFFFFFFB0  }
0x9f: {  	[tilespmem:s7], [sflag:$0x3] =	stream.indirect.gather [hbm4b:s5+s22], $0x80, s25, s22, $0xb8;
	[tilespmem:$0x1E400] =	vst v63  }
0xa0: {  	_ =	swait.ge [sflag:s8], $0x2800  }
0xa1: {  	[sflag:s8] =	ssyncset.done $0x0  }
0xa2: {  	[sflag:s8] =	ssyncadd.s32 $0xFFFFD800  }
0xa3: {  	[spmem:s2] =	stream.indirect.scatter.add.f32 [tilespmem:s7], [sflag:$0x7], $0x80, s26, s22, $0xb8;
	[tilespmem:$0x1E400] =	vst v63  }
0xa4: {  	s20 =	sadd.s32 $0x140, s20;
	_ =	swait.ge [sflag:s9], $0x2800  }
0xa5: {  	s15 =	sshrl.u32 s20, $0x3;
	[sflag:s9] =	ssyncset.done $0x0  }
0xa6: {  	s18 =	sadd.s32 s19, s15;
	[sflag:s9] =	ssyncadd.s32 $0xFFFFD800  }
0xa7: {  	[tilespmem:s4], [sflag:$0x9] =	stream.linear.gather [hbm4b:s18+s4], $0x50, $0x38;
	[tilespmem:$0x1E400] =	vst v63  }
0xa8: {  	s1 =	sadd.s32 s6, s15  }
0xa9: {  	[tilespmem:s17], [sflag:$0x9] =	stream.linear.gather [hbm4b:s1+s4], $0x50, $0x38;
	[tilespmem:$0x1E400] =	vst v63  }
0xaa: {  	_ =	swait.ge [sflag:s10], $0x50  }
0xab: {  	[sflag:s10] =	ssyncset.done $0x0  }
0xac: {  	[sflag:s10] =	ssyncadd.s32 $0xFFFFFFB0  }
0xad: {  	_ =	swait.ge [sflag:s10], $0x50  }
0xae: {  	[sflag:s10] =	ssyncset.done $0x0  }
0xaf: {  	[sflag:s10] =	ssyncadd.s32 $0xFFFFFFB0  }
0xb0: {  	[tilespmem:s11], [sflag:$0x4] =	stream.indirect.gather [hbm4b:s5+s22], $0x80, s31, s22, $0xb8;
	[tilespmem:$0x1E400] =	vst v63  }
0xb1: {  	_ =	swait.ge [sflag:s12], $0x2800  }
0xb2: {  	[sflag:s12] =	ssyncset.done $0x0  }
0xb3: {  	p1 =	seq.s32 s13, $0x4B0;
	[sflag:s12] =	ssyncadd.s32 $0xFFFFD800  }
0xb4: {  	[spmem:s2] =	stream.indirect.scatter.add.f32 [tilespmem:s11], [sflag:$0x8], $0x80, s0, s22, $0xb8;
	[tilespmem:$0x1E400] =	vst v63  }
0xb5: {  	s16 =	sadd.s32 $0x28, s16;
	s18 =	simm.s32 @!p1 $0x0;
	_ =	swait.ge [sflag:s14], $0x2800  }
0xb6: {  	s17 =	simm.s32 @!p1 $0x80;
	s1 =	rddreg [dreg:$0x5];
	[sflag:s14] =	ssyncset.done $0x0  }
0xb7: {  	s15 =	rddreg [dreg:$0x4];
	[sflag:s14] =	ssyncadd.s32 $0xFFFFD800;
	s1 =	sadd.s32 @!p1 s13, s1  }
0xb8: {  	[tilespmem:s17], [sflag:$0xA] =	stream.linear.gather @!p1 [hbm4b:s1+s18], $0x50, $0x38;
	[tilespmem:$0x1E400] =	vst v63  }
0xb9: {  	p0 =	sne.s32 s16, $0x4D8;
	s1 =	sadd.s32 @!p1 s13, s15;
	s13 =	simm.s32 @!p1 $0x280  }
0xba: {  	[tilespmem:s13], [sflag:$0xA] =	stream.linear.gather @!p1 [hbm4b:s1+s18], $0x50, $0x38;
	[tilespmem:$0x1E400] =	vst v63  }
.Ltmp0:
0xbb: {  	_ =	swait.ge [sflag:s21], $0x50;
	(pc) =	sbr.rel @p0 .LBB2_2-.Ltmp0, $4  }
0xbc: {  	[sflag:s21] =	ssyncset.done $0x0  }
0xbd: {  	[sflag:s21] =	ssyncadd.s32 $0xFFFFFFB0  }
0xbe: {  	_ =	swait.ge [sflag:s21], $0x50  }
0xbf: {  	s18 =	simm.s32 $0x80;
	[sflag:s21] =	ssyncset.done $0x0  }
0xc0: {  	[sflag:s21] =	ssyncadd.s32 $0xFFFFFFB0;
	s1 =	simm.s32 $0x400  }
0xc1: {  	[tilespmem:s1], [sflag:$0x1] =	stream.indirect.gather [hbm4b:s5+s22], $0x80, s4, s22, $0xb8;
	[tilespmem:$0x1E400] =	vst v63  }
0xc2: {  	_ =	swait.ge [sflag:s24], $0x2800  }
0xc3: {  	[sflag:s24] =	ssyncset.done $0x0  }
0xc4: {  	[sflag:s24] =	ssyncadd.s32 $0xFFFFD800  }
0xc5: {  	[spmem:s2] =	stream.indirect.scatter.add.f32 [tilespmem:s1], [sflag:$0x5], $0x80, s23, s22, $0xb8;
	[tilespmem:$0x1E400] =	vst v63  }
0xc6: {  	_ =	swait.ge [sflag:s9], $0x2800  }
0xc7: {  	[sflag:s9] =	ssyncset.done $0x0  }
0xc8: {  	s13 =	simm.s32 $0x7;
	[sflag:s9] =	ssyncadd.s32 $0xFFFFD800  }
0xc9: {  	_ =	swait.ge [sflag:s13], $0x2800  }
0xca: {  	[sflag:s13] =	ssyncset.done $0x0  }
0xcb: {  	s15 =	simm.s32 $0x8;
	[sflag:s13] =	ssyncadd.s32 $0xFFFFD800  }
0xcc: {  	_ =	swait.ge [sflag:s15], $0x2800  }
0xcd: {  	[sflag:s15] =	ssyncset.done $0x0  }
0xce: {  	[sflag:s15] =	ssyncadd.s32 $0xFFFFD800  }
0xcf: {  	[bflag:$0x0] =	sbarrier.arrive $0xFFFF  }
0xd0: {  	s13 =	rddreg [dreg:$0x10]  }
0xd1: {  	s16 =	rddreg [dreg:$0x11]  }
0xd2: {  	s15 =	rddreg [dreg:$0x15]  }
0xd3: {  	[hbm:s16], [sflag:s13] =	dma.local [spmem:s15], $0x2800  }
0xd4: {  	s16 =	simm.s32 $0xD  }
0xd5: {  	_ =	swait.ge [sflag:s16], $0x2800  }
0xd6: {  	s17 =	rddreg [dreg:$0x14]  }
0xd7: {  	s20 =	rddreg [dreg:$0x12];
	s15 =	sadd.s32 $0x1, s17  }
0xd8: {  	p0 =	sne.s32 s15, s20  }
.Ltmp1:
0xd9: {  	_ = 	snop;
	(pc) =	sbr.rel @p0 .LBB2_1-.Ltmp1, $3  }
0xda: {  	_ =	sdelay $0x1  }
0xdb: {  	[sflag:s16] =	ssyncset.done $0x0  }
0xdc: {  	[sflag:s16] =	ssyncadd.s32 $0xFFFFD800;
	s17 =	simm.s32 $0x280  }
0xdd: {  	_ =	sfence.sel $0x180000  }
0xde: {  	[bflag:$0x0] =	sbarrier.arrive $0xFFFF  }
0xdf: {  	_ =	strace $0x90000050  }
0xe0: {  	s0 =	stileid.u32;
	[bflag:$0x2] =	sbarrier.arrive $0xFFFF  }
0xe1: {  	p0 =	sne.s32 s0, $0x0;
	s0 =	rddreg [dreg:$0x3]  }
0xe2: {  	s0 =	sadd.s32 @!p0 $0x100000, s0  }
0xe3: {  	[sflag:s0] =	ssyncadd.tile.s32 @!p0 $0x1;
	_ =	shalt  }
.Lfunc_end2:
_tile_overlayer_lowered:
.L_overlay_start_2:
0xe4: {  	(tag) =	ssettag $0x2  }
0xe5: {  	s0 =	rddreg [dreg:$0x0];
	s2 =	stileid.u32  }
0xe6: {  	s1 =	rddreg [dreg:$0x1];
	p0 =	sne.s32 s2, $0x0  }
0xe7: {  	s3 =	rddreg [dreg:$0x2];
	[bflag:$0x3] =	sbarrier.arrive $0xFFFF;
	s2 =	simm.s32 @!p0 $0x1C0D  }
0xe8: {  	[timem:s3], [sflag:s2] =	dma.local @!p0 [hbm:s0], s1  }
0xe9: {  	s0 =	simm.s32 @!p0 $0xD  }
0xea: {  	_ =	swait.ge @!p0 [sflag:s0], s1  }
0xeb: {  	s1 =	ssub.s32 @!p0 $0x0, s1;
	[sflag:s0] =	ssyncset.done @!p0 $0x0  }
0xec: {  	[sflag:s0] =	ssyncadd.s32 @!p0 s1  }
0xed: {  	[bflag:$0x3] =	sbarrier.arrive $0xFFFF  }
0xee: {  	_ =	shalt  }

</sc_bundles>
